<compile_context>
chip_gen: v7x
topology: tpu7x:2x2x1
jax: 0.10.2.dev20260603
libtpu: 0.0.44.dev20260713+nightly
codegen_flags: <defaults>
</compile_context>

<pallas_src>
import functools

import jax
import jax.numpy as jnp
from jax import lax
from jax.experimental import pallas as pl
from jax.experimental.pallas import tpu as pltpu
from jax.experimental.pallas import tpu_sc as plsc

N = 4194304
R = 65536
NC = 2
NS = 16
W = NC * NS
C = N // W
CH = 2048
NCH = C // CH
NB = 4
RT = R // NS


def _sc_body(ids_hbm, r_hbm, g_hbm, b_hbm, w_hbm, zeros_hbm, out_hbm,
             ids_v, r_v, g_v, b_v, w_v, cr_v, cg_v, cb_v,
             acc_r, acc_g, acc_b, sem_in, sem_sc, sem_z):
    cid = lax.axis_index("c")
    sid = lax.axis_index("s")
    wid = cid * NS + sid

    for acc in (acc_r, acc_g, acc_b):
        pltpu.async_copy(zeros_hbm.at[pl.ds(sid * RT, RT)],
                         acc.at[pl.ds(sid * RT, RT)], sem_z).wait()
    plsc.subcore_barrier()

    planes = ((r_hbm, r_v, cr_v, acc_r),
              (g_hbm, g_v, cg_v, acc_g),
              (b_hbm, b_v, cb_v, acc_b))

    def in_copies(p, ch):
        base = wid * C + ch * CH
        copies = [
            pltpu.make_async_copy(ids_hbm.at[pl.ds(base, CH)],
                                  ids_v[p], sem_in[p]),
        ]
        copies.append(pltpu.make_async_copy(w_hbm.at[pl.ds(base, CH)],
                                            w_v[p], sem_in[p]))
        copies.extend(
            pltpu.make_async_copy(x_hbm.at[pl.ds(base, CH)],
                                  x_v[p], sem_in[p])
            for x_hbm, x_v, _, _ in planes)
        return copies

    def issue_in(p, ch):
        for c in in_copies(p, ch):
            c.start()

    def wait_in(p, ch):
        for c in in_copies(p, ch):
            c.wait()

    def compute(p):
        def group(j, _):
            for gg in range(8):
                o = 128 * j + 16 * gg
                w16 = w_v[p][pl.ds(o, 16)]
                for _, x_v, c_v, _ in planes:
                    c_v[p][pl.ds(o, 16)] = x_v[p][pl.ds(o, 16)] * w16
            return 0

        lax.fori_loop(0, CH // 128, group, 0)

    def fire_scatters(p):
        idx = ids_v[p]
        for _, _, c_v, acc in planes:
            pltpu.async_copy(c_v[p], acc.at[idx], sem_sc[p], add=True)

    def drain_scatters(p):
        for _ in range(3):
            pltpu.make_async_copy(w_hbm.at[pl.ds(0, CH)],
                                  w_v[p], sem_sc[p]).wait()

    issue_in(0, 0)
    issue_in(1, 1)

    def quad(t, _):
        for pp in range(NB):
            ch = NB * t + pp
            qq = (pp + 2) % NB

            def prefetch():
                issue_in(qq, ch + 2)

            def drain_and_prefetch():
                drain_scatters(qq)
                prefetch()

            if pp < 2:
                lax.cond(t > 0, drain_and_prefetch, prefetch)
            else:
                drain_scatters(qq)
                lax.cond(ch < NCH - 2, prefetch, lambda: None)
            wait_in(pp, ch)
            compute(pp)
            fire_scatters(pp)
        return 0

    lax.fori_loop(0, NCH // NB, quad, 0)
    drain_scatters((NCH - 2) % NB)
    drain_scatters((NCH - 1) % NB)
    plsc.subcore_barrier()

    for x, (_, _, _, acc) in enumerate(planes):
        pltpu.async_copy(acc.at[pl.ds(sid * RT, RT)],
                         out_hbm.at[cid].at[pl.ds(x * R + sid * RT, RT)],
                         sem_z).wait()


_sc_scatter = functools.partial(
    pl.kernel,
    mesh=plsc.VectorSubcoreMesh(core_axis_name="c", subcore_axis_name="s",
                                num_cores=NC, num_subcores=NS),
    compiler_params=pltpu.CompilerParams(needs_layout_passes=False),
    out_type=jax.ShapeDtypeStruct((NC, 3 * R), jnp.float32),
    scratch_types=[
        [pltpu.VMEM((CH,), jnp.int32)] * NB,
        [pltpu.VMEM((CH,), jnp.float32)] * NB,
        [pltpu.VMEM((CH,), jnp.float32)] * NB,
        [pltpu.VMEM((CH,), jnp.float32)] * NB,
        [pltpu.VMEM((CH,), jnp.float32)] * NB,
        [pltpu.VMEM((CH,), jnp.float32)] * NB,
        [pltpu.VMEM((CH,), jnp.float32)] * NB,
        [pltpu.VMEM((CH,), jnp.float32)] * NB,
        pltpu.VMEM_SHARED((R,), jnp.float32),
        pltpu.VMEM_SHARED((R,), jnp.float32),
        pltpu.VMEM_SHARED((R,), jnp.float32),
        [pltpu.SemaphoreType.DMA] * NB,
        [pltpu.SemaphoreType.DMA] * NB,
        pltpu.SemaphoreType.DMA,
    ],
)(_sc_body)


def _merge_body(p_ref, o_ref):
    o_ref[...] = (p_ref[0] + p_ref[1]).T


def kernel(ray_samples_packed, rgb_samples, weights_samples):
    zeros = jnp.zeros((R,), jnp.float32)
    partial = _sc_scatter(ray_samples_packed,
                          rgb_samples[:, 0], rgb_samples[:, 1],
                          rgb_samples[:, 2], weights_samples[:, 0], zeros)
    return pl.pallas_call(
        _merge_body,
        out_shape=jax.ShapeDtypeStruct((R, 3), jnp.float32),
    )(partial.reshape(NC, 3, R))

# --- scband reference (transcript-rebuilt; emitter-appended) ---
"""Pipeline reference for scband-integrate-color-and-weights-module-10033043603890 (READ-ONLY COPY).

The authoritative reference and input builder live on the scoring server;
editing this copy changes nothing except your own understanding.
"""

import jax, jax.numpy as jnp
import numpy as np

N = 4194304  # total packed samples (~64 samples/ray avg)
R = 65536    # number of rays


def setup_inputs(seed: int = 0) -> dict:
    key = jax.random.key(seed)
    k1, k2, k3 = jax.random.split(key, 3)
    ray_samples_packed = jnp.sort(jax.random.randint(k1, (N,), 0, R))
    rgb_samples = jax.random.uniform(k2, (N, 3), dtype=jnp.float32)
    weights_samples = jax.random.uniform(k3, (N, 1), dtype=jnp.float32)
    return {
        "ray_samples_packed": ray_samples_packed,
        "rgb_samples": rgb_samples,
        "weights_samples": weights_samples,
    }


def reference(ray_samples_packed, rgb_samples, weights_samples):
    # Volumetric rendering color integration: for each ray r,
    #   pred_rgb[r] = sum_{i in samples(r)} weights[i] * rgb[i]
    # ray_samples_packed holds the per-sample ray id (packed/ragged layout).
    contrib = rgb_samples * weights_samples  # [N, 3]
    pred_rgb = jax.ops.segment_sum(contrib, ray_samples_packed, num_segments=R)
    return pred_rgb  # [R, 3]

if __name__ == "__main__":
    import jax
    _d = setup_inputs()
    print(jax.jit(kernel)(*tuple(_d.values())))

</pallas_src>

<mosaic_0001>
#map = affine_map<(d0, d1) -> (0)>
#map1 = affine_map<(d0, d1) -> (0, 0)>
module attributes {stable_mosaic.version = 14 : i64} {
  func.func @_sc_body(%arg0: i32, %arg1: i32, %arg2: memref<4194304xi32, #tpu.memory_space<hbm>>, %arg3: memref<4194304xf32, #tpu.memory_space<hbm>>, %arg4: memref<4194304xf32, #tpu.memory_space<hbm>>, %arg5: memref<4194304xf32, #tpu.memory_space<hbm>>, %arg6: memref<4194304xf32, #tpu.memory_space<hbm>>, %arg7: memref<65536xf32, #tpu.memory_space<hbm>>, %arg8: memref<2x196608xf32, #tpu.memory_space<hbm>>, %arg9: memref<2048xi32, #tpu.memory_space<vmem>>, %arg10: memref<2048xi32, #tpu.memory_space<vmem>>, %arg11: memref<2048xi32, #tpu.memory_space<vmem>>, %arg12: memref<2048xi32, #tpu.memory_space<vmem>>, %arg13: memref<2048xf32, #tpu.memory_space<vmem>>, %arg14: memref<2048xf32, #tpu.memory_space<vmem>>, %arg15: memref<2048xf32, #tpu.memory_space<vmem>>, %arg16: memref<2048xf32, #tpu.memory_space<vmem>>, %arg17: memref<2048xf32, #tpu.memory_space<vmem>>, %arg18: memref<2048xf32, #tpu.memory_space<vmem>>, %arg19: memref<2048xf32, #tpu.memory_space<vmem>>, %arg20: memref<2048xf32, #tpu.memory_space<vmem>>, %arg21: memref<2048xf32, #tpu.memory_space<vmem>>, %arg22: memref<2048xf32, #tpu.memory_space<vmem>>, %arg23: memref<2048xf32, #tpu.memory_space<vmem>>, %arg24: memref<2048xf32, #tpu.memory_space<vmem>>, %arg25: memref<2048xf32, #tpu.memory_space<vmem>>, %arg26: memref<2048xf32, #tpu.memory_space<vmem>>, %arg27: memref<2048xf32, #tpu.memory_space<vmem>>, %arg28: memref<2048xf32, #tpu.memory_space<vmem>>, %arg29: memref<2048xf32, #tpu.memory_space<vmem>>, %arg30: memref<2048xf32, #tpu.memory_space<vmem>>, %arg31: memref<2048xf32, #tpu.memory_space<vmem>>, %arg32: memref<2048xf32, #tpu.memory_space<vmem>>, %arg33: memref<2048xf32, #tpu.memory_space<vmem>>, %arg34: memref<2048xf32, #tpu.memory_space<vmem>>, %arg35: memref<2048xf32, #tpu.memory_space<vmem>>, %arg36: memref<2048xf32, #tpu.memory_space<vmem>>, %arg37: memref<2048xf32, #tpu.memory_space<vmem>>, %arg38: memref<2048xf32, #tpu.memory_space<vmem>>, %arg39: memref<2048xf32, #tpu.memory_space<vmem>>, %arg40: memref<2048xf32, #tpu.memory_space<vmem>>, %arg41: memref<65536xf32, #tpu.memory_space<vmem_shared>>, %arg42: memref<65536xf32, #tpu.memory_space<vmem_shared>>, %arg43: memref<65536xf32, #tpu.memory_space<vmem_shared>>, %arg44: memref<!tpu.dma_semaphore, #tpu.memory_space<semaphore_mem>>, %arg45: memref<!tpu.dma_semaphore, #tpu.memory_space<semaphore_mem>>, %arg46: memref<!tpu.dma_semaphore, #tpu.memory_space<semaphore_mem>>, %arg47: memref<!tpu.dma_semaphore, #tpu.memory_space<semaphore_mem>>, %arg48: memref<!tpu.dma_semaphore, #tpu.memory_space<semaphore_mem>>, %arg49: memref<!tpu.dma_semaphore, #tpu.memory_space<semaphore_mem>>, %arg50: memref<!tpu.dma_semaphore, #tpu.memory_space<semaphore_mem>>, %arg51: memref<!tpu.dma_semaphore, #tpu.memory_space<semaphore_mem>>, %arg52: memref<!tpu.dma_semaphore, #tpu.memory_space<semaphore_mem>>) attributes {dimension_semantics = [#tpu.dimension_semantics<core_parallel>, #tpu.dimension_semantics<subcore_parallel>], iteration_bounds = array<i64: 2, 16>, scalar_prefetch = 0 : i64, scratch_operands = 44 : i64, tpu.core_type = #tpu.core_type<sc_vector_subcore>, window_params = [{transform_indices = #map}, {transform_indices = #map}, {transform_indices = #map}, {transform_indices = #map}, {transform_indices = #map}, {transform_indices = #map}, {transform_indices = #map1}]} {
    %mul3A = arith.constant 16 : i32
    %mul3A_0 = arith.muli %arg0, %mul3A : i32
    %add3A = arith.addi %mul3A_0, %arg1 : i32
    %mul3A_1 = arith.constant 4096 : i32
    %mul3A_2 = arith.muli %arg1, %mul3A_1 : i32
    %mul3A_3 = arith.constant 4096 : i32
    %mul3A_4 = arith.muli %arg1, %mul3A_3 : i32
    %dma_start3A = tpu.memref_slice %arg41[%mul3A_4] : memref<65536xf32, #tpu.memory_space<vmem_shared>> -> memref<4096xf32, #tpu.memory_space<vmem_shared>>
    %dma_start3A_5 = tpu.memref_slice %arg7[%mul3A_2] : memref<65536xf32, #tpu.memory_space<hbm>> -> memref<4096xf32, #tpu.memory_space<hbm>>
    tpu.enqueue_dma source(%dma_start3A_5 : memref<4096xf32, #tpu.memory_space<hbm>>) target(%dma_start3A : memref<4096xf32, #tpu.memory_space<vmem_shared>>) target_semaphore(%arg52 : memref<!tpu.dma_semaphore, #tpu.memory_space<semaphore_mem>>)
    %dma_wait3A = tpu.memref_slice %arg41[%mul3A_4] : memref<65536xf32, #tpu.memory_space<vmem_shared>> -> memref<4096xf32, #tpu.memory_space<vmem_shared>>
    %dma_wait3A_6 = tpu.memref_slice %arg7[%mul3A_2] : memref<65536xf32, #tpu.memory_space<hbm>> -> memref<4096xf32, #tpu.memory_space<hbm>>
    tpu.wait_dma2 semaphore(%arg52 : memref<!tpu.dma_semaphore, #tpu.memory_space<semaphore_mem>>) src(%dma_wait3A_6 : memref<4096xf32, #tpu.memory_space<hbm>>) dst(%dma_wait3A : memref<4096xf32, #tpu.memory_space<vmem_shared>>)
    %mul3A_7 = arith.constant 4096 : i32
    %mul3A_8 = arith.muli %arg1, %mul3A_7 : i32
    %mul3A_9 = arith.constant 4096 : i32
    %mul3A_10 = arith.muli %arg1, %mul3A_9 : i32
    %dma_start3A_11 = tpu.memref_slice %arg42[%mul3A_10] : memref<65536xf32, #tpu.memory_space<vmem_shared>> -> memref<4096xf32, #tpu.memory_space<vmem_shared>>
    %dma_start3A_12 = tpu.memref_slice %arg7[%mul3A_8] : memref<65536xf32, #tpu.memory_space<hbm>> -> memref<4096xf32, #tpu.memory_space<hbm>>
    tpu.enqueue_dma source(%dma_start3A_12 : memref<4096xf32, #tpu.memory_space<hbm>>) target(%dma_start3A_11 : memref<4096xf32, #tpu.memory_space<vmem_shared>>) target_semaphore(%arg52 : memref<!tpu.dma_semaphore, #tpu.memory_space<semaphore_mem>>)
    %dma_wait3A_13 = tpu.memref_slice %arg42[%mul3A_10] : memref<65536xf32, #tpu.memory_space<vmem_shared>> -> memref<4096xf32, #tpu.memory_space<vmem_shared>>
    %dma_wait3A_14 = tpu.memref_slice %arg7[%mul3A_8] : memref<65536xf32, #tpu.memory_space<hbm>> -> memref<4096xf32, #tpu.memory_space<hbm>>
    tpu.wait_dma2 semaphore(%arg52 : memref<!tpu.dma_semaphore, #tpu.memory_space<semaphore_mem>>) src(%dma_wait3A_14 : memref<4096xf32, #tpu.memory_space<hbm>>) dst(%dma_wait3A_13 : memref<4096xf32, #tpu.memory_space<vmem_shared>>)
    %mul3A_15 = arith.constant 4096 : i32
    %mul3A_16 = arith.muli %arg1, %mul3A_15 : i32
    %mul3A_17 = arith.constant 4096 : i32
    %mul3A_18 = arith.muli %arg1, %mul3A_17 : i32
    %dma_start3A_19 = tpu.memref_slice %arg43[%mul3A_18] : memref<65536xf32, #tpu.memory_space<vmem_shared>> -> memref<4096xf32, #tpu.memory_space<vmem_shared>>
    %dma_start3A_20 = tpu.memref_slice %arg7[%mul3A_16] : memref<65536xf32, #tpu.memory_space<hbm>> -> memref<4096xf32, #tpu.memory_space<hbm>>
    tpu.enqueue_dma source(%dma_start3A_20 : memref<4096xf32, #tpu.memory_space<hbm>>) target(%dma_start3A_19 : memref<4096xf32, #tpu.memory_space<vmem_shared>>) target_semaphore(%arg52 : memref<!tpu.dma_semaphore, #tpu.memory_space<semaphore_mem>>)
    %dma_wait3A_21 = tpu.memref_slice %arg43[%mul3A_18] : memref<65536xf32, #tpu.memory_space<vmem_shared>> -> memref<4096xf32, #tpu.memory_space<vmem_shared>>
    %dma_wait3A_22 = tpu.memref_slice %arg7[%mul3A_16] : memref<65536xf32, #tpu.memory_space<hbm>> -> memref<4096xf32, #tpu.memory_space<hbm>>
    tpu.wait_dma2 semaphore(%arg52 : memref<!tpu.dma_semaphore, #tpu.memory_space<semaphore_mem>>) src(%dma_wait3A_22 : memref<4096xf32, #tpu.memory_space<hbm>>) dst(%dma_wait3A_21 : memref<4096xf32, #tpu.memory_space<vmem_shared>>)
    %barrier3A = arith.constant 0 : index
    tpu.barrier barrier_id(%barrier3A)
    %mul3A_23 = arith.constant 131072 : i32
    %mul3A_24 = arith.muli %add3A, %mul3A_23 : i32
    %add3A_25 = arith.constant 0 : i32
    %add3A_26 = arith.addi %mul3A_24, %add3A_25 : i32
    %dma_start3A_27 = tpu.memref_slice %arg2[%add3A_26] : memref<4194304xi32, #tpu.memory_space<hbm>> -> memref<2048xi32, #tpu.memory_space<hbm>>
    %dma_start3A_28 = tpu.memref_slice %arg2[%add3A_26] : memref<4194304xi32, #tpu.memory_space<hbm>> -> memref<2048xi32, #tpu.memory_space<hbm>>
    tpu.enqueue_dma source(%dma_start3A_28 : memref<2048xi32, #tpu.memory_space<hbm>>) target(%arg9 : memref<2048xi32, #tpu.memory_space<vmem>>) target_semaphore(%arg44 : memref<!tpu.dma_semaphore, #tpu.memory_space<semaphore_mem>>)
    %dma_start3A_29 = tpu.memref_slice %arg6[%add3A_26] : memref<4194304xf32, #tpu.memory_space<hbm>> -> memref<2048xf32, #tpu.memory_space<hbm>>
    %dma_start3A_30 = tpu.memref_slice %arg6[%add3A_26] : memref<4194304xf32, #tpu.memory_space<hbm>> -> memref<2048xf32, #tpu.memory_space<hbm>>
    tpu.enqueue_dma source(%dma_start3A_30 : memref<2048xf32, #tpu.memory_space<hbm>>) target(%arg25 : memref<2048xf32, #tpu.memory_space<vmem>>) target_semaphore(%arg44 : memref<!tpu.dma_semaphore, #tpu.memory_space<semaphore_mem>>)
    %dma_start3A_31 = tpu.memref_slice %arg3[%add3A_26] : memref<4194304xf32, #tpu.memory_space<hbm>> -> memref<2048xf32, #tpu.memory_space<hbm>>
    %dma_start3A_32 = tpu.memref_slice %arg3[%add3A_26] : memref<4194304xf32, #tpu.memory_space<hbm>> -> memref<2048xf32, #tpu.memory_space<hbm>>
    tpu.enqueue_dma source(%dma_start3A_32 : memref<2048xf32, #tpu.memory_space<hbm>>) target(%arg13 : memref<2048xf32, #tpu.memory_space<vmem>>) target_semaphore(%arg44 : memref<!tpu.dma_semaphore, #tpu.memory_space<semaphore_mem>>)
    %dma_start3A_33 = tpu.memref_slice %arg4[%add3A_26] : memref<4194304xf32, #tpu.memory_space<hbm>> -> memref<2048xf32, #tpu.memory_space<hbm>>
    %dma_start3A_34 = tpu.memref_slice %arg4[%add3A_26] : memref<4194304xf32, #tpu.memory_space<hbm>> -> memref<2048xf32, #tpu.memory_space<hbm>>
    tpu.enqueue_dma source(%dma_start3A_34 : memref<2048xf32, #tpu.memory_space<hbm>>) target(%arg17 : memref<2048xf32, #tpu.memory_space<vmem>>) target_semaphore(%arg44 : memref<!tpu.dma_semaphore, #tpu.memory_space<semaphore_mem>>)
    %dma_start3A_35 = tpu.memref_slice %arg5[%add3A_26] : memref<4194304xf32, #tpu.memory_space<hbm>> -> memref<2048xf32, #tpu.memory_space<hbm>>
    %dma_start3A_36 = tpu.memref_slice %arg5[%add3A_26] : memref<4194304xf32, #tpu.memory_space<hbm>> -> memref<2048xf32, #tpu.memory_space<hbm>>
    tpu.enqueue_dma source(%dma_start3A_36 : memref<2048xf32, #tpu.memory_space<hbm>>) target(%arg21 : memref<2048xf32, #tpu.memory_space<vmem>>) target_semaphore(%arg44 : memref<!tpu.dma_semaphore, #tpu.memory_space<semaphore_mem>>)
    %mul3A_37 = arith.constant 131072 : i32
    %mul3A_38 = arith.muli %add3A, %mul3A_37 : i32
    %add3A_39 = arith.constant 2048 : i32
    %add3A_40 = arith.addi %mul3A_38, %add3A_39 : i32
    %dma_start3A_41 = tpu.memref_slice %arg2[%add3A_40] : memref<4194304xi32, #tpu.memory_space<hbm>> -> memref<2048xi32, #tpu.memory_space<hbm>>
    %dma_start3A_42 = tpu.memref_slice %arg2[%add3A_40] : memref<4194304xi32, #tpu.memory_space<hbm>> -> memref<2048xi32, #tpu.memory_space<hbm>>
    tpu.enqueue_dma source(%dma_start3A_42 : memref<2048xi32, #tpu.memory_space<hbm>>) target(%arg10 : memref<2048xi32, #tpu.memory_space<vmem>>) target_semaphore(%arg45 : memref<!tpu.dma_semaphore, #tpu.memory_space<semaphore_mem>>)
    %dma_start3A_43 = tpu.memref_slice %arg6[%add3A_40] : memref<4194304xf32, #tpu.memory_space<hbm>> -> memref<2048xf32, #tpu.memory_space<hbm>>
    %dma_start3A_44 = tpu.memref_slice %arg6[%add3A_40] : memref<4194304xf32, #tpu.memory_space<hbm>> -> memref<2048xf32, #tpu.memory_space<hbm>>
    tpu.enqueue_dma source(%dma_start3A_44 : memref<2048xf32, #tpu.memory_space<hbm>>) target(%arg26 : memref<2048xf32, #tpu.memory_space<vmem>>) target_semaphore(%arg45 : memref<!tpu.dma_semaphore, #tpu.memory_space<semaphore_mem>>)
    %dma_start3A_45 = tpu.memref_slice %arg3[%add3A_40] : memref<4194304xf32, #tpu.memory_space<hbm>> -> memref<2048xf32, #tpu.memory_space<hbm>>
    %dma_start3A_46 = tpu.memref_slice %arg3[%add3A_40] : memref<4194304xf32, #tpu.memory_space<hbm>> -> memref<2048xf32, #tpu.memory_space<hbm>>
    tpu.enqueue_dma source(%dma_start3A_46 : memref<2048xf32, #tpu.memory_space<hbm>>) target(%arg14 : memref<2048xf32, #tpu.memory_space<vmem>>) target_semaphore(%arg45 : memref<!tpu.dma_semaphore, #tpu.memory_space<semaphore_mem>>)
    %dma_start3A_47 = tpu.memref_slice %arg4[%add3A_40] : memref<4194304xf32, #tpu.memory_space<hbm>> -> memref<2048xf32, #tpu.memory_space<hbm>>
    %dma_start3A_48 = tpu.memref_slice %arg4[%add3A_40] : memref<4194304xf32, #tpu.memory_space<hbm>> -> memref<2048xf32, #tpu.memory_space<hbm>>
    tpu.enqueue_dma source(%dma_start3A_48 : memref<2048xf32, #tpu.memory_space<hbm>>) target(%arg18 : memref<2048xf32, #tpu.memory_space<vmem>>) target_semaphore(%arg45 : memref<!tpu.dma_semaphore, #tpu.memory_space<semaphore_mem>>)
    %dma_start3A_49 = tpu.memref_slice %arg5[%add3A_40] : memref<4194304xf32, #tpu.memory_space<hbm>> -> memref<2048xf32, #tpu.memory_space<hbm>>
    %dma_start3A_50 = tpu.memref_slice %arg5[%add3A_40] : memref<4194304xf32, #tpu.memory_space<hbm>> -> memref<2048xf32, #tpu.memory_space<hbm>>
    tpu.enqueue_dma source(%dma_start3A_50 : memref<2048xf32, #tpu.memory_space<hbm>>) target(%arg22 : memref<2048xf32, #tpu.memory_space<vmem>>) target_semaphore(%arg45 : memref<!tpu.dma_semaphore, #tpu.memory_space<semaphore_mem>>)
    %scan3A = arith.constant 0 : i32
    %scan3A_51 = arith.constant 0 : i32
    %scan3A_52 = arith.constant 16 : i32
    %scan3A_53 = arith.addi %scan3A_51, %scan3A_52 : i32
    %scan3A_54 = arith.constant 1 : i32
    %scan3A_55 = scf.for %scan3A_130 = %scan3A_51 to %scan3A_53 step %scan3A_54 iter_args(%scan3A_131 = %scan3A) -> (i32)  : i32 {
      %mul3A_132 = arith.constant 4 : i32
      %mul3A_133 = arith.muli %mul3A_132, %scan3A_130 : i32
      %add3A_134 = arith.constant 0 : i32
      %add3A_135 = arith.addi %mul3A_133, %add3A_134 : i32
      %gt3A = arith.constant 0 : i32
      %gt3A_136 = arith.cmpi sgt, %scan3A_130, %gt3A : i32
      %convert_element_type3A = arith.extui %gt3A_136 : i1 to i32
      %cond3A = arith.constant 0 : i32
      %cond3A_137 = arith.cmpi ne, %convert_element_type3A, %cond3A : i32
      scf.if %cond3A_137 {
        %dma_wait3A_301 = arith.constant 0 : i32
        %dma_wait3A_302 = tpu.memref_slice %arg6[%dma_wait3A_301] : memref<4194304xf32, #tpu.memory_space<hbm>> -> memref<2048xf32, #tpu.memory_space<hbm>>
        %dma_wait3A_303 = arith.constant 0 : i32
        %dma_wait3A_304 = tpu.memref_slice %arg6[%dma_wait3A_303] : memref<4194304xf32, #tpu.memory_space<hbm>> -> memref<2048xf32, #tpu.memory_space<hbm>>
        tpu.wait_dma2 semaphore(%arg50 : memref<!tpu.dma_semaphore, #tpu.memory_space<semaphore_mem>>) src(%dma_wait3A_304 : memref<2048xf32, #tpu.memory_space<hbm>>) dst(%arg27 : memref<2048xf32, #tpu.memory_space<vmem>>)
        %dma_wait3A_305 = arith.constant 0 : i32
        %dma_wait3A_306 = tpu.memref_slice %arg6[%dma_wait3A_305] : memref<4194304xf32, #tpu.memory_space<hbm>> -> memref<2048xf32, #tpu.memory_space<hbm>>
        %dma_wait3A_307 = arith.constant 0 : i32
        %dma_wait3A_308 = tpu.memref_slice %arg6[%dma_wait3A_307] : memref<4194304xf32, #tpu.memory_space<hbm>> -> memref<2048xf32, #tpu.memory_space<hbm>>
        tpu.wait_dma2 semaphore(%arg50 : memref<!tpu.dma_semaphore, #tpu.memory_space<semaphore_mem>>) src(%dma_wait3A_308 : memref<2048xf32, #tpu.memory_space<hbm>>) dst(%arg27 : memref<2048xf32, #tpu.memory_space<vmem>>)
        %dma_wait3A_309 = arith.constant 0 : i32
        %dma_wait3A_310 = tpu.memref_slice %arg6[%dma_wait3A_309] : memref<4194304xf32, #tpu.memory_space<hbm>> -> memref<2048xf32, #tpu.memory_space<hbm>>
        %dma_wait3A_311 = arith.constant 0 : i32
        %dma_wait3A_312 = tpu.memref_slice %arg6[%dma_wait3A_311] : memref<4194304xf32, #tpu.memory_space<hbm>> -> memref<2048xf32, #tpu.memory_space<hbm>>
        tpu.wait_dma2 semaphore(%arg50 : memref<!tpu.dma_semaphore, #tpu.memory_space<semaphore_mem>>) src(%dma_wait3A_312 : memref<2048xf32, #tpu.memory_space<hbm>>) dst(%arg27 : memref<2048xf32, #tpu.memory_space<vmem>>)
        %add3A_313 = arith.constant 2 : i32
        %add3A_314 = arith.addi %add3A_135, %add3A_313 : i32
        %mul3A_315 = arith.constant 131072 : i32
        %mul3A_316 = arith.muli %add3A, %mul3A_315 : i32
        %mul3A_317 = arith.constant 2048 : i32
        %mul3A_318 = arith.muli %add3A_314, %mul3A_317 : i32
        %add3A_319 = arith.addi %mul3A_316, %mul3A_318 : i32
        %dma_start3A_320 = tpu.memref_slice %arg2[%add3A_319] : memref<4194304xi32, #tpu.memory_space<hbm>> -> memref<2048xi32, #tpu.memory_space<hbm>>
        %dma_start3A_321 = tpu.memref_slice %arg2[%add3A_319] : memref<4194304xi32, #tpu.memory_space<hbm>> -> memref<2048xi32, #tpu.memory_space<hbm>>
        tpu.enqueue_dma source(%dma_start3A_321 : memref<2048xi32, #tpu.memory_space<hbm>>) target(%arg11 : memref<2048xi32, #tpu.memory_space<vmem>>) target_semaphore(%arg46 : memref<!tpu.dma_semaphore, #tpu.memory_space<semaphore_mem>>)
        %dma_start3A_322 = tpu.memref_slice %arg6[%add3A_319] : memref<4194304xf32, #tpu.memory_space<hbm>> -> memref<2048xf32, #tpu.memory_space<hbm>>
        %dma_start3A_323 = tpu.memref_slice %arg6[%add3A_319] : memref<4194304xf32, #tpu.memory_space<hbm>> -> memref<2048xf32, #tpu.memory_space<hbm>>
        tpu.enqueue_dma source(%dma_start3A_323 : memref<2048xf32, #tpu.memory_space<hbm>>) target(%arg27 : memref<2048xf32, #tpu.memory_space<vmem>>) target_semaphore(%arg46 : memref<!tpu.dma_semaphore, #tpu.memory_space<semaphore_mem>>)
        %dma_start3A_324 = tpu.memref_slice %arg3[%add3A_319] : memref<4194304xf32, #tpu.memory_space<hbm>> -> memref<2048xf32, #tpu.memory_space<hbm>>
        %dma_start3A_325 = tpu.memref_slice %arg3[%add3A_319] : memref<4194304xf32, #tpu.memory_space<hbm>> -> memref<2048xf32, #tpu.memory_space<hbm>>
        tpu.enqueue_dma source(%dma_start3A_325 : memref<2048xf32, #tpu.memory_space<hbm>>) target(%arg15 : memref<2048xf32, #tpu.memory_space<vmem>>) target_semaphore(%arg46 : memref<!tpu.dma_semaphore, #tpu.memory_space<semaphore_mem>>)
        %dma_start3A_326 = tpu.memref_slice %arg4[%add3A_319] : memref<4194304xf32, #tpu.memory_space<hbm>> -> memref<2048xf32, #tpu.memory_space<hbm>>
        %dma_start3A_327 = tpu.memref_slice %arg4[%add3A_319] : memref<4194304xf32, #tpu.memory_space<hbm>> -> memref<2048xf32, #tpu.memory_space<hbm>>
        tpu.enqueue_dma source(%dma_start3A_327 : memref<2048xf32, #tpu.memory_space<hbm>>) target(%arg19 : memref<2048xf32, #tpu.memory_space<vmem>>) target_semaphore(%arg46 : memref<!tpu.dma_semaphore, #tpu.memory_space<semaphore_mem>>)
        %dma_start3A_328 = tpu.memref_slice %arg5[%add3A_319] : memref<4194304xf32, #tpu.memory_space<hbm>> -> memref<2048xf32, #tpu.memory_space<hbm>>
        %dma_start3A_329 = tpu.memref_slice %arg5[%add3A_319] : memref<4194304xf32, #tpu.memory_space<hbm>> -> memref<2048xf32, #tpu.memory_space<hbm>>
        tpu.enqueue_dma source(%dma_start3A_329 : memref<2048xf32, #tpu.memory_space<hbm>>) target(%arg23 : memref<2048xf32, #tpu.memory_space<vmem>>) target_semaphore(%arg46 : memref<!tpu.dma_semaphore, #tpu.memory_space<semaphore_mem>>)
      } else {
        %add3A_301 = arith.constant 2 : i32
        %add3A_302 = arith.addi %add3A_135, %add3A_301 : i32
        %mul3A_303 = arith.constant 131072 : i32
        %mul3A_304 = arith.muli %add3A, %mul3A_303 : i32
        %mul3A_305 = arith.constant 2048 : i32
        %mul3A_306 = arith.muli %add3A_302, %mul3A_305 : i32
        %add3A_307 = arith.addi %mul3A_304, %mul3A_306 : i32
        %dma_start3A_308 = tpu.memref_slice %arg2[%add3A_307] : memref<4194304xi32, #tpu.memory_space<hbm>> -> memref<2048xi32, #tpu.memory_space<hbm>>
        %dma_start3A_309 = tpu.memref_slice %arg2[%add3A_307] : memref<4194304xi32, #tpu.memory_space<hbm>> -> memref<2048xi32, #tpu.memory_space<hbm>>
        tpu.enqueue_dma source(%dma_start3A_309 : memref<2048xi32, #tpu.memory_space<hbm>>) target(%arg11 : memref<2048xi32, #tpu.memory_space<vmem>>) target_semaphore(%arg46 : memref<!tpu.dma_semaphore, #tpu.memory_space<semaphore_mem>>)
        %dma_start3A_310 = tpu.memref_slice %arg6[%add3A_307] : memref<4194304xf32, #tpu.memory_space<hbm>> -> memref<2048xf32, #tpu.memory_space<hbm>>
        %dma_start3A_311 = tpu.memref_slice %arg6[%add3A_307] : memref<4194304xf32, #tpu.memory_space<hbm>> -> memref<2048xf32, #tpu.memory_space<hbm>>
        tpu.enqueue_dma source(%dma_start3A_311 : memref<2048xf32, #tpu.memory_space<hbm>>) target(%arg27 : memref<2048xf32, #tpu.memory_space<vmem>>) target_semaphore(%arg46 : memref<!tpu.dma_semaphore, #tpu.memory_space<semaphore_mem>>)
        %dma_start3A_312 = tpu.memref_slice %arg3[%add3A_307] : memref<4194304xf32, #tpu.memory_space<hbm>> -> memref<2048xf32, #tpu.memory_space<hbm>>
        %dma_start3A_313 = tpu.memref_slice %arg3[%add3A_307] : memref<4194304xf32, #tpu.memory_space<hbm>> -> memref<2048xf32, #tpu.memory_space<hbm>>
        tpu.enqueue_dma source(%dma_start3A_313 : memref<2048xf32, #tpu.memory_space<hbm>>) target(%arg15 : memref<2048xf32, #tpu.memory_space<vmem>>) target_semaphore(%arg46 : memref<!tpu.dma_semaphore, #tpu.memory_space<semaphore_mem>>)
        %dma_start3A_314 = tpu.memref_slice %arg4[%add3A_307] : memref<4194304xf32, #tpu.memory_space<hbm>> -> memref<2048xf32, #tpu.memory_space<hbm>>
        %dma_start3A_315 = tpu.memref_slice %arg4[%add3A_307] : memref<4194304xf32, #tpu.memory_space<hbm>> -> memref<2048xf32, #tpu.memory_space<hbm>>
        tpu.enqueue_dma source(%dma_start3A_315 : memref<2048xf32, #tpu.memory_space<hbm>>) target(%arg19 : memref<2048xf32, #tpu.memory_space<vmem>>) target_semaphore(%arg46 : memref<!tpu.dma_semaphore, #tpu.memory_space<semaphore_mem>>)
        %dma_start3A_316 = tpu.memref_slice %arg5[%add3A_307] : memref<4194304xf32, #tpu.memory_space<hbm>> -> memref<2048xf32, #tpu.memory_space<hbm>>
        %dma_start3A_317 = tpu.memref_slice %arg5[%add3A_307] : memref<4194304xf32, #tpu.memory_space<hbm>> -> memref<2048xf32, #tpu.memory_space<hbm>>
        tpu.enqueue_dma source(%dma_start3A_317 : memref<2048xf32, #tpu.memory_space<hbm>>) target(%arg23 : memref<2048xf32, #tpu.memory_space<vmem>>) target_semaphore(%arg46 : memref<!tpu.dma_semaphore, #tpu.memory_space<semaphore_mem>>)
      }
      %mul3A_138 = arith.constant 131072 : i32
      %mul3A_139 = arith.muli %add3A, %mul3A_138 : i32
      %mul3A_140 = arith.constant 2048 : i32
      %mul3A_141 = arith.muli %add3A_135, %mul3A_140 : i32
      %add3A_142 = arith.addi %mul3A_139, %mul3A_141 : i32
      %dma_wait3A_143 = tpu.memref_slice %arg2[%add3A_142] : memref<4194304xi32, #tpu.memory_space<hbm>> -> memref<2048xi32, #tpu.memory_space<hbm>>
      %dma_wait3A_144 = tpu.memref_slice %arg2[%add3A_142] : memref<4194304xi32, #tpu.memory_space<hbm>> -> memref<2048xi32, #tpu.memory_space<hbm>>
      tpu.wait_dma2 semaphore(%arg44 : memref<!tpu.dma_semaphore, #tpu.memory_space<semaphore_mem>>) src(%dma_wait3A_144 : memref<2048xi32, #tpu.memory_space<hbm>>) dst(%arg9 : memref<2048xi32, #tpu.memory_space<vmem>>)
      %dma_wait3A_145 = tpu.memref_slice %arg6[%add3A_142] : memref<4194304xf32, #tpu.memory_space<hbm>> -> memref<2048xf32, #tpu.memory_space<hbm>>
      %dma_wait3A_146 = tpu.memref_slice %arg6[%add3A_142] : memref<4194304xf32, #tpu.memory_space<hbm>> -> memref<2048xf32, #tpu.memory_space<hbm>>
      tpu.wait_dma2 semaphore(%arg44 : memref<!tpu.dma_semaphore, #tpu.memory_space<semaphore_mem>>) src(%dma_wait3A_146 : memref<2048xf32, #tpu.memory_space<hbm>>) dst(%arg25 : memref<2048xf32, #tpu.memory_space<vmem>>)
      %dma_wait3A_147 = tpu.memref_slice %arg3[%add3A_142] : memref<4194304xf32, #tpu.memory_space<hbm>> -> memref<2048xf32, #tpu.memory_space<hbm>>
      %dma_wait3A_148 = tpu.memref_slice %arg3[%add3A_142] : memref<4194304xf32, #tpu.memory_space<hbm>> -> memref<2048xf32, #tpu.memory_space<hbm>>
      tpu.wait_dma2 semaphore(%arg44 : memref<!tpu.dma_semaphore, #tpu.memory_space<semaphore_mem>>) src(%dma_wait3A_148 : memref<2048xf32, #tpu.memory_space<hbm>>) dst(%arg13 : memref<2048xf32, #tpu.memory_space<vmem>>)
      %dma_wait3A_149 = tpu.memref_slice %arg4[%add3A_142] : memref<4194304xf32, #tpu.memory_space<hbm>> -> memref<2048xf32, #tpu.memory_space<hbm>>
      %dma_wait3A_150 = tpu.memref_slice %arg4[%add3A_142] : memref<4194304xf32, #tpu.memory_space<hbm>> -> memref<2048xf32, #tpu.memory_space<hbm>>
      tpu.wait_dma2 semaphore(%arg44 : memref<!tpu.dma_semaphore, #tpu.memory_space<semaphore_mem>>) src(%dma_wait3A_150 : memref<2048xf32, #tpu.memory_space<hbm>>) dst(%arg17 : memref<2048xf32, #tpu.memory_space<vmem>>)
      %dma_wait3A_151 = tpu.memref_slice %arg5[%add3A_142] : memref<4194304xf32, #tpu.memory_space<hbm>> -> memref<2048xf32, #tpu.memory_space<hbm>>
      %dma_wait3A_152 = tpu.memref_slice %arg5[%add3A_142] : memref<4194304xf32, #tpu.memory_space<hbm>> -> memref<2048xf32, #tpu.memory_space<hbm>>
      tpu.wait_dma2 semaphore(%arg44 : memref<!tpu.dma_semaphore, #tpu.memory_space<semaphore_mem>>) src(%dma_wait3A_152 : memref<2048xf32, #tpu.memory_space<hbm>>) dst(%arg21 : memref<2048xf32, #tpu.memory_space<vmem>>)
      %scan3A_153 = arith.constant 0 : i32
      %scan3A_154 = arith.constant 0 : i32
      %scan3A_155 = arith.constant 16 : i32
      %scan3A_156 = arith.addi %scan3A_154, %scan3A_155 : i32
      %scan3A_157 = arith.constant 1 : i32
      %scan3A_158 = scf.for %scan3A_301 = %scan3A_154 to %scan3A_156 step %scan3A_157 iter_args(%scan3A_302 = %scan3A_153) -> (i32)  : i32 {
        %mul3A_303 = arith.constant 128 : i32
        %mul3A_304 = arith.muli %mul3A_303, %scan3A_301 : i32
        %add3A_305 = arith.constant 0 : i32
        %add3A_306 = arith.addi %mul3A_304, %add3A_305 : i32
        %get3A = arith.index_cast %add3A_306 : i32 to index
        %get3A_307 = tpu.vector_load %arg25[%get3A] {strides = array<i32>} : memref<2048xf32, #tpu.memory_space<vmem>>, vector<16xf32>,
        %get3A_308 = arith.index_cast %add3A_306 : i32 to index
        %get3A_309 = tpu.vector_load %arg13[%get3A_308] {strides = array<i32>} : memref<2048xf32, #tpu.memory_space<vmem>>, vector<16xf32>,
        %mul3A_310 = arith.mulf %get3A_309, %get3A_307 : vector<16xf32>
        %swap3A = arith.index_cast %add3A_306 : i32 to index
        %swap3A_311 = tpu.vector_load %arg29[%swap3A] {strides = array<i32>} : memref<2048xf32, #tpu.memory_space<vmem>>, vector<16xf32>,
        tpu.vector_store %arg29[%swap3A], %mul3A_310 {strides = array<i32>} : memref<2048xf32, #tpu.memory_space<vmem>>, vector<16xf32>,
        %get3A_312 = arith.index_cast %add3A_306 : i32 to index
        %get3A_313 = tpu.vector_load %arg17[%get3A_312] {strides = array<i32>} : memref<2048xf32, #tpu.memory_space<vmem>>, vector<16xf32>,
        %mul3A_314 = arith.mulf %get3A_313, %get3A_307 : vector<16xf32>
        %swap3A_315 = arith.index_cast %add3A_306 : i32 to index
        %swap3A_316 = tpu.vector_load %arg33[%swap3A_315] {strides = array<i32>} : memref<2048xf32, #tpu.memory_space<vmem>>, vector<16xf32>,
        tpu.vector_store %arg33[%swap3A_315], %mul3A_314 {strides = array<i32>} : memref<2048xf32, #tpu.memory_space<vmem>>, vector<16xf32>,
        %get3A_317 = arith.index_cast %add3A_306 : i32 to index
        %get3A_318 = tpu.vector_load %arg21[%get3A_317] {strides = array<i32>} : memref<2048xf32, #tpu.memory_space<vmem>>, vector<16xf32>,
        %mul3A_319 = arith.mulf %get3A_318, %get3A_307 : vector<16xf32>
        %swap3A_320 = arith.index_cast %add3A_306 : i32 to index
        %swap3A_321 = tpu.vector_load %arg37[%swap3A_320] {strides = array<i32>} : memref<2048xf32, #tpu.memory_space<vmem>>, vector<16xf32>,
        tpu.vector_store %arg37[%swap3A_320], %mul3A_319 {strides = array<i32>} : memref<2048xf32, #tpu.memory_space<vmem>>, vector<16xf32>,
        %mul3A_322 = arith.constant 128 : i32
        %mul3A_323 = arith.muli %mul3A_322, %scan3A_301 : i32
        %add3A_324 = arith.constant 16 : i32
        %add3A_325 = arith.addi %mul3A_323, %add3A_324 : i32
        %get3A_326 = arith.index_cast %add3A_325 : i32 to index
        %get3A_327 = tpu.vector_load %arg25[%get3A_326] {strides = array<i32>} : memref<2048xf32, #tpu.memory_space<vmem>>, vector<16xf32>,
        %get3A_328 = arith.index_cast %add3A_325 : i32 to index
        %get3A_329 = tpu.vector_load %arg13[%get3A_328] {strides = array<i32>} : memref<2048xf32, #tpu.memory_space<vmem>>, vector<16xf32>,
        %mul3A_330 = arith.mulf %get3A_329, %get3A_327 : vector<16xf32>
        %swap3A_331 = arith.index_cast %add3A_325 : i32 to index
        %swap3A_332 = tpu.vector_load %arg29[%swap3A_331] {strides = array<i32>} : memref<2048xf32, #tpu.memory_space<vmem>>, vector<16xf32>,
        tpu.vector_store %arg29[%swap3A_331], %mul3A_330 {strides = array<i32>} : memref<2048xf32, #tpu.memory_space<vmem>>, vector<16xf32>,
        %get3A_333 = arith.index_cast %add3A_325 : i32 to index
        %get3A_334 = tpu.vector_load %arg17[%get3A_333] {strides = array<i32>} : memref<2048xf32, #tpu.memory_space<vmem>>, vector<16xf32>,
        %mul3A_335 = arith.mulf %get3A_334, %get3A_327 : vector<16xf32>
        %swap3A_336 = arith.index_cast %add3A_325 : i32 to index
        %swap3A_337 = tpu.vector_load %arg33[%swap3A_336] {strides = array<i32>} : memref<2048xf32, #tpu.memory_space<vmem>>, vector<16xf32>,
        tpu.vector_store %arg33[%swap3A_336], %mul3A_335 {strides = array<i32>} : memref<2048xf32, #tpu.memory_space<vmem>>, vector<16xf32>,
        %get3A_338 = arith.index_cast %add3A_325 : i32 to index
        %get3A_339 = tpu.vector_load %arg21[%get3A_338] {strides = array<i32>} : memref<2048xf32, #tpu.memory_space<vmem>>, vector<16xf32>,
        %mul3A_340 = arith.mulf %get3A_339, %get3A_327 : vector<16xf32>
        %swap3A_341 = arith.index_cast %add3A_325 : i32 to index
        %swap3A_342 = tpu.vector_load %arg37[%swap3A_341] {strides = array<i32>} : memref<2048xf32, #tpu.memory_space<vmem>>, vector<16xf32>,
        tpu.vector_store %arg37[%swap3A_341], %mul3A_340 {strides = array<i32>} : memref<2048xf32, #tpu.memory_space<vmem>>, vector<16xf32>,
        %mul3A_343 = arith.constant 128 : i32
        %mul3A_344 = arith.muli %mul3A_343, %scan3A_301 : i32
        %add3A_345 = arith.constant 32 : i32
        %add3A_346 = arith.addi %mul3A_344, %add3A_345 : i32
        %get3A_347 = arith.index_cast %add3A_346 : i32 to index
        %get3A_348 = tpu.vector_load %arg25[%get3A_347] {strides = array<i32>} : memref<2048xf32, #tpu.memory_space<vmem>>, vector<16xf32>,
        %get3A_349 = arith.index_cast %add3A_346 : i32 to index
        %get3A_350 = tpu.vector_load %arg13[%get3A_349] {strides = array<i32>} : memref<2048xf32, #tpu.memory_space<vmem>>, vector<16xf32>,
        %mul3A_351 = arith.mulf %get3A_350, %get3A_348 : vector<16xf32>
        %swap3A_352 = arith.index_cast %add3A_346 : i32 to index
        %swap3A_353 = tpu.vector_load %arg29[%swap3A_352] {strides = array<i32>} : memref<2048xf32, #tpu.memory_space<vmem>>, vector<16xf32>,
        tpu.vector_store %arg29[%swap3A_352], %mul3A_351 {strides = array<i32>} : memref<2048xf32, #tpu.memory_space<vmem>>, vector<16xf32>,
        %get3A_354 = arith.index_cast %add3A_346 : i32 to index
        %get3A_355 = tpu.vector_load %arg17[%get3A_354] {strides = array<i32>} : memref<2048xf32, #tpu.memory_space<vmem>>, vector<16xf32>,
        %mul3A_356 = arith.mulf %get3A_355, %get3A_348 : vector<16xf32>
        %swap3A_357 = arith.index_cast %add3A_346 : i32 to index
        %swap3A_358 = tpu.vector_load %arg33[%swap3A_357] {strides = array<i32>} : memref<2048xf32, #tpu.memory_space<vmem>>, vector<16xf32>,
        tpu.vector_store %arg33[%swap3A_357], %mul3A_356 {strides = array<i32>} : memref<2048xf32, #tpu.memory_space<vmem>>, vector<16xf32>,
        %get3A_359 = arith.index_cast %add3A_346 : i32 to index
        %get3A_360 = tpu.vector_load %arg21[%get3A_359] {strides = array<i32>} : memref<2048xf32, #tpu.memory_space<vmem>>, vector<16xf32>,
        %mul3A_361 = arith.mulf %get3A_360, %get3A_348 : vector<16xf32>
        %swap3A_362 = arith.index_cast %add3A_346 : i32 to index
        %swap3A_363 = tpu.vector_load %arg37[%swap3A_362] {strides = array<i32>} : memref<2048xf32, #tpu.memory_space<vmem>>, vector<16xf32>,
        tpu.vector_store %arg37[%swap3A_362], %mul3A_361 {strides = array<i32>} : memref<2048xf32, #tpu.memory_space<vmem>>, vector<16xf32>,
        %mul3A_364 = arith.constant 128 : i32
        %mul3A_365 = arith.muli %mul3A_364, %scan3A_301 : i32
        %add3A_366 = arith.constant 48 : i32
        %add3A_367 = arith.addi %mul3A_365, %add3A_366 : i32
        %get3A_368 = arith.index_cast %add3A_367 : i32 to index
        %get3A_369 = tpu.vector_load %arg25[%get3A_368] {strides = array<i32>} : memref<2048xf32, #tpu.memory_space<vmem>>, vector<16xf32>,
        %get3A_370 = arith.index_cast %add3A_367 : i32 to index
        %get3A_371 = tpu.vector_load %arg13[%get3A_370] {strides = array<i32>} : memref<2048xf32, #tpu.memory_space<vmem>>, vector<16xf32>,
        %mul3A_372 = arith.mulf %get3A_371, %get3A_369 : vector<16xf32>
        %swap3A_373 = arith.index_cast %add3A_367 : i32 to index
        %swap3A_374 = tpu.vector_load %arg29[%swap3A_373] {strides = array<i32>} : memref<2048xf32, #tpu.memory_space<vmem>>, vector<16xf32>,
        tpu.vector_store %arg29[%swap3A_373], %mul3A_372 {strides = array<i32>} : memref<2048xf32, #tpu.memory_space<vmem>>, vector<16xf32>,
        %get3A_375 = arith.index_cast %add3A_367 : i32 to index
        %get3A_376 = tpu.vector_load %arg17[%get3A_375] {strides = array<i32>} : memref<2048xf32, #tpu.memory_space<vmem>>, vector<16xf32>,
        %mul3A_377 = arith.mulf %get3A_376, %get3A_369 : vector<16xf32>
        %swap3A_378 = arith.index_cast %add3A_367 : i32 to index
        %swap3A_379 = tpu.vector_load %arg33[%swap3A_378] {strides = array<i32>} : memref<2048xf32, #tpu.memory_space<vmem>>, vector<16xf32>,
        tpu.vector_store %arg33[%swap3A_378], %mul3A_377 {strides = array<i32>} : memref<2048xf32, #tpu.memory_space<vmem>>, vector<16xf32>,
        %get3A_380 = arith.index_cast %add3A_367 : i32 to index
        %get3A_381 = tpu.vector_load %arg21[%get3A_380] {strides = array<i32>} : memref<2048xf32, #tpu.memory_space<vmem>>, vector<16xf32>,
        %mul3A_382 = arith.mulf %get3A_381, %get3A_369 : vector<16xf32>
        %swap3A_383 = arith.index_cast %add3A_367 : i32 to index
        %swap3A_384 = tpu.vector_load %arg37[%swap3A_383] {strides = array<i32>} : memref<2048xf32, #tpu.memory_space<vmem>>, vector<16xf32>,
        tpu.vector_store %arg37[%swap3A_383], %mul3A_382 {strides = array<i32>} : memref<2048xf32, #tpu.memory_space<vmem>>, vector<16xf32>,
        %mul3A_385 = arith.constant 128 : i32
        %mul3A_386 = arith.muli %mul3A_385, %scan3A_301 : i32
        %add3A_387 = arith.constant 64 : i32
        %add3A_388 = arith.addi %mul3A_386, %add3A_387 : i32
        %get3A_389 = arith.index_cast %add3A_388 : i32 to index
        %get3A_390 = tpu.vector_load %arg25[%get3A_389] {strides = array<i32>} : memref<2048xf32, #tpu.memory_space<vmem>>, vector<16xf32>,
        %get3A_391 = arith.index_cast %add3A_388 : i32 to index
        %get3A_392 = tpu.vector_load %arg13[%get3A_391] {strides = array<i32>} : memref<2048xf32, #tpu.memory_space<vmem>>, vector<16xf32>,
        %mul3A_393 = arith.mulf %get3A_392, %get3A_390 : vector<16xf32>
        %swap3A_394 = arith.index_cast %add3A_388 : i32 to index
        %swap3A_395 = tpu.vector_load %arg29[%swap3A_394] {strides = array<i32>} : memref<2048xf32, #tpu.memory_space<vmem>>, vector<16xf32>,
        tpu.vector_store %arg29[%swap3A_394], %mul3A_393 {strides = array<i32>} : memref<2048xf32, #tpu.memory_space<vmem>>, vector<16xf32>,
        %get3A_396 = arith.index_cast %add3A_388 : i32 to index
        %get3A_397 = tpu.vector_load %arg17[%get3A_396] {strides = array<i32>} : memref<2048xf32, #tpu.memory_space<vmem>>, vector<16xf32>,
        %mul3A_398 = arith.mulf %get3A_397, %get3A_390 : vector<16xf32>
        %swap3A_399 = arith.index_cast %add3A_388 : i32 to index
        %swap3A_400 = tpu.vector_load %arg33[%swap3A_399] {strides = array<i32>} : memref<2048xf32, #tpu.memory_space<vmem>>, vector<16xf32>,
        tpu.vector_store %arg33[%swap3A_399], %mul3A_398 {strides = array<i32>} : memref<2048xf32, #tpu.memory_space<vmem>>, vector<16xf32>,
        %get3A_401 = arith.index_cast %add3A_388 : i32 to index
        %get3A_402 = tpu.vector_load %arg21[%get3A_401] {strides = array<i32>} : memref<2048xf32, #tpu.memory_space<vmem>>, vector<16xf32>,
        %mul3A_403 = arith.mulf %get3A_402, %get3A_390 : vector<16xf32>
        %swap3A_404 = arith.index_cast %add3A_388 : i32 to index
        %swap3A_405 = tpu.vector_load %arg37[%swap3A_404] {strides = array<i32>} : memref<2048xf32, #tpu.memory_space<vmem>>, vector<16xf32>,
        tpu.vector_store %arg37[%swap3A_404], %mul3A_403 {strides = array<i32>} : memref<2048xf32, #tpu.memory_space<vmem>>, vector<16xf32>,
        %mul3A_406 = arith.constant 128 : i32
        %mul3A_407 = arith.muli %mul3A_406, %scan3A_301 : i32
        %add3A_408 = arith.constant 80 : i32
        %add3A_409 = arith.addi %mul3A_407, %add3A_408 : i32
        %get3A_410 = arith.index_cast %add3A_409 : i32 to index
        %get3A_411 = tpu.vector_load %arg25[%get3A_410] {strides = array<i32>} : memref<2048xf32, #tpu.memory_space<vmem>>, vector<16xf32>,
        %get3A_412 = arith.index_cast %add3A_409 : i32 to index
        %get3A_413 = tpu.vector_load %arg13[%get3A_412] {strides = array<i32>} : memref<2048xf32, #tpu.memory_space<vmem>>, vector<16xf32>,
        %mul3A_414 = arith.mulf %get3A_413, %get3A_411 : vector<16xf32>
        %swap3A_415 = arith.index_cast %add3A_409 : i32 to index
        %swap3A_416 = tpu.vector_load %arg29[%swap3A_415] {strides = array<i32>} : memref<2048xf32, #tpu.memory_space<vmem>>, vector<16xf32>,
        tpu.vector_store %arg29[%swap3A_415], %mul3A_414 {strides = array<i32>} : memref<2048xf32, #tpu.memory_space<vmem>>, vector<16xf32>,
        %get3A_417 = arith.index_cast %add3A_409 : i32 to index
        %get3A_418 = tpu.vector_load %arg17[%get3A_417] {strides = array<i32>} : memref<2048xf32, #tpu.memory_space<vmem>>, vector<16xf32>,
        %mul3A_419 = arith.mulf %get3A_418, %get3A_411 : vector<16xf32>
        %swap3A_420 = arith.index_cast %add3A_409 : i32 to index
        %swap3A_421 = tpu.vector_load %arg33[%swap3A_420] {strides = array<i32>} : memref<2048xf32, #tpu.memory_space<vmem>>, vector<16xf32>,
        tpu.vector_store %arg33[%swap3A_420], %mul3A_419 {strides = array<i32>} : memref<2048xf32, #tpu.memory_space<vmem>>, vector<16xf32>,
        %get3A_422 = arith.index_cast %add3A_409 : i32 to index
        %get3A_423 = tpu.vector_load %arg21[%get3A_422] {strides = array<i32>} : memref<2048xf32, #tpu.memory_space<vmem>>, vector<16xf32>,
        %mul3A_424 = arith.mulf %get3A_423, %get3A_411 : vector<16xf32>
        %swap3A_425 = arith.index_cast %add3A_409 : i32 to index
        %swap3A_426 = tpu.vector_load %arg37[%swap3A_425] {strides = array<i32>} : memref<2048xf32, #tpu.memory_space<vmem>>, vector<16xf32>,
        tpu.vector_store %arg37[%swap3A_425], %mul3A_424 {strides = array<i32>} : memref<2048xf32, #tpu.memory_space<vmem>>, vector<16xf32>,
        %mul3A_427 = arith.constant 128 : i32
        %mul3A_428 = arith.muli %mul3A_427, %scan3A_301 : i32
        %add3A_429 = arith.constant 96 : i32
        %add3A_430 = arith.addi %mul3A_428, %add3A_429 : i32
        %get3A_431 = arith.index_cast %add3A_430 : i32 to index
        %get3A_432 = tpu.vector_load %arg25[%get3A_431] {strides = array<i32>} : memref<2048xf32, #tpu.memory_space<vmem>>, vector<16xf32>,
        %get3A_433 = arith.index_cast %add3A_430 : i32 to index
        %get3A_434 = tpu.vector_load %arg13[%get3A_433] {strides = array<i32>} : memref<2048xf32, #tpu.memory_space<vmem>>, vector<16xf32>,
        %mul3A_435 = arith.mulf %get3A_434, %get3A_432 : vector<16xf32>
        %swap3A_436 = arith.index_cast %add3A_430 : i32 to index
        %swap3A_437 = tpu.vector_load %arg29[%swap3A_436] {strides = array<i32>} : memref<2048xf32, #tpu.memory_space<vmem>>, vector<16xf32>,
        tpu.vector_store %arg29[%swap3A_436], %mul3A_435 {strides = array<i32>} : memref<2048xf32, #tpu.memory_space<vmem>>, vector<16xf32>,
        %get3A_438 = arith.index_cast %add3A_430 : i32 to index
        %get3A_439 = tpu.vector_load %arg17[%get3A_438] {strides = array<i32>} : memref<2048xf32, #tpu.memory_space<vmem>>, vector<16xf32>,
        %mul3A_440 = arith.mulf %get3A_439, %get3A_432 : vector<16xf32>
        %swap3A_441 = arith.index_cast %add3A_430 : i32 to index
        %swap3A_442 = tpu.vector_load %arg33[%swap3A_441] {strides = array<i32>} : memref<2048xf32, #tpu.memory_space<vmem>>, vector<16xf32>,
        tpu.vector_store %arg33[%swap3A_441], %mul3A_440 {strides = array<i32>} : memref<2048xf32, #tpu.memory_space<vmem>>, vector<16xf32>,
        %get3A_443 = arith.index_cast %add3A_430 : i32 to index
        %get3A_444 = tpu.vector_load %arg21[%get3A_443] {strides = array<i32>} : memref<2048xf32, #tpu.memory_space<vmem>>, vector<16xf32>,
        %mul3A_445 = arith.mulf %get3A_444, %get3A_432 : vector<16xf32>
        %swap3A_446 = arith.index_cast %add3A_430 : i32 to index
        %swap3A_447 = tpu.vector_load %arg37[%swap3A_446] {strides = array<i32>} : memref<2048xf32, #tpu.memory_space<vmem>>, vector<16xf32>,
        tpu.vector_store %arg37[%swap3A_446], %mul3A_445 {strides = array<i32>} : memref<2048xf32, #tpu.memory_space<vmem>>, vector<16xf32>,
        %mul3A_448 = arith.constant 128 : i32
        %mul3A_449 = arith.muli %mul3A_448, %scan3A_301 : i32
        %add3A_450 = arith.constant 112 : i32
        %add3A_451 = arith.addi %mul3A_449, %add3A_450 : i32
        %get3A_452 = arith.index_cast %add3A_451 : i32 to index
        %get3A_453 = tpu.vector_load %arg25[%get3A_452] {strides = array<i32>} : memref<2048xf32, #tpu.memory_space<vmem>>, vector<16xf32>,
        %get3A_454 = arith.index_cast %add3A_451 : i32 to index
        %get3A_455 = tpu.vector_load %arg13[%get3A_454] {strides = array<i32>} : memref<2048xf32, #tpu.memory_space<vmem>>, vector<16xf32>,
        %mul3A_456 = arith.mulf %get3A_455, %get3A_453 : vector<16xf32>
        %swap3A_457 = arith.index_cast %add3A_451 : i32 to index
        %swap3A_458 = tpu.vector_load %arg29[%swap3A_457] {strides = array<i32>} : memref<2048xf32, #tpu.memory_space<vmem>>, vector<16xf32>,
        tpu.vector_store %arg29[%swap3A_457], %mul3A_456 {strides = array<i32>} : memref<2048xf32, #tpu.memory_space<vmem>>, vector<16xf32>,
        %get3A_459 = arith.index_cast %add3A_451 : i32 to index
        %get3A_460 = tpu.vector_load %arg17[%get3A_459] {strides = array<i32>} : memref<2048xf32, #tpu.memory_space<vmem>>, vector<16xf32>,
        %mul3A_461 = arith.mulf %get3A_460, %get3A_453 : vector<16xf32>
        %swap3A_462 = arith.index_cast %add3A_451 : i32 to index
        %swap3A_463 = tpu.vector_load %arg33[%swap3A_462] {strides = array<i32>} : memref<2048xf32, #tpu.memory_space<vmem>>, vector<16xf32>,
        tpu.vector_store %arg33[%swap3A_462], %mul3A_461 {strides = array<i32>} : memref<2048xf32, #tpu.memory_space<vmem>>, vector<16xf32>,
        %get3A_464 = arith.index_cast %add3A_451 : i32 to index
        %get3A_465 = tpu.vector_load %arg21[%get3A_464] {strides = array<i32>} : memref<2048xf32, #tpu.memory_space<vmem>>, vector<16xf32>,
        %mul3A_466 = arith.mulf %get3A_465, %get3A_453 : vector<16xf32>
        %swap3A_467 = arith.index_cast %add3A_451 : i32 to index
        %swap3A_468 = tpu.vector_load %arg37[%swap3A_467] {strides = array<i32>} : memref<2048xf32, #tpu.memory_space<vmem>>, vector<16xf32>,
        tpu.vector_store %arg37[%swap3A_467], %mul3A_466 {strides = array<i32>} : memref<2048xf32, #tpu.memory_space<vmem>>, vector<16xf32>,
        %scan3A_469 = arith.constant 0 : i32
        scf.yield %scan3A_469 : i32
      }
      %scan3A_159 = arith.constant 16 : i32
      %dma_start3A_160 = arith.constant 0 : i32
      %dma_start3A_161 = tpu.memref_slice %arg41[%dma_start3A_160] : memref<65536xf32, #tpu.memory_space<vmem_shared>> -> memref<65536xf32, #tpu.memory_space<vmem_shared>>
      tpu.enqueue_indirect_dma source(%arg29 : memref<2048xf32, #tpu.memory_space<vmem>>) target(%dma_start3A_161 : memref<65536xf32, #tpu.memory_space<vmem_shared>>) offsets(%arg9 : memref<2048xi32, #tpu.memory_space<vmem>>) semaphore(%arg48 : memref<!tpu.dma_semaphore, #tpu.memory_space<semaphore_mem>>) {add = true}
      %dma_start3A_162 = arith.constant 0 : i32
      %dma_start3A_163 = tpu.memref_slice %arg42[%dma_start3A_162] : memref<65536xf32, #tpu.memory_space<vmem_shared>> -> memref<65536xf32, #tpu.memory_space<vmem_shared>>
      tpu.enqueue_indirect_dma source(%arg33 : memref<2048xf32, #tpu.memory_space<vmem>>) target(%dma_start3A_163 : memref<65536xf32, #tpu.memory_space<vmem_shared>>) offsets(%arg9 : memref<2048xi32, #tpu.memory_space<vmem>>) semaphore(%arg48 : memref<!tpu.dma_semaphore, #tpu.memory_space<semaphore_mem>>) {add = true}
      %dma_start3A_164 = arith.constant 0 : i32
      %dma_start3A_165 = tpu.memref_slice %arg43[%dma_start3A_164] : memref<65536xf32, #tpu.memory_space<vmem_shared>> -> memref<65536xf32, #tpu.memory_space<vmem_shared>>
      tpu.enqueue_indirect_dma source(%arg37 : memref<2048xf32, #tpu.memory_space<vmem>>) target(%dma_start3A_165 : memref<65536xf32, #tpu.memory_space<vmem_shared>>) offsets(%arg9 : memref<2048xi32, #tpu.memory_space<vmem>>) semaphore(%arg48 : memref<!tpu.dma_semaphore, #tpu.memory_space<semaphore_mem>>) {add = true}
      %mul3A_166 = arith.constant 4 : i32
      %mul3A_167 = arith.muli %mul3A_166, %scan3A_130 : i32
      %add3A_168 = arith.constant 1 : i32
      %add3A_169 = arith.addi %mul3A_167, %add3A_168 : i32
      %gt3A_170 = arith.constant 0 : i32
      %gt3A_171 = arith.cmpi sgt, %scan3A_130, %gt3A_170 : i32
      %convert_element_type3A_172 = arith.extui %gt3A_171 : i1 to i32
      %cond3A_173 = arith.constant 0 : i32
      %cond3A_174 = arith.cmpi ne, %convert_element_type3A_172, %cond3A_173 : i32
      scf.if %cond3A_174 {
        %dma_wait3A_301 = arith.constant 0 : i32
        %dma_wait3A_302 = tpu.memref_slice %arg6[%dma_wait3A_301] : memref<4194304xf32, #tpu.memory_space<hbm>> -> memref<2048xf32, #tpu.memory_space<hbm>>
        %dma_wait3A_303 = arith.constant 0 : i32
        %dma_wait3A_304 = tpu.memref_slice %arg6[%dma_wait3A_303] : memref<4194304xf32, #tpu.memory_space<hbm>> -> memref<2048xf32, #tpu.memory_space<hbm>>
        tpu.wait_dma2 semaphore(%arg51 : memref<!tpu.dma_semaphore, #tpu.memory_space<semaphore_mem>>) src(%dma_wait3A_304 : memref<2048xf32, #tpu.memory_space<hbm>>) dst(%arg28 : memref<2048xf32, #tpu.memory_space<vmem>>)
        %dma_wait3A_305 = arith.constant 0 : i32
        %dma_wait3A_306 = tpu.memref_slice %arg6[%dma_wait3A_305] : memref<4194304xf32, #tpu.memory_space<hbm>> -> memref<2048xf32, #tpu.memory_space<hbm>>
        %dma_wait3A_307 = arith.constant 0 : i32
        %dma_wait3A_308 = tpu.memref_slice %arg6[%dma_wait3A_307] : memref<4194304xf32, #tpu.memory_space<hbm>> -> memref<2048xf32, #tpu.memory_space<hbm>>
        tpu.wait_dma2 semaphore(%arg51 : memref<!tpu.dma_semaphore, #tpu.memory_space<semaphore_mem>>) src(%dma_wait3A_308 : memref<2048xf32, #tpu.memory_space<hbm>>) dst(%arg28 : memref<2048xf32, #tpu.memory_space<vmem>>)
        %dma_wait3A_309 = arith.constant 0 : i32
        %dma_wait3A_310 = tpu.memref_slice %arg6[%dma_wait3A_309] : memref<4194304xf32, #tpu.memory_space<hbm>> -> memref<2048xf32, #tpu.memory_space<hbm>>
        %dma_wait3A_311 = arith.constant 0 : i32
        %dma_wait3A_312 = tpu.memref_slice %arg6[%dma_wait3A_311] : memref<4194304xf32, #tpu.memory_space<hbm>> -> memref<2048xf32, #tpu.memory_space<hbm>>
        tpu.wait_dma2 semaphore(%arg51 : memref<!tpu.dma_semaphore, #tpu.memory_space<semaphore_mem>>) src(%dma_wait3A_312 : memref<2048xf32, #tpu.memory_space<hbm>>) dst(%arg28 : memref<2048xf32, #tpu.memory_space<vmem>>)
        %add3A_313 = arith.constant 2 : i32
        %add3A_314 = arith.addi %add3A_169, %add3A_313 : i32
        %mul3A_315 = arith.constant 131072 : i32
        %mul3A_316 = arith.muli %add3A, %mul3A_315 : i32
        %mul3A_317 = arith.constant 2048 : i32
        %mul3A_318 = arith.muli %add3A_314, %mul3A_317 : i32
        %add3A_319 = arith.addi %mul3A_316, %mul3A_318 : i32
        %dma_start3A_320 = tpu.memref_slice %arg2[%add3A_319] : memref<4194304xi32, #tpu.memory_space<hbm>> -> memref<2048xi32, #tpu.memory_space<hbm>>
        %dma_start3A_321 = tpu.memref_slice %arg2[%add3A_319] : memref<4194304xi32, #tpu.memory_space<hbm>> -> memref<2048xi32, #tpu.memory_space<hbm>>
        tpu.enqueue_dma source(%dma_start3A_321 : memref<2048xi32, #tpu.memory_space<hbm>>) target(%arg12 : memref<2048xi32, #tpu.memory_space<vmem>>) target_semaphore(%arg47 : memref<!tpu.dma_semaphore, #tpu.memory_space<semaphore_mem>>)
        %dma_start3A_322 = tpu.memref_slice %arg6[%add3A_319] : memref<4194304xf32, #tpu.memory_space<hbm>> -> memref<2048xf32, #tpu.memory_space<hbm>>
        %dma_start3A_323 = tpu.memref_slice %arg6[%add3A_319] : memref<4194304xf32, #tpu.memory_space<hbm>> -> memref<2048xf32, #tpu.memory_space<hbm>>
        tpu.enqueue_dma source(%dma_start3A_323 : memref<2048xf32, #tpu.memory_space<hbm>>) target(%arg28 : memref<2048xf32, #tpu.memory_space<vmem>>) target_semaphore(%arg47 : memref<!tpu.dma_semaphore, #tpu.memory_space<semaphore_mem>>)
        %dma_start3A_324 = tpu.memref_slice %arg3[%add3A_319] : memref<4194304xf32, #tpu.memory_space<hbm>> -> memref<2048xf32, #tpu.memory_space<hbm>>
        %dma_start3A_325 = tpu.memref_slice %arg3[%add3A_319] : memref<4194304xf32, #tpu.memory_space<hbm>> -> memref<2048xf32, #tpu.memory_space<hbm>>
        tpu.enqueue_dma source(%dma_start3A_325 : memref<2048xf32, #tpu.memory_space<hbm>>) target(%arg16 : memref<2048xf32, #tpu.memory_space<vmem>>) target_semaphore(%arg47 : memref<!tpu.dma_semaphore, #tpu.memory_space<semaphore_mem>>)
        %dma_start3A_326 = tpu.memref_slice %arg4[%add3A_319] : memref<4194304xf32, #tpu.memory_space<hbm>> -> memref<2048xf32, #tpu.memory_space<hbm>>
        %dma_start3A_327 = tpu.memref_slice %arg4[%add3A_319] : memref<4194304xf32, #tpu.memory_space<hbm>> -> memref<2048xf32, #tpu.memory_space<hbm>>
        tpu.enqueue_dma source(%dma_start3A_327 : memref<2048xf32, #tpu.memory_space<hbm>>) target(%arg20 : memref<2048xf32, #tpu.memory_space<vmem>>) target_semaphore(%arg47 : memref<!tpu.dma_semaphore, #tpu.memory_space<semaphore_mem>>)
        %dma_start3A_328 = tpu.memref_slice %arg5[%add3A_319] : memref<4194304xf32, #tpu.memory_space<hbm>> -> memref<2048xf32, #tpu.memory_space<hbm>>
        %dma_start3A_329 = tpu.memref_slice %arg5[%add3A_319] : memref<4194304xf32, #tpu.memory_space<hbm>> -> memref<2048xf32, #tpu.memory_space<hbm>>
        tpu.enqueue_dma source(%dma_start3A_329 : memref<2048xf32, #tpu.memory_space<hbm>>) target(%arg24 : memref<2048xf32, #tpu.memory_space<vmem>>) target_semaphore(%arg47 : memref<!tpu.dma_semaphore, #tpu.memory_space<semaphore_mem>>)
      } else {
        %add3A_301 = arith.constant 2 : i32
        %add3A_302 = arith.addi %add3A_169, %add3A_301 : i32
        %mul3A_303 = arith.constant 131072 : i32
        %mul3A_304 = arith.muli %add3A, %mul3A_303 : i32
        %mul3A_305 = arith.constant 2048 : i32
        %mul3A_306 = arith.muli %add3A_302, %mul3A_305 : i32
        %add3A_307 = arith.addi %mul3A_304, %mul3A_306 : i32
        %dma_start3A_308 = tpu.memref_slice %arg2[%add3A_307] : memref<4194304xi32, #tpu.memory_space<hbm>> -> memref<2048xi32, #tpu.memory_space<hbm>>
        %dma_start3A_309 = tpu.memref_slice %arg2[%add3A_307] : memref<4194304xi32, #tpu.memory_space<hbm>> -> memref<2048xi32, #tpu.memory_space<hbm>>
        tpu.enqueue_dma source(%dma_start3A_309 : memref<2048xi32, #tpu.memory_space<hbm>>) target(%arg12 : memref<2048xi32, #tpu.memory_space<vmem>>) target_semaphore(%arg47 : memref<!tpu.dma_semaphore, #tpu.memory_space<semaphore_mem>>)
        %dma_start3A_310 = tpu.memref_slice %arg6[%add3A_307] : memref<4194304xf32, #tpu.memory_space<hbm>> -> memref<2048xf32, #tpu.memory_space<hbm>>
        %dma_start3A_311 = tpu.memref_slice %arg6[%add3A_307] : memref<4194304xf32, #tpu.memory_space<hbm>> -> memref<2048xf32, #tpu.memory_space<hbm>>
        tpu.enqueue_dma source(%dma_start3A_311 : memref<2048xf32, #tpu.memory_space<hbm>>) target(%arg28 : memref<2048xf32, #tpu.memory_space<vmem>>) target_semaphore(%arg47 : memref<!tpu.dma_semaphore, #tpu.memory_space<semaphore_mem>>)
        %dma_start3A_312 = tpu.memref_slice %arg3[%add3A_307] : memref<4194304xf32, #tpu.memory_space<hbm>> -> memref<2048xf32, #tpu.memory_space<hbm>>
        %dma_start3A_313 = tpu.memref_slice %arg3[%add3A_307] : memref<4194304xf32, #tpu.memory_space<hbm>> -> memref<2048xf32, #tpu.memory_space<hbm>>
        tpu.enqueue_dma source(%dma_start3A_313 : memref<2048xf32, #tpu.memory_space<hbm>>) target(%arg16 : memref<2048xf32, #tpu.memory_space<vmem>>) target_semaphore(%arg47 : memref<!tpu.dma_semaphore, #tpu.memory_space<semaphore_mem>>)
        %dma_start3A_314 = tpu.memref_slice %arg4[%add3A_307] : memref<4194304xf32, #tpu.memory_space<hbm>> -> memref<2048xf32, #tpu.memory_space<hbm>>
        %dma_start3A_315 = tpu.memref_slice %arg4[%add3A_307] : memref<4194304xf32, #tpu.memory_space<hbm>> -> memref<2048xf32, #tpu.memory_space<hbm>>
        tpu.enqueue_dma source(%dma_start3A_315 : memref<2048xf32, #tpu.memory_space<hbm>>) target(%arg20 : memref<2048xf32, #tpu.memory_space<vmem>>) target_semaphore(%arg47 : memref<!tpu.dma_semaphore, #tpu.memory_space<semaphore_mem>>)
        %dma_start3A_316 = tpu.memref_slice %arg5[%add3A_307] : memref<4194304xf32, #tpu.memory_space<hbm>> -> memref<2048xf32, #tpu.memory_space<hbm>>
        %dma_start3A_317 = tpu.memref_slice %arg5[%add3A_307] : memref<4194304xf32, #tpu.memory_space<hbm>> -> memref<2048xf32, #tpu.memory_space<hbm>>
        tpu.enqueue_dma source(%dma_start3A_317 : memref<2048xf32, #tpu.memory_space<hbm>>) target(%arg24 : memref<2048xf32, #tpu.memory_space<vmem>>) target_semaphore(%arg47 : memref<!tpu.dma_semaphore, #tpu.memory_space<semaphore_mem>>)
      }
      %mul3A_175 = arith.constant 131072 : i32
      %mul3A_176 = arith.muli %add3A, %mul3A_175 : i32
      %mul3A_177 = arith.constant 2048 : i32
      %mul3A_178 = arith.muli %add3A_169, %mul3A_177 : i32
      %add3A_179 = arith.addi %mul3A_176, %mul3A_178 : i32
      %dma_wait3A_180 = tpu.memref_slice %arg2[%add3A_179] : memref<4194304xi32, #tpu.memory_space<hbm>> -> memref<2048xi32, #tpu.memory_space<hbm>>
      %dma_wait3A_181 = tpu.memref_slice %arg2[%add3A_179] : memref<4194304xi32, #tpu.memory_space<hbm>> -> memref<2048xi32, #tpu.memory_space<hbm>>
      tpu.wait_dma2 semaphore(%arg45 : memref<!tpu.dma_semaphore, #tpu.memory_space<semaphore_mem>>) src(%dma_wait3A_181 : memref<2048xi32, #tpu.memory_space<hbm>>) dst(%arg10 : memref<2048xi32, #tpu.memory_space<vmem>>)
      %dma_wait3A_182 = tpu.memref_slice %arg6[%add3A_179] : memref<4194304xf32, #tpu.memory_space<hbm>> -> memref<2048xf32, #tpu.memory_space<hbm>>
      %dma_wait3A_183 = tpu.memref_slice %arg6[%add3A_179] : memref<4194304xf32, #tpu.memory_space<hbm>> -> memref<2048xf32, #tpu.memory_space<hbm>>
      tpu.wait_dma2 semaphore(%arg45 : memref<!tpu.dma_semaphore, #tpu.memory_space<semaphore_mem>>) src(%dma_wait3A_183 : memref<2048xf32, #tpu.memory_space<hbm>>) dst(%arg26 : memref<2048xf32, #tpu.memory_space<vmem>>)
      %dma_wait3A_184 = tpu.memref_slice %arg3[%add3A_179] : memref<4194304xf32, #tpu.memory_space<hbm>> -> memref<2048xf32, #tpu.memory_space<hbm>>
      %dma_wait3A_185 = tpu.memref_slice %arg3[%add3A_179] : memref<4194304xf32, #tpu.memory_space<hbm>> -> memref<2048xf32, #tpu.memory_space<hbm>>
      tpu.wait_dma2 semaphore(%arg45 : memref<!tpu.dma_semaphore, #tpu.memory_space<semaphore_mem>>) src(%dma_wait3A_185 : memref<2048xf32, #tpu.memory_space<hbm>>) dst(%arg14 : memref<2048xf32, #tpu.memory_space<vmem>>)
      %dma_wait3A_186 = tpu.memref_slice %arg4[%add3A_179] : memref<4194304xf32, #tpu.memory_space<hbm>> -> memref<2048xf32, #tpu.memory_space<hbm>>
      %dma_wait3A_187 = tpu.memref_slice %arg4[%add3A_179] : memref<4194304xf32, #tpu.memory_space<hbm>> -> memref<2048xf32, #tpu.memory_space<hbm>>
      tpu.wait_dma2 semaphore(%arg45 : memref<!tpu.dma_semaphore, #tpu.memory_space<semaphore_mem>>) src(%dma_wait3A_187 : memref<2048xf32, #tpu.memory_space<hbm>>) dst(%arg18 : memref<2048xf32, #tpu.memory_space<vmem>>)
      %dma_wait3A_188 = tpu.memref_slice %arg5[%add3A_179] : memref<4194304xf32, #tpu.memory_space<hbm>> -> memref<2048xf32, #tpu.memory_space<hbm>>
      %dma_wait3A_189 = tpu.memref_slice %arg5[%add3A_179] : memref<4194304xf32, #tpu.memory_space<hbm>> -> memref<2048xf32, #tpu.memory_space<hbm>>
      tpu.wait_dma2 semaphore(%arg45 : memref<!tpu.dma_semaphore, #tpu.memory_space<semaphore_mem>>) src(%dma_wait3A_189 : memref<2048xf32, #tpu.memory_space<hbm>>) dst(%arg22 : memref<2048xf32, #tpu.memory_space<vmem>>)
      %scan3A_190 = arith.constant 0 : i32
      %scan3A_191 = arith.constant 0 : i32
      %scan3A_192 = arith.constant 16 : i32
      %scan3A_193 = arith.addi %scan3A_191, %scan3A_192 : i32
      %scan3A_194 = arith.constant 1 : i32
      %scan3A_195 = scf.for %scan3A_301 = %scan3A_191 to %scan3A_193 step %scan3A_194 iter_args(%scan3A_302 = %scan3A_190) -> (i32)  : i32 {
        %mul3A_303 = arith.constant 128 : i32
        %mul3A_304 = arith.muli %mul3A_303, %scan3A_301 : i32
        %add3A_305 = arith.constant 0 : i32
        %add3A_306 = arith.addi %mul3A_304, %add3A_305 : i32
        %get3A = arith.index_cast %add3A_306 : i32 to index
        %get3A_307 = tpu.vector_load %arg26[%get3A] {strides = array<i32>} : memref<2048xf32, #tpu.memory_space<vmem>>, vector<16xf32>,
        %get3A_308 = arith.index_cast %add3A_306 : i32 to index
        %get3A_309 = tpu.vector_load %arg14[%get3A_308] {strides = array<i32>} : memref<2048xf32, #tpu.memory_space<vmem>>, vector<16xf32>,
        %mul3A_310 = arith.mulf %get3A_309, %get3A_307 : vector<16xf32>
        %swap3A = arith.index_cast %add3A_306 : i32 to index
        %swap3A_311 = tpu.vector_load %arg30[%swap3A] {strides = array<i32>} : memref<2048xf32, #tpu.memory_space<vmem>>, vector<16xf32>,
        tpu.vector_store %arg30[%swap3A], %mul3A_310 {strides = array<i32>} : memref<2048xf32, #tpu.memory_space<vmem>>, vector<16xf32>,
        %get3A_312 = arith.index_cast %add3A_306 : i32 to index
        %get3A_313 = tpu.vector_load %arg18[%get3A_312] {strides = array<i32>} : memref<2048xf32, #tpu.memory_space<vmem>>, vector<16xf32>,
        %mul3A_314 = arith.mulf %get3A_313, %get3A_307 : vector<16xf32>
        %swap3A_315 = arith.index_cast %add3A_306 : i32 to index
        %swap3A_316 = tpu.vector_load %arg34[%swap3A_315] {strides = array<i32>} : memref<2048xf32, #tpu.memory_space<vmem>>, vector<16xf32>,
        tpu.vector_store %arg34[%swap3A_315], %mul3A_314 {strides = array<i32>} : memref<2048xf32, #tpu.memory_space<vmem>>, vector<16xf32>,
        %get3A_317 = arith.index_cast %add3A_306 : i32 to index
        %get3A_318 = tpu.vector_load %arg22[%get3A_317] {strides = array<i32>} : memref<2048xf32, #tpu.memory_space<vmem>>, vector<16xf32>,
        %mul3A_319 = arith.mulf %get3A_318, %get3A_307 : vector<16xf32>
        %swap3A_320 = arith.index_cast %add3A_306 : i32 to index
        %swap3A_321 = tpu.vector_load %arg38[%swap3A_320] {strides = array<i32>} : memref<2048xf32, #tpu.memory_space<vmem>>, vector<16xf32>,
        tpu.vector_store %arg38[%swap3A_320], %mul3A_319 {strides = array<i32>} : memref<2048xf32, #tpu.memory_space<vmem>>, vector<16xf32>,
        %mul3A_322 = arith.constant 128 : i32
        %mul3A_323 = arith.muli %mul3A_322, %scan3A_301 : i32
        %add3A_324 = arith.constant 16 : i32
        %add3A_325 = arith.addi %mul3A_323, %add3A_324 : i32
        %get3A_326 = arith.index_cast %add3A_325 : i32 to index
        %get3A_327 = tpu.vector_load %arg26[%get3A_326] {strides = array<i32>} : memref<2048xf32, #tpu.memory_space<vmem>>, vector<16xf32>,
        %get3A_328 = arith.index_cast %add3A_325 : i32 to index
        %get3A_329 = tpu.vector_load %arg14[%get3A_328] {strides = array<i32>} : memref<2048xf32, #tpu.memory_space<vmem>>, vector<16xf32>,
        %mul3A_330 = arith.mulf %get3A_329, %get3A_327 : vector<16xf32>
        %swap3A_331 = arith.index_cast %add3A_325 : i32 to index
        %swap3A_332 = tpu.vector_load %arg30[%swap3A_331] {strides = array<i32>} : memref<2048xf32, #tpu.memory_space<vmem>>, vector<16xf32>,
        tpu.vector_store %arg30[%swap3A_331], %mul3A_330 {strides = array<i32>} : memref<2048xf32, #tpu.memory_space<vmem>>, vector<16xf32>,
        %get3A_333 = arith.index_cast %add3A_325 : i32 to index
        %get3A_334 = tpu.vector_load %arg18[%get3A_333] {strides = array<i32>} : memref<2048xf32, #tpu.memory_space<vmem>>, vector<16xf32>,
        %mul3A_335 = arith.mulf %get3A_334, %get3A_327 : vector<16xf32>
        %swap3A_336 = arith.index_cast %add3A_325 : i32 to index
        %swap3A_337 = tpu.vector_load %arg34[%swap3A_336] {strides = array<i32>} : memref<2048xf32, #tpu.memory_space<vmem>>, vector<16xf32>,
        tpu.vector_store %arg34[%swap3A_336], %mul3A_335 {strides = array<i32>} : memref<2048xf32, #tpu.memory_space<vmem>>, vector<16xf32>,
        %get3A_338 = arith.index_cast %add3A_325 : i32 to index
        %get3A_339 = tpu.vector_load %arg22[%get3A_338] {strides = array<i32>} : memref<2048xf32, #tpu.memory_space<vmem>>, vector<16xf32>,
        %mul3A_340 = arith.mulf %get3A_339, %get3A_327 : vector<16xf32>
        %swap3A_341 = arith.index_cast %add3A_325 : i32 to index
        %swap3A_342 = tpu.vector_load %arg38[%swap3A_341] {strides = array<i32>} : memref<2048xf32, #tpu.memory_space<vmem>>, vector<16xf32>,
        tpu.vector_store %arg38[%swap3A_341], %mul3A_340 {strides = array<i32>} : memref<2048xf32, #tpu.memory_space<vmem>>, vector<16xf32>,
        %mul3A_343 = arith.constant 128 : i32
        %mul3A_344 = arith.muli %mul3A_343, %scan3A_301 : i32
        %add3A_345 = arith.constant 32 : i32
        %add3A_346 = arith.addi %mul3A_344, %add3A_345 : i32
        %get3A_347 = arith.index_cast %add3A_346 : i32 to index
        %get3A_348 = tpu.vector_load %arg26[%get3A_347] {strides = array<i32>} : memref<2048xf32, #tpu.memory_space<vmem>>, vector<16xf32>,
        %get3A_349 = arith.index_cast %add3A_346 : i32 to index
        %get3A_350 = tpu.vector_load %arg14[%get3A_349] {strides = array<i32>} : memref<2048xf32, #tpu.memory_space<vmem>>, vector<16xf32>,
        %mul3A_351 = arith.mulf %get3A_350, %get3A_348 : vector<16xf32>
        %swap3A_352 = arith.index_cast %add3A_346 : i32 to index
        %swap3A_353 = tpu.vector_load %arg30[%swap3A_352] {strides = array<i32>} : memref<2048xf32, #tpu.memory_space<vmem>>, vector<16xf32>,
        tpu.vector_store %arg30[%swap3A_352], %mul3A_351 {strides = array<i32>} : memref<2048xf32, #tpu.memory_space<vmem>>, vector<16xf32>,
        %get3A_354 = arith.index_cast %add3A_346 : i32 to index
        %get3A_355 = tpu.vector_load %arg18[%get3A_354] {strides = array<i32>} : memref<2048xf32, #tpu.memory_space<vmem>>, vector<16xf32>,
        %mul3A_356 = arith.mulf %get3A_355, %get3A_348 : vector<16xf32>
        %swap3A_357 = arith.index_cast %add3A_346 : i32 to index
        %swap3A_358 = tpu.vector_load %arg34[%swap3A_357] {strides = array<i32>} : memref<2048xf32, #tpu.memory_space<vmem>>, vector<16xf32>,
        tpu.vector_store %arg34[%swap3A_357], %mul3A_356 {strides = array<i32>} : memref<2048xf32, #tpu.memory_space<vmem>>, vector<16xf32>,
        %get3A_359 = arith.index_cast %add3A_346 : i32 to index
        %get3A_360 = tpu.vector_load %arg22[%get3A_359] {strides = array<i32>} : memref<2048xf32, #tpu.memory_space<vmem>>, vector<16xf32>,
        %mul3A_361 = arith.mulf %get3A_360, %get3A_348 : vector<16xf32>
        %swap3A_362 = arith.index_cast %add3A_346 : i32 to index
        %swap3A_363 = tpu.vector_load %arg38[%swap3A_362] {strides = array<i32>} : memref<2048xf32, #tpu.memory_space<vmem>>, vector<16xf32>,
        tpu.vector_store %arg38[%swap3A_362], %mul3A_361 {strides = array<i32>} : memref<2048xf32, #tpu.memory_space<vmem>>, vector<16xf32>,
        %mul3A_364 = arith.constant 128 : i32
        %mul3A_365 = arith.muli %mul3A_364, %scan3A_301 : i32
        %add3A_366 = arith.constant 48 : i32
        %add3A_367 = arith.addi %mul3A_365, %add3A_366 : i32
        %get3A_368 = arith.index_cast %add3A_367 : i32 to index
        %get3A_369 = tpu.vector_load %arg26[%get3A_368] {strides = array<i32>} : memref<2048xf32, #tpu.memory_space<vmem>>, vector<16xf32>,
        %get3A_370 = arith.index_cast %add3A_367 : i32 to index
        %get3A_371 = tpu.vector_load %arg14[%get3A_370] {strides = array<i32>} : memref<2048xf32, #tpu.memory_space<vmem>>, vector<16xf32>,
        %mul3A_372 = arith.mulf %get3A_371, %get3A_369 : vector<16xf32>
        %swap3A_373 = arith.index_cast %add3A_367 : i32 to index
        %swap3A_374 = tpu.vector_load %arg30[%swap3A_373] {strides = array<i32>} : memref<2048xf32, #tpu.memory_space<vmem>>, vector<16xf32>,
        tpu.vector_store %arg30[%swap3A_373], %mul3A_372 {strides = array<i32>} : memref<2048xf32, #tpu.memory_space<vmem>>, vector<16xf32>,
        %get3A_375 = arith.index_cast %add3A_367 : i32 to index
        %get3A_376 = tpu.vector_load %arg18[%get3A_375] {strides = array<i32>} : memref<2048xf32, #tpu.memory_space<vmem>>, vector<16xf32>,
        %mul3A_377 = arith.mulf %get3A_376, %get3A_369 : vector<16xf32>
        %swap3A_378 = arith.index_cast %add3A_367 : i32 to index
        %swap3A_379 = tpu.vector_load %arg34[%swap3A_378] {strides = array<i32>} : memref<2048xf32, #tpu.memory_space<vmem>>, vector<16xf32>,
        tpu.vector_store %arg34[%swap3A_378], %mul3A_377 {strides = array<i32>} : memref<2048xf32, #tpu.memory_space<vmem>>, vector<16xf32>,
        %get3A_380 = arith.index_cast %add3A_367 : i32 to index
        %get3A_381 = tpu.vector_load %arg22[%get3A_380] {strides = array<i32>} : memref<2048xf32, #tpu.memory_space<vmem>>, vector<16xf32>,
        %mul3A_382 = arith.mulf %get3A_381, %get3A_369 : vector<16xf32>
        %swap3A_383 = arith.index_cast %add3A_367 : i32 to index
        %swap3A_384 = tpu.vector_load %arg38[%swap3A_383] {strides = array<i32>} : memref<2048xf32, #tpu.memory_space<vmem>>, vector<16xf32>,
        tpu.vector_store %arg38[%swap3A_383], %mul3A_382 {strides = array<i32>} : memref<2048xf32, #tpu.memory_space<vmem>>, vector<16xf32>,
        %mul3A_385 = arith.constant 128 : i32
        %mul3A_386 = arith.muli %mul3A_385, %scan3A_301 : i32
        %add3A_387 = arith.constant 64 : i32
        %add3A_388 = arith.addi %mul3A_386, %add3A_387 : i32
        %get3A_389 = arith.index_cast %add3A_388 : i32 to index
        %get3A_390 = tpu.vector_load %arg26[%get3A_389] {strides = array<i32>} : memref<2048xf32, #tpu.memory_space<vmem>>, vector<16xf32>,
        %get3A_391 = arith.index_cast %add3A_388 : i32 to index
        %get3A_392 = tpu.vector_load %arg14[%get3A_391] {strides = array<i32>} : memref<2048xf32, #tpu.memory_space<vmem>>, vector<16xf32>,
        %mul3A_393 = arith.mulf %get3A_392, %get3A_390 : vector<16xf32>
        %swap3A_394 = arith.index_cast %add3A_388 : i32 to index
        %swap3A_395 = tpu.vector_load %arg30[%swap3A_394] {strides = array<i32>} : memref<2048xf32, #tpu.memory_space<vmem>>, vector<16xf32>,
        tpu.vector_store %arg30[%swap3A_394], %mul3A_393 {strides = array<i32>} : memref<2048xf32, #tpu.memory_space<vmem>>, vector<16xf32>,
        %get3A_396 = arith.index_cast %add3A_388 : i32 to index
        %get3A_397 = tpu.vector_load %arg18[%get3A_396] {strides = array<i32>} : memref<2048xf32, #tpu.memory_space<vmem>>, vector<16xf32>,
        %mul3A_398 = arith.mulf %get3A_397, %get3A_390 : vector<16xf32>
        %swap3A_399 = arith.index_cast %add3A_388 : i32 to index
        %swap3A_400 = tpu.vector_load %arg34[%swap3A_399] {strides = array<i32>} : memref<2048xf32, #tpu.memory_space<vmem>>, vector<16xf32>,
        tpu.vector_store %arg34[%swap3A_399], %mul3A_398 {strides = array<i32>} : memref<2048xf32, #tpu.memory_space<vmem>>, vector<16xf32>,
        %get3A_401 = arith.index_cast %add3A_388 : i32 to index
        %get3A_402 = tpu.vector_load %arg22[%get3A_401] {strides = array<i32>} : memref<2048xf32, #tpu.memory_space<vmem>>, vector<16xf32>,
        %mul3A_403 = arith.mulf %get3A_402, %get3A_390 : vector<16xf32>
        %swap3A_404 = arith.index_cast %add3A_388 : i32 to index
        %swap3A_405 = tpu.vector_load %arg38[%swap3A_404] {strides = array<i32>} : memref<2048xf32, #tpu.memory_space<vmem>>, vector<16xf32>,
        tpu.vector_store %arg38[%swap3A_404], %mul3A_403 {strides = array<i32>} : memref<2048xf32, #tpu.memory_space<vmem>>, vector<16xf32>,
        %mul3A_406 = arith.constant 128 : i32
        %mul3A_407 = arith.muli %mul3A_406, %scan3A_301 : i32
        %add3A_408 = arith.constant 80 : i32
        %add3A_409 = arith.addi %mul3A_407, %add3A_408 : i32
        %get3A_410 = arith.index_cast %add3A_409 : i32 to index
        %get3A_411 = tpu.vector_load %arg26[%get3A_410] {strides = array<i32>} : memref<2048xf32, #tpu.memory_space<vmem>>, vector<16xf32>,
        %get3A_412 = arith.index_cast %add3A_409 : i32 to index
        %get3A_413 = tpu.vector_load %arg14[%get3A_412] {strides = array<i32>} : memref<2048xf32, #tpu.memory_space<vmem>>, vector<16xf32>,
        %mul3A_414 = arith.mulf %get3A_413, %get3A_411 : vector<16xf32>
        %swap3A_415 = arith.index_cast %add3A_409 : i32 to index
        %swap3A_416 = tpu.vector_load %arg30[%swap3A_415] {strides = array<i32>} : memref<2048xf32, #tpu.memory_space<vmem>>, vector<16xf32>,
        tpu.vector_store %arg30[%swap3A_415], %mul3A_414 {strides = array<i32>} : memref<2048xf32, #tpu.memory_space<vmem>>, vector<16xf32>,
        %get3A_417 = arith.index_cast %add3A_409 : i32 to index
        %get3A_418 = tpu.vector_load %arg18[%get3A_417] {strides = array<i32>} : memref<2048xf32, #tpu.memory_space<vmem>>, vector<16xf32>,
        %mul3A_419 = arith.mulf %get3A_418, %get3A_411 : vector<16xf32>
        %swap3A_420 = arith.index_cast %add3A_409 : i32 to index
        %swap3A_421 = tpu.vector_load %arg34[%swap3A_420] {strides = array<i32>} : memref<2048xf32, #tpu.memory_space<vmem>>, vector<16xf32>,
        tpu.vector_store %arg34[%swap3A_420], %mul3A_419 {strides = array<i32>} : memref<2048xf32, #tpu.memory_space<vmem>>, vector<16xf32>,
        %get3A_422 = arith.index_cast %add3A_409 : i32 to index
        %get3A_423 = tpu.vector_load %arg22[%get3A_422] {strides = array<i32>} : memref<2048xf32, #tpu.memory_space<vmem>>, vector<16xf32>,
        %mul3A_424 = arith.mulf %get3A_423, %get3A_411 : vector<16xf32>
        %swap3A_425 = arith.index_cast %add3A_409 : i32 to index
        %swap3A_426 = tpu.vector_load %arg38[%swap3A_425] {strides = array<i32>} : memref<2048xf32, #tpu.memory_space<vmem>>, vector<16xf32>,
        tpu.vector_store %arg38[%swap3A_425], %mul3A_424 {strides = array<i32>} : memref<2048xf32, #tpu.memory_space<vmem>>, vector<16xf32>,
        %mul3A_427 = arith.constant 128 : i32
        %mul3A_428 = arith.muli %mul3A_427, %scan3A_301 : i32
        %add3A_429 = arith.constant 96 : i32
        %add3A_430 = arith.addi %mul3A_428, %add3A_429 : i32
        %get3A_431 = arith.index_cast %add3A_430 : i32 to index
        %get3A_432 = tpu.vector_load %arg26[%get3A_431] {strides = array<i32>} : memref<2048xf32, #tpu.memory_space<vmem>>, vector<16xf32>,
        %get3A_433 = arith.index_cast %add3A_430 : i32 to index
        %get3A_434 = tpu.vector_load %arg14[%get3A_433] {strides = array<i32>} : memref<2048xf32, #tpu.memory_space<vmem>>, vector<16xf32>,
        %mul3A_435 = arith.mulf %get3A_434, %get3A_432 : vector<16xf32>
        %swap3A_436 = arith.index_cast %add3A_430 : i32 to index
        %swap3A_437 = tpu.vector_load %arg30[%swap3A_436] {strides = array<i32>} : memref<2048xf32, #tpu.memory_space<vmem>>, vector<16xf32>,
        tpu.vector_store %arg30[%swap3A_436], %mul3A_435 {strides = array<i32>} : memref<2048xf32, #tpu.memory_space<vmem>>, vector<16xf32>,
        %get3A_438 = arith.index_cast %add3A_430 : i32 to index
        %get3A_439 = tpu.vector_load %arg18[%get3A_438] {strides = array<i32>} : memref<2048xf32, #tpu.memory_space<vmem>>, vector<16xf32>,
        %mul3A_440 = arith.mulf %get3A_439, %get3A_432 : vector<16xf32>
        %swap3A_441 = arith.index_cast %add3A_430 : i32 to index
        %swap3A_442 = tpu.vector_load %arg34[%swap3A_441] {strides = array<i32>} : memref<2048xf32, #tpu.memory_space<vmem>>, vector<16xf32>,
        tpu.vector_store %arg34[%swap3A_441], %mul3A_440 {strides = array<i32>} : memref<2048xf32, #tpu.memory_space<vmem>>, vector<16xf32>,
        %get3A_443 = arith.index_cast %add3A_430 : i32 to index
        %get3A_444 = tpu.vector_load %arg22[%get3A_443] {strides = array<i32>} : memref<2048xf32, #tpu.memory_space<vmem>>, vector<16xf32>,
        %mul3A_445 = arith.mulf %get3A_444, %get3A_432 : vector<16xf32>
        %swap3A_446 = arith.index_cast %add3A_430 : i32 to index
        %swap3A_447 = tpu.vector_load %arg38[%swap3A_446] {strides = array<i32>} : memref<2048xf32, #tpu.memory_space<vmem>>, vector<16xf32>,
        tpu.vector_store %arg38[%swap3A_446], %mul3A_445 {strides = array<i32>} : memref<2048xf32, #tpu.memory_space<vmem>>, vector<16xf32>,
        %mul3A_448 = arith.constant 128 : i32
        %mul3A_449 = arith.muli %mul3A_448, %scan3A_301 : i32
        %add3A_450 = arith.constant 112 : i32
        %add3A_451 = arith.addi %mul3A_449, %add3A_450 : i32
        %get3A_452 = arith.index_cast %add3A_451 : i32 to index
        %get3A_453 = tpu.vector_load %arg26[%get3A_452] {strides = array<i32>} : memref<2048xf32, #tpu.memory_space<vmem>>, vector<16xf32>,
        %get3A_454 = arith.index_cast %add3A_451 : i32 to index
        %get3A_455 = tpu.vector_load %arg14[%get3A_454] {strides = array<i32>} : memref<2048xf32, #tpu.memory_space<vmem>>, vector<16xf32>,
        %mul3A_456 = arith.mulf %get3A_455, %get3A_453 : vector<16xf32>
        %swap3A_457 = arith.index_cast %add3A_451 : i32 to index
        %swap3A_458 = tpu.vector_load %arg30[%swap3A_457] {strides = array<i32>} : memref<2048xf32, #tpu.memory_space<vmem>>, vector<16xf32>,
        tpu.vector_store %arg30[%swap3A_457], %mul3A_456 {strides = array<i32>} : memref<2048xf32, #tpu.memory_space<vmem>>, vector<16xf32>,
        %get3A_459 = arith.index_cast %add3A_451 : i32 to index
        %get3A_460 = tpu.vector_load %arg18[%get3A_459] {strides = array<i32>} : memref<2048xf32, #tpu.memory_space<vmem>>, vector<16xf32>,
        %mul3A_461 = arith.mulf %get3A_460, %get3A_453 : vector<16xf32>
        %swap3A_462 = arith.index_cast %add3A_451 : i32 to index
        %swap3A_463 = tpu.vector_load %arg34[%swap3A_462] {strides = array<i32>} : memref<2048xf32, #tpu.memory_space<vmem>>, vector<16xf32>,
        tpu.vector_store %arg34[%swap3A_462], %mul3A_461 {strides = array<i32>} : memref<2048xf32, #tpu.memory_space<vmem>>, vector<16xf32>,
        %get3A_464 = arith.index_cast %add3A_451 : i32 to index
        %get3A_465 = tpu.vector_load %arg22[%get3A_464] {strides = array<i32>} : memref<2048xf32, #tpu.memory_space<vmem>>, vector<16xf32>,
        %mul3A_466 = arith.mulf %get3A_465, %get3A_453 : vector<16xf32>
        %swap3A_467 = arith.index_cast %add3A_451 : i32 to index
        %swap3A_468 = tpu.vector_load %arg38[%swap3A_467] {strides = array<i32>} : memref<2048xf32, #tpu.memory_space<vmem>>, vector<16xf32>,
        tpu.vector_store %arg38[%swap3A_467], %mul3A_466 {strides = array<i32>} : memref<2048xf32, #tpu.memory_space<vmem>>, vector<16xf32>,
        %scan3A_469 = arith.constant 0 : i32
        scf.yield %scan3A_469 : i32
      }
      %scan3A_196 = arith.constant 16 : i32
      %dma_start3A_197 = arith.constant 0 : i32
      %dma_start3A_198 = tpu.memref_slice %arg41[%dma_start3A_197] : memref<65536xf32, #tpu.memory_space<vmem_shared>> -> memref<65536xf32, #tpu.memory_space<vmem_shared>>
      tpu.enqueue_indirect_dma source(%arg30 : memref<2048xf32, #tpu.memory_space<vmem>>) target(%dma_start3A_198 : memref<65536xf32, #tpu.memory_space<vmem_shared>>) offsets(%arg10 : memref<2048xi32, #tpu.memory_space<vmem>>) semaphore(%arg49 : memref<!tpu.dma_semaphore, #tpu.memory_space<semaphore_mem>>) {add = true}
      %dma_start3A_199 = arith.constant 0 : i32
      %dma_start3A_200 = tpu.memref_slice %arg42[%dma_start3A_199] : memref<65536xf32, #tpu.memory_space<vmem_shared>> -> memref<65536xf32, #tpu.memory_space<vmem_shared>>
      tpu.enqueue_indirect_dma source(%arg34 : memref<2048xf32, #tpu.memory_space<vmem>>) target(%dma_start3A_200 : memref<65536xf32, #tpu.memory_space<vmem_shared>>) offsets(%arg10 : memref<2048xi32, #tpu.memory_space<vmem>>) semaphore(%arg49 : memref<!tpu.dma_semaphore, #tpu.memory_space<semaphore_mem>>) {add = true}
      %dma_start3A_201 = arith.constant 0 : i32
      %dma_start3A_202 = tpu.memref_slice %arg43[%dma_start3A_201] : memref<65536xf32, #tpu.memory_space<vmem_shared>> -> memref<65536xf32, #tpu.memory_space<vmem_shared>>
      tpu.enqueue_indirect_dma source(%arg38 : memref<2048xf32, #tpu.memory_space<vmem>>) target(%dma_start3A_202 : memref<65536xf32, #tpu.memory_space<vmem_shared>>) offsets(%arg10 : memref<2048xi32, #tpu.memory_space<vmem>>) semaphore(%arg49 : memref<!tpu.dma_semaphore, #tpu.memory_space<semaphore_mem>>) {add = true}
      %mul3A_203 = arith.constant 4 : i32
      %mul3A_204 = arith.muli %mul3A_203, %scan3A_130 : i32
      %add3A_205 = arith.constant 2 : i32
      %add3A_206 = arith.addi %mul3A_204, %add3A_205 : i32
      %dma_wait3A_207 = arith.constant 0 : i32
      %dma_wait3A_208 = tpu.memref_slice %arg6[%dma_wait3A_207] : memref<4194304xf32, #tpu.memory_space<hbm>> -> memref<2048xf32, #tpu.memory_space<hbm>>
      %dma_wait3A_209 = arith.constant 0 : i32
      %dma_wait3A_210 = tpu.memref_slice %arg6[%dma_wait3A_209] : memref<4194304xf32, #tpu.memory_space<hbm>> -> memref<2048xf32, #tpu.memory_space<hbm>>
      tpu.wait_dma2 semaphore(%arg48 : memref<!tpu.dma_semaphore, #tpu.memory_space<semaphore_mem>>) src(%dma_wait3A_210 : memref<2048xf32, #tpu.memory_space<hbm>>) dst(%arg25 : memref<2048xf32, #tpu.memory_space<vmem>>)
      %dma_wait3A_211 = arith.constant 0 : i32
      %dma_wait3A_212 = tpu.memref_slice %arg6[%dma_wait3A_211] : memref<4194304xf32, #tpu.memory_space<hbm>> -> memref<2048xf32, #tpu.memory_space<hbm>>
      %dma_wait3A_213 = arith.constant 0 : i32
      %dma_wait3A_214 = tpu.memref_slice %arg6[%dma_wait3A_213] : memref<4194304xf32, #tpu.memory_space<hbm>> -> memref<2048xf32, #tpu.memory_space<hbm>>
      tpu.wait_dma2 semaphore(%arg48 : memref<!tpu.dma_semaphore, #tpu.memory_space<semaphore_mem>>) src(%dma_wait3A_214 : memref<2048xf32, #tpu.memory_space<hbm>>) dst(%arg25 : memref<2048xf32, #tpu.memory_space<vmem>>)
      %dma_wait3A_215 = arith.constant 0 : i32
      %dma_wait3A_216 = tpu.memref_slice %arg6[%dma_wait3A_215] : memref<4194304xf32, #tpu.memory_space<hbm>> -> memref<2048xf32, #tpu.memory_space<hbm>>
      %dma_wait3A_217 = arith.constant 0 : i32
      %dma_wait3A_218 = tpu.memref_slice %arg6[%dma_wait3A_217] : memref<4194304xf32, #tpu.memory_space<hbm>> -> memref<2048xf32, #tpu.memory_space<hbm>>
      tpu.wait_dma2 semaphore(%arg48 : memref<!tpu.dma_semaphore, #tpu.memory_space<semaphore_mem>>) src(%dma_wait3A_218 : memref<2048xf32, #tpu.memory_space<hbm>>) dst(%arg25 : memref<2048xf32, #tpu.memory_space<vmem>>)
      %lt3A = arith.constant 62 : i32
      %lt3A_219 = arith.cmpi slt, %add3A_206, %lt3A : i32
      %convert_element_type3A_220 = arith.extui %lt3A_219 : i1 to i32
      %cond3A_221 = arith.constant 0 : i32
      %cond3A_222 = arith.cmpi ne, %convert_element_type3A_220, %cond3A_221 : i32
      scf.if %cond3A_222 {
        %add3A_301 = arith.constant 2 : i32
        %add3A_302 = arith.addi %add3A_206, %add3A_301 : i32
        %mul3A_303 = arith.constant 131072 : i32
        %mul3A_304 = arith.muli %add3A, %mul3A_303 : i32
        %mul3A_305 = arith.constant 2048 : i32
        %mul3A_306 = arith.muli %add3A_302, %mul3A_305 : i32
        %add3A_307 = arith.addi %mul3A_304, %mul3A_306 : i32
        %dma_start3A_308 = tpu.memref_slice %arg2[%add3A_307] : memref<4194304xi32, #tpu.memory_space<hbm>> -> memref<2048xi32, #tpu.memory_space<hbm>>
        %dma_start3A_309 = tpu.memref_slice %arg2[%add3A_307] : memref<4194304xi32, #tpu.memory_space<hbm>> -> memref<2048xi32, #tpu.memory_space<hbm>>
        tpu.enqueue_dma source(%dma_start3A_309 : memref<2048xi32, #tpu.memory_space<hbm>>) target(%arg9 : memref<2048xi32, #tpu.memory_space<vmem>>) target_semaphore(%arg44 : memref<!tpu.dma_semaphore, #tpu.memory_space<semaphore_mem>>)
        %dma_start3A_310 = tpu.memref_slice %arg6[%add3A_307] : memref<4194304xf32, #tpu.memory_space<hbm>> -> memref<2048xf32, #tpu.memory_space<hbm>>
        %dma_start3A_311 = tpu.memref_slice %arg6[%add3A_307] : memref<4194304xf32, #tpu.memory_space<hbm>> -> memref<2048xf32, #tpu.memory_space<hbm>>
        tpu.enqueue_dma source(%dma_start3A_311 : memref<2048xf32, #tpu.memory_space<hbm>>) target(%arg25 : memref<2048xf32, #tpu.memory_space<vmem>>) target_semaphore(%arg44 : memref<!tpu.dma_semaphore, #tpu.memory_space<semaphore_mem>>)
        %dma_start3A_312 = tpu.memref_slice %arg3[%add3A_307] : memref<4194304xf32, #tpu.memory_space<hbm>> -> memref<2048xf32, #tpu.memory_space<hbm>>
        %dma_start3A_313 = tpu.memref_slice %arg3[%add3A_307] : memref<4194304xf32, #tpu.memory_space<hbm>> -> memref<2048xf32, #tpu.memory_space<hbm>>
        tpu.enqueue_dma source(%dma_start3A_313 : memref<2048xf32, #tpu.memory_space<hbm>>) target(%arg13 : memref<2048xf32, #tpu.memory_space<vmem>>) target_semaphore(%arg44 : memref<!tpu.dma_semaphore, #tpu.memory_space<semaphore_mem>>)
        %dma_start3A_314 = tpu.memref_slice %arg4[%add3A_307] : memref<4194304xf32, #tpu.memory_space<hbm>> -> memref<2048xf32, #tpu.memory_space<hbm>>
        %dma_start3A_315 = tpu.memref_slice %arg4[%add3A_307] : memref<4194304xf32, #tpu.memory_space<hbm>> -> memref<2048xf32, #tpu.memory_space<hbm>>
        tpu.enqueue_dma source(%dma_start3A_315 : memref<2048xf32, #tpu.memory_space<hbm>>) target(%arg17 : memref<2048xf32, #tpu.memory_space<vmem>>) target_semaphore(%arg44 : memref<!tpu.dma_semaphore, #tpu.memory_space<semaphore_mem>>)
        %dma_start3A_316 = tpu.memref_slice %arg5[%add3A_307] : memref<4194304xf32, #tpu.memory_space<hbm>> -> memref<2048xf32, #tpu.memory_space<hbm>>
        %dma_start3A_317 = tpu.memref_slice %arg5[%add3A_307] : memref<4194304xf32, #tpu.memory_space<hbm>> -> memref<2048xf32, #tpu.memory_space<hbm>>
        tpu.enqueue_dma source(%dma_start3A_317 : memref<2048xf32, #tpu.memory_space<hbm>>) target(%arg21 : memref<2048xf32, #tpu.memory_space<vmem>>) target_semaphore(%arg44 : memref<!tpu.dma_semaphore, #tpu.memory_space<semaphore_mem>>)
      } else {
      }
      %mul3A_223 = arith.constant 131072 : i32
      %mul3A_224 = arith.muli %add3A, %mul3A_223 : i32
      %mul3A_225 = arith.constant 2048 : i32
      %mul3A_226 = arith.muli %add3A_206, %mul3A_225 : i32
      %add3A_227 = arith.addi %mul3A_224, %mul3A_226 : i32
      %dma_wait3A_228 = tpu.memref_slice %arg2[%add3A_227] : memref<4194304xi32, #tpu.memory_space<hbm>> -> memref<2048xi32, #tpu.memory_space<hbm>>
      %dma_wait3A_229 = tpu.memref_slice %arg2[%add3A_227] : memref<4194304xi32, #tpu.memory_space<hbm>> -> memref<2048xi32, #tpu.memory_space<hbm>>
      tpu.wait_dma2 semaphore(%arg46 : memref<!tpu.dma_semaphore, #tpu.memory_space<semaphore_mem>>) src(%dma_wait3A_229 : memref<2048xi32, #tpu.memory_space<hbm>>) dst(%arg11 : memref<2048xi32, #tpu.memory_space<vmem>>)
      %dma_wait3A_230 = tpu.memref_slice %arg6[%add3A_227] : memref<4194304xf32, #tpu.memory_space<hbm>> -> memref<2048xf32, #tpu.memory_space<hbm>>
      %dma_wait3A_231 = tpu.memref_slice %arg6[%add3A_227] : memref<4194304xf32, #tpu.memory_space<hbm>> -> memref<2048xf32, #tpu.memory_space<hbm>>
      tpu.wait_dma2 semaphore(%arg46 : memref<!tpu.dma_semaphore, #tpu.memory_space<semaphore_mem>>) src(%dma_wait3A_231 : memref<2048xf32, #tpu.memory_space<hbm>>) dst(%arg27 : memref<2048xf32, #tpu.memory_space<vmem>>)
      %dma_wait3A_232 = tpu.memref_slice %arg3[%add3A_227] : memref<4194304xf32, #tpu.memory_space<hbm>> -> memref<2048xf32, #tpu.memory_space<hbm>>
      %dma_wait3A_233 = tpu.memref_slice %arg3[%add3A_227] : memref<4194304xf32, #tpu.memory_space<hbm>> -> memref<2048xf32, #tpu.memory_space<hbm>>
      tpu.wait_dma2 semaphore(%arg46 : memref<!tpu.dma_semaphore, #tpu.memory_space<semaphore_mem>>) src(%dma_wait3A_233 : memref<2048xf32, #tpu.memory_space<hbm>>) dst(%arg15 : memref<2048xf32, #tpu.memory_space<vmem>>)
      %dma_wait3A_234 = tpu.memref_slice %arg4[%add3A_227] : memref<4194304xf32, #tpu.memory_space<hbm>> -> memref<2048xf32, #tpu.memory_space<hbm>>
      %dma_wait3A_235 = tpu.memref_slice %arg4[%add3A_227] : memref<4194304xf32, #tpu.memory_space<hbm>> -> memref<2048xf32, #tpu.memory_space<hbm>>
      tpu.wait_dma2 semaphore(%arg46 : memref<!tpu.dma_semaphore, #tpu.memory_space<semaphore_mem>>) src(%dma_wait3A_235 : memref<2048xf32, #tpu.memory_space<hbm>>) dst(%arg19 : memref<2048xf32, #tpu.memory_space<vmem>>)
      %dma_wait3A_236 = tpu.memref_slice %arg5[%add3A_227] : memref<4194304xf32, #tpu.memory_space<hbm>> -> memref<2048xf32, #tpu.memory_space<hbm>>
      %dma_wait3A_237 = tpu.memref_slice %arg5[%add3A_227] : memref<4194304xf32, #tpu.memory_space<hbm>> -> memref<2048xf32, #tpu.memory_space<hbm>>
      tpu.wait_dma2 semaphore(%arg46 : memref<!tpu.dma_semaphore, #tpu.memory_space<semaphore_mem>>) src(%dma_wait3A_237 : memref<2048xf32, #tpu.memory_space<hbm>>) dst(%arg23 : memref<2048xf32, #tpu.memory_space<vmem>>)
      %scan3A_238 = arith.constant 0 : i32
      %scan3A_239 = arith.constant 0 : i32
      %scan3A_240 = arith.constant 16 : i32
      %scan3A_241 = arith.addi %scan3A_239, %scan3A_240 : i32
      %scan3A_242 = arith.constant 1 : i32
      %scan3A_243 = scf.for %scan3A_301 = %scan3A_239 to %scan3A_241 step %scan3A_242 iter_args(%scan3A_302 = %scan3A_238) -> (i32)  : i32 {
        %mul3A_303 = arith.constant 128 : i32
        %mul3A_304 = arith.muli %mul3A_303, %scan3A_301 : i32
        %add3A_305 = arith.constant 0 : i32
        %add3A_306 = arith.addi %mul3A_304, %add3A_305 : i32
        %get3A = arith.index_cast %add3A_306 : i32 to index
        %get3A_307 = tpu.vector_load %arg27[%get3A] {strides = array<i32>} : memref<2048xf32, #tpu.memory_space<vmem>>, vector<16xf32>,
        %get3A_308 = arith.index_cast %add3A_306 : i32 to index
        %get3A_309 = tpu.vector_load %arg15[%get3A_308] {strides = array<i32>} : memref<2048xf32, #tpu.memory_space<vmem>>, vector<16xf32>,
        %mul3A_310 = arith.mulf %get3A_309, %get3A_307 : vector<16xf32>
        %swap3A = arith.index_cast %add3A_306 : i32 to index
        %swap3A_311 = tpu.vector_load %arg31[%swap3A] {strides = array<i32>} : memref<2048xf32, #tpu.memory_space<vmem>>, vector<16xf32>,
        tpu.vector_store %arg31[%swap3A], %mul3A_310 {strides = array<i32>} : memref<2048xf32, #tpu.memory_space<vmem>>, vector<16xf32>,
        %get3A_312 = arith.index_cast %add3A_306 : i32 to index
        %get3A_313 = tpu.vector_load %arg19[%get3A_312] {strides = array<i32>} : memref<2048xf32, #tpu.memory_space<vmem>>, vector<16xf32>,
        %mul3A_314 = arith.mulf %get3A_313, %get3A_307 : vector<16xf32>
        %swap3A_315 = arith.index_cast %add3A_306 : i32 to index
        %swap3A_316 = tpu.vector_load %arg35[%swap3A_315] {strides = array<i32>} : memref<2048xf32, #tpu.memory_space<vmem>>, vector<16xf32>,
        tpu.vector_store %arg35[%swap3A_315], %mul3A_314 {strides = array<i32>} : memref<2048xf32, #tpu.memory_space<vmem>>, vector<16xf32>,
        %get3A_317 = arith.index_cast %add3A_306 : i32 to index
        %get3A_318 = tpu.vector_load %arg23[%get3A_317] {strides = array<i32>} : memref<2048xf32, #tpu.memory_space<vmem>>, vector<16xf32>,
        %mul3A_319 = arith.mulf %get3A_318, %get3A_307 : vector<16xf32>
        %swap3A_320 = arith.index_cast %add3A_306 : i32 to index
        %swap3A_321 = tpu.vector_load %arg39[%swap3A_320] {strides = array<i32>} : memref<2048xf32, #tpu.memory_space<vmem>>, vector<16xf32>,
        tpu.vector_store %arg39[%swap3A_320], %mul3A_319 {strides = array<i32>} : memref<2048xf32, #tpu.memory_space<vmem>>, vector<16xf32>,
        %mul3A_322 = arith.constant 128 : i32
        %mul3A_323 = arith.muli %mul3A_322, %scan3A_301 : i32
        %add3A_324 = arith.constant 16 : i32
        %add3A_325 = arith.addi %mul3A_323, %add3A_324 : i32
        %get3A_326 = arith.index_cast %add3A_325 : i32 to index
        %get3A_327 = tpu.vector_load %arg27[%get3A_326] {strides = array<i32>} : memref<2048xf32, #tpu.memory_space<vmem>>, vector<16xf32>,
        %get3A_328 = arith.index_cast %add3A_325 : i32 to index
        %get3A_329 = tpu.vector_load %arg15[%get3A_328] {strides = array<i32>} : memref<2048xf32, #tpu.memory_space<vmem>>, vector<16xf32>,
        %mul3A_330 = arith.mulf %get3A_329, %get3A_327 : vector<16xf32>
        %swap3A_331 = arith.index_cast %add3A_325 : i32 to index
        %swap3A_332 = tpu.vector_load %arg31[%swap3A_331] {strides = array<i32>} : memref<2048xf32, #tpu.memory_space<vmem>>, vector<16xf32>,
        tpu.vector_store %arg31[%swap3A_331], %mul3A_330 {strides = array<i32>} : memref<2048xf32, #tpu.memory_space<vmem>>, vector<16xf32>,
        %get3A_333 = arith.index_cast %add3A_325 : i32 to index
        %get3A_334 = tpu.vector_load %arg19[%get3A_333] {strides = array<i32>} : memref<2048xf32, #tpu.memory_space<vmem>>, vector<16xf32>,
        %mul3A_335 = arith.mulf %get3A_334, %get3A_327 : vector<16xf32>
        %swap3A_336 = arith.index_cast %add3A_325 : i32 to index
        %swap3A_337 = tpu.vector_load %arg35[%swap3A_336] {strides = array<i32>} : memref<2048xf32, #tpu.memory_space<vmem>>, vector<16xf32>,
        tpu.vector_store %arg35[%swap3A_336], %mul3A_335 {strides = array<i32>} : memref<2048xf32, #tpu.memory_space<vmem>>, vector<16xf32>,
        %get3A_338 = arith.index_cast %add3A_325 : i32 to index
        %get3A_339 = tpu.vector_load %arg23[%get3A_338] {strides = array<i32>} : memref<2048xf32, #tpu.memory_space<vmem>>, vector<16xf32>,
        %mul3A_340 = arith.mulf %get3A_339, %get3A_327 : vector<16xf32>
        %swap3A_341 = arith.index_cast %add3A_325 : i32 to index
        %swap3A_342 = tpu.vector_load %arg39[%swap3A_341] {strides = array<i32>} : memref<2048xf32, #tpu.memory_space<vmem>>, vector<16xf32>,
        tpu.vector_store %arg39[%swap3A_341], %mul3A_340 {strides = array<i32>} : memref<2048xf32, #tpu.memory_space<vmem>>, vector<16xf32>,
        %mul3A_343 = arith.constant 128 : i32
        %mul3A_344 = arith.muli %mul3A_343, %scan3A_301 : i32
        %add3A_345 = arith.constant 32 : i32
        %add3A_346 = arith.addi %mul3A_344, %add3A_345 : i32
        %get3A_347 = arith.index_cast %add3A_346 : i32 to index
        %get3A_348 = tpu.vector_load %arg27[%get3A_347] {strides = array<i32>} : memref<2048xf32, #tpu.memory_space<vmem>>, vector<16xf32>,
        %get3A_349 = arith.index_cast %add3A_346 : i32 to index
        %get3A_350 = tpu.vector_load %arg15[%get3A_349] {strides = array<i32>} : memref<2048xf32, #tpu.memory_space<vmem>>, vector<16xf32>,
        %mul3A_351 = arith.mulf %get3A_350, %get3A_348 : vector<16xf32>
        %swap3A_352 = arith.index_cast %add3A_346 : i32 to index
        %swap3A_353 = tpu.vector_load %arg31[%swap3A_352] {strides = array<i32>} : memref<2048xf32, #tpu.memory_space<vmem>>, vector<16xf32>,
        tpu.vector_store %arg31[%swap3A_352], %mul3A_351 {strides = array<i32>} : memref<2048xf32, #tpu.memory_space<vmem>>, vector<16xf32>,
        %get3A_354 = arith.index_cast %add3A_346 : i32 to index
        %get3A_355 = tpu.vector_load %arg19[%get3A_354] {strides = array<i32>} : memref<2048xf32, #tpu.memory_space<vmem>>, vector<16xf32>,
        %mul3A_356 = arith.mulf %get3A_355, %get3A_348 : vector<16xf32>
        %swap3A_357 = arith.index_cast %add3A_346 : i32 to index
        %swap3A_358 = tpu.vector_load %arg35[%swap3A_357] {strides = array<i32>} : memref<2048xf32, #tpu.memory_space<vmem>>, vector<16xf32>,
        tpu.vector_store %arg35[%swap3A_357], %mul3A_356 {strides = array<i32>} : memref<2048xf32, #tpu.memory_space<vmem>>, vector<16xf32>,
        %get3A_359 = arith.index_cast %add3A_346 : i32 to index
        %get3A_360 = tpu.vector_load %arg23[%get3A_359] {strides = array<i32>} : memref<2048xf32, #tpu.memory_space<vmem>>, vector<16xf32>,
        %mul3A_361 = arith.mulf %get3A_360, %get3A_348 : vector<16xf32>
        %swap3A_362 = arith.index_cast %add3A_346 : i32 to index
        %swap3A_363 = tpu.vector_load %arg39[%swap3A_362] {strides = array<i32>} : memref<2048xf32, #tpu.memory_space<vmem>>, vector<16xf32>,
        tpu.vector_store %arg39[%swap3A_362], %mul3A_361 {strides = array<i32>} : memref<2048xf32, #tpu.memory_space<vmem>>, vector<16xf32>,
        %mul3A_364 = arith.constant 128 : i32
        %mul3A_365 = arith.muli %mul3A_364, %scan3A_301 : i32
        %add3A_366 = arith.constant 48 : i32
        %add3A_367 = arith.addi %mul3A_365, %add3A_366 : i32
        %get3A_368 = arith.index_cast %add3A_367 : i32 to index
        %get3A_369 = tpu.vector_load %arg27[%get3A_368] {strides = array<i32>} : memref<2048xf32, #tpu.memory_space<vmem>>, vector<16xf32>,
        %get3A_370 = arith.index_cast %add3A_367 : i32 to index
        %get3A_371 = tpu.vector_load %arg15[%get3A_370] {strides = array<i32>} : memref<2048xf32, #tpu.memory_space<vmem>>, vector<16xf32>,
        %mul3A_372 = arith.mulf %get3A_371, %get3A_369 : vector<16xf32>
        %swap3A_373 = arith.index_cast %add3A_367 : i32 to index
        %swap3A_374 = tpu.vector_load %arg31[%swap3A_373] {strides = array<i32>} : memref<2048xf32, #tpu.memory_space<vmem>>, vector<16xf32>,
        tpu.vector_store %arg31[%swap3A_373], %mul3A_372 {strides = array<i32>} : memref<2048xf32, #tpu.memory_space<vmem>>, vector<16xf32>,
        %get3A_375 = arith.index_cast %add3A_367 : i32 to index
        %get3A_376 = tpu.vector_load %arg19[%get3A_375] {strides = array<i32>} : memref<2048xf32, #tpu.memory_space<vmem>>, vector<16xf32>,
        %mul3A_377 = arith.mulf %get3A_376, %get3A_369 : vector<16xf32>
        %swap3A_378 = arith.index_cast %add3A_367 : i32 to index
        %swap3A_379 = tpu.vector_load %arg35[%swap3A_378] {strides = array<i32>} : memref<2048xf32, #tpu.memory_space<vmem>>, vector<16xf32>,
        tpu.vector_store %arg35[%swap3A_378], %mul3A_377 {strides = array<i32>} : memref<2048xf32, #tpu.memory_space<vmem>>, vector<16xf32>,
        %get3A_380 = arith.index_cast %add3A_367 : i32 to index
        %get3A_381 = tpu.vector_load %arg23[%get3A_380] {strides = array<i32>} : memref<2048xf32, #tpu.memory_space<vmem>>, vector<16xf32>,
        %mul3A_382 = arith.mulf %get3A_381, %get3A_369 : vector<16xf32>
        %swap3A_383 = arith.index_cast %add3A_367 : i32 to index
        %swap3A_384 = tpu.vector_load %arg39[%swap3A_383] {strides = array<i32>} : memref<2048xf32, #tpu.memory_space<vmem>>, vector<16xf32>,
        tpu.vector_store %arg39[%swap3A_383], %mul3A_382 {strides = array<i32>} : memref<2048xf32, #tpu.memory_space<vmem>>, vector<16xf32>,
        %mul3A_385 = arith.constant 128 : i32
        %mul3A_386 = arith.muli %mul3A_385, %scan3A_301 : i32
        %add3A_387 = arith.constant 64 : i32
        %add3A_388 = arith.addi %mul3A_386, %add3A_387 : i32
        %get3A_389 = arith.index_cast %add3A_388 : i32 to index
        %get3A_390 = tpu.vector_load %arg27[%get3A_389] {strides = array<i32>} : memref<2048xf32, #tpu.memory_space<vmem>>, vector<16xf32>,
        %get3A_391 = arith.index_cast %add3A_388 : i32 to index
        %get3A_392 = tpu.vector_load %arg15[%get3A_391] {strides = array<i32>} : memref<2048xf32, #tpu.memory_space<vmem>>, vector<16xf32>,
        %mul3A_393 = arith.mulf %get3A_392, %get3A_390 : vector<16xf32>
        %swap3A_394 = arith.index_cast %add3A_388 : i32 to index
        %swap3A_395 = tpu.vector_load %arg31[%swap3A_394] {strides = array<i32>} : memref<2048xf32, #tpu.memory_space<vmem>>, vector<16xf32>,
        tpu.vector_store %arg31[%swap3A_394], %mul3A_393 {strides = array<i32>} : memref<2048xf32, #tpu.memory_space<vmem>>, vector<16xf32>,
        %get3A_396 = arith.index_cast %add3A_388 : i32 to index
        %get3A_397 = tpu.vector_load %arg19[%get3A_396] {strides = array<i32>} : memref<2048xf32, #tpu.memory_space<vmem>>, vector<16xf32>,
        %mul3A_398 = arith.mulf %get3A_397, %get3A_390 : vector<16xf32>
        %swap3A_399 = arith.index_cast %add3A_388 : i32 to index
        %swap3A_400 = tpu.vector_load %arg35[%swap3A_399] {strides = array<i32>} : memref<2048xf32, #tpu.memory_space<vmem>>, vector<16xf32>,
        tpu.vector_store %arg35[%swap3A_399], %mul3A_398 {strides = array<i32>} : memref<2048xf32, #tpu.memory_space<vmem>>, vector<16xf32>,
        %get3A_401 = arith.index_cast %add3A_388 : i32 to index
        %get3A_402 = tpu.vector_load %arg23[%get3A_401] {strides = array<i32>} : memref<2048xf32, #tpu.memory_space<vmem>>, vector<16xf32>,
        %mul3A_403 = arith.mulf %get3A_402, %get3A_390 : vector<16xf32>
        %swap3A_404 = arith.index_cast %add3A_388 : i32 to index
        %swap3A_405 = tpu.vector_load %arg39[%swap3A_404] {strides = array<i32>} : memref<2048xf32, #tpu.memory_space<vmem>>, vector<16xf32>,
        tpu.vector_store %arg39[%swap3A_404], %mul3A_403 {strides = array<i32>} : memref<2048xf32, #tpu.memory_space<vmem>>, vector<16xf32>,
        %mul3A_406 = arith.constant 128 : i32
        %mul3A_407 = arith.muli %mul3A_406, %scan3A_301 : i32
        %add3A_408 = arith.constant 80 : i32
        %add3A_409 = arith.addi %mul3A_407, %add3A_408 : i32
        %get3A_410 = arith.index_cast %add3A_409 : i32 to index
        %get3A_411 = tpu.vector_load %arg27[%get3A_410] {strides = array<i32>} : memref<2048xf32, #tpu.memory_space<vmem>>, vector<16xf32>,
        %get3A_412 = arith.index_cast %add3A_409 : i32 to index
        %get3A_413 = tpu.vector_load %arg15[%get3A_412] {strides = array<i32>} : memref<2048xf32, #tpu.memory_space<vmem>>, vector<16xf32>,
        %mul3A_414 = arith.mulf %get3A_413, %get3A_411 : vector<16xf32>
        %swap3A_415 = arith.index_cast %add3A_409 : i32 to index
        %swap3A_416 = tpu.vector_load %arg31[%swap3A_415] {strides = array<i32>} : memref<2048xf32, #tpu.memory_space<vmem>>, vector<16xf32>,
        tpu.vector_store %arg31[%swap3A_415], %mul3A_414 {strides = array<i32>} : memref<2048xf32, #tpu.memory_space<vmem>>, vector<16xf32>,
        %get3A_417 = arith.index_cast %add3A_409 : i32 to index
        %get3A_418 = tpu.vector_load %arg19[%get3A_417] {strides = array<i32>} : memref<2048xf32, #tpu.memory_space<vmem>>, vector<16xf32>,
        %mul3A_419 = arith.mulf %get3A_418, %get3A_411 : vector<16xf32>
        %swap3A_420 = arith.index_cast %add3A_409 : i32 to index
        %swap3A_421 = tpu.vector_load %arg35[%swap3A_420] {strides = array<i32>} : memref<2048xf32, #tpu.memory_space<vmem>>, vector<16xf32>,
        tpu.vector_store %arg35[%swap3A_420], %mul3A_419 {strides = array<i32>} : memref<2048xf32, #tpu.memory_space<vmem>>, vector<16xf32>,
        %get3A_422 = arith.index_cast %add3A_409 : i32 to index
        %get3A_423 = tpu.vector_load %arg23[%get3A_422] {strides = array<i32>} : memref<2048xf32, #tpu.memory_space<vmem>>, vector<16xf32>,
        %mul3A_424 = arith.mulf %get3A_423, %get3A_411 : vector<16xf32>
        %swap3A_425 = arith.index_cast %add3A_409 : i32 to index
        %swap3A_426 = tpu.vector_load %arg39[%swap3A_425] {strides = array<i32>} : memref<2048xf32, #tpu.memory_space<vmem>>, vector<16xf32>,
        tpu.vector_store %arg39[%swap3A_425], %mul3A_424 {strides = array<i32>} : memref<2048xf32, #tpu.memory_space<vmem>>, vector<16xf32>,
        %mul3A_427 = arith.constant 128 : i32
        %mul3A_428 = arith.muli %mul3A_427, %scan3A_301 : i32
        %add3A_429 = arith.constant 96 : i32
        %add3A_430 = arith.addi %mul3A_428, %add3A_429 : i32
        %get3A_431 = arith.index_cast %add3A_430 : i32 to index
        %get3A_432 = tpu.vector_load %arg27[%get3A_431] {strides = array<i32>} : memref<2048xf32, #tpu.memory_space<vmem>>, vector<16xf32>,
        %get3A_433 = arith.index_cast %add3A_430 : i32 to index
        %get3A_434 = tpu.vector_load %arg15[%get3A_433] {strides = array<i32>} : memref<2048xf32, #tpu.memory_space<vmem>>, vector<16xf32>,
        %mul3A_435 = arith.mulf %get3A_434, %get3A_432 : vector<16xf32>
        %swap3A_436 = arith.index_cast %add3A_430 : i32 to index
        %swap3A_437 = tpu.vector_load %arg31[%swap3A_436] {strides = array<i32>} : memref<2048xf32, #tpu.memory_space<vmem>>, vector<16xf32>,
        tpu.vector_store %arg31[%swap3A_436], %mul3A_435 {strides = array<i32>} : memref<2048xf32, #tpu.memory_space<vmem>>, vector<16xf32>,
        %get3A_438 = arith.index_cast %add3A_430 : i32 to index
        %get3A_439 = tpu.vector_load %arg19[%get3A_438] {strides = array<i32>} : memref<2048xf32, #tpu.memory_space<vmem>>, vector<16xf32>,
        %mul3A_440 = arith.mulf %get3A_439, %get3A_432 : vector<16xf32>
        %swap3A_441 = arith.index_cast %add3A_430 : i32 to index
        %swap3A_442 = tpu.vector_load %arg35[%swap3A_441] {strides = array<i32>} : memref<2048xf32, #tpu.memory_space<vmem>>, vector<16xf32>,
        tpu.vector_store %arg35[%swap3A_441], %mul3A_440 {strides = array<i32>} : memref<2048xf32, #tpu.memory_space<vmem>>, vector<16xf32>,
        %get3A_443 = arith.index_cast %add3A_430 : i32 to index
        %get3A_444 = tpu.vector_load %arg23[%get3A_443] {strides = array<i32>} : memref<2048xf32, #tpu.memory_space<vmem>>, vector<16xf32>,
        %mul3A_445 = arith.mulf %get3A_444, %get3A_432 : vector<16xf32>
        %swap3A_446 = arith.index_cast %add3A_430 : i32 to index
        %swap3A_447 = tpu.vector_load %arg39[%swap3A_446] {strides = array<i32>} : memref<2048xf32, #tpu.memory_space<vmem>>, vector<16xf32>,
        tpu.vector_store %arg39[%swap3A_446], %mul3A_445 {strides = array<i32>} : memref<2048xf32, #tpu.memory_space<vmem>>, vector<16xf32>,
        %mul3A_448 = arith.constant 128 : i32
        %mul3A_449 = arith.muli %mul3A_448, %scan3A_301 : i32
        %add3A_450 = arith.constant 112 : i32
        %add3A_451 = arith.addi %mul3A_449, %add3A_450 : i32
        %get3A_452 = arith.index_cast %add3A_451 : i32 to index
        %get3A_453 = tpu.vector_load %arg27[%get3A_452] {strides = array<i32>} : memref<2048xf32, #tpu.memory_space<vmem>>, vector<16xf32>,
        %get3A_454 = arith.index_cast %add3A_451 : i32 to index
        %get3A_455 = tpu.vector_load %arg15[%get3A_454] {strides = array<i32>} : memref<2048xf32, #tpu.memory_space<vmem>>, vector<16xf32>,
        %mul3A_456 = arith.mulf %get3A_455, %get3A_453 : vector<16xf32>
        %swap3A_457 = arith.index_cast %add3A_451 : i32 to index
        %swap3A_458 = tpu.vector_load %arg31[%swap3A_457] {strides = array<i32>} : memref<2048xf32, #tpu.memory_space<vmem>>, vector<16xf32>,
        tpu.vector_store %arg31[%swap3A_457], %mul3A_456 {strides = array<i32>} : memref<2048xf32, #tpu.memory_space<vmem>>, vector<16xf32>,
        %get3A_459 = arith.index_cast %add3A_451 : i32 to index
        %get3A_460 = tpu.vector_load %arg19[%get3A_459] {strides = array<i32>} : memref<2048xf32, #tpu.memory_space<vmem>>, vector<16xf32>,
        %mul3A_461 = arith.mulf %get3A_460, %get3A_453 : vector<16xf32>
        %swap3A_462 = arith.index_cast %add3A_451 : i32 to index
        %swap3A_463 = tpu.vector_load %arg35[%swap3A_462] {strides = array<i32>} : memref<2048xf32, #tpu.memory_space<vmem>>, vector<16xf32>,
        tpu.vector_store %arg35[%swap3A_462], %mul3A_461 {strides = array<i32>} : memref<2048xf32, #tpu.memory_space<vmem>>, vector<16xf32>,
        %get3A_464 = arith.index_cast %add3A_451 : i32 to index
        %get3A_465 = tpu.vector_load %arg23[%get3A_464] {strides = array<i32>} : memref<2048xf32, #tpu.memory_space<vmem>>, vector<16xf32>,
        %mul3A_466 = arith.mulf %get3A_465, %get3A_453 : vector<16xf32>
        %swap3A_467 = arith.index_cast %add3A_451 : i32 to index
        %swap3A_468 = tpu.vector_load %arg39[%swap3A_467] {strides = array<i32>} : memref<2048xf32, #tpu.memory_space<vmem>>, vector<16xf32>,
        tpu.vector_store %arg39[%swap3A_467], %mul3A_466 {strides = array<i32>} : memref<2048xf32, #tpu.memory_space<vmem>>, vector<16xf32>,
        %scan3A_469 = arith.constant 0 : i32
        scf.yield %scan3A_469 : i32
      }
      %scan3A_244 = arith.constant 16 : i32
      %dma_start3A_245 = arith.constant 0 : i32
      %dma_start3A_246 = tpu.memref_slice %arg41[%dma_start3A_245] : memref<65536xf32, #tpu.memory_space<vmem_shared>> -> memref<65536xf32, #tpu.memory_space<vmem_shared>>
      tpu.enqueue_indirect_dma source(%arg31 : memref<2048xf32, #tpu.memory_space<vmem>>) target(%dma_start3A_246 : memref<65536xf32, #tpu.memory_space<vmem_shared>>) offsets(%arg11 : memref<2048xi32, #tpu.memory_space<vmem>>) semaphore(%arg50 : memref<!tpu.dma_semaphore, #tpu.memory_space<semaphore_mem>>) {add = true}
      %dma_start3A_247 = arith.constant 0 : i32
      %dma_start3A_248 = tpu.memref_slice %arg42[%dma_start3A_247] : memref<65536xf32, #tpu.memory_space<vmem_shared>> -> memref<65536xf32, #tpu.memory_space<vmem_shared>>
      tpu.enqueue_indirect_dma source(%arg35 : memref<2048xf32, #tpu.memory_space<vmem>>) target(%dma_start3A_248 : memref<65536xf32, #tpu.memory_space<vmem_shared>>) offsets(%arg11 : memref<2048xi32, #tpu.memory_space<vmem>>) semaphore(%arg50 : memref<!tpu.dma_semaphore, #tpu.memory_space<semaphore_mem>>) {add = true}
      %dma_start3A_249 = arith.constant 0 : i32
      %dma_start3A_250 = tpu.memref_slice %arg43[%dma_start3A_249] : memref<65536xf32, #tpu.memory_space<vmem_shared>> -> memref<65536xf32, #tpu.memory_space<vmem_shared>>
      tpu.enqueue_indirect_dma source(%arg39 : memref<2048xf32, #tpu.memory_space<vmem>>) target(%dma_start3A_250 : memref<65536xf32, #tpu.memory_space<vmem_shared>>) offsets(%arg11 : memref<2048xi32, #tpu.memory_space<vmem>>) semaphore(%arg50 : memref<!tpu.dma_semaphore, #tpu.memory_space<semaphore_mem>>) {add = true}
      %mul3A_251 = arith.constant 4 : i32
      %mul3A_252 = arith.muli %mul3A_251, %scan3A_130 : i32
      %add3A_253 = arith.constant 3 : i32
      %add3A_254 = arith.addi %mul3A_252, %add3A_253 : i32
      %dma_wait3A_255 = arith.constant 0 : i32
      %dma_wait3A_256 = tpu.memref_slice %arg6[%dma_wait3A_255] : memref<4194304xf32, #tpu.memory_space<hbm>> -> memref<2048xf32, #tpu.memory_space<hbm>>
      %dma_wait3A_257 = arith.constant 0 : i32
      %dma_wait3A_258 = tpu.memref_slice %arg6[%dma_wait3A_257] : memref<4194304xf32, #tpu.memory_space<hbm>> -> memref<2048xf32, #tpu.memory_space<hbm>>
      tpu.wait_dma2 semaphore(%arg49 : memref<!tpu.dma_semaphore, #tpu.memory_space<semaphore_mem>>) src(%dma_wait3A_258 : memref<2048xf32, #tpu.memory_space<hbm>>) dst(%arg26 : memref<2048xf32, #tpu.memory_space<vmem>>)
      %dma_wait3A_259 = arith.constant 0 : i32
      %dma_wait3A_260 = tpu.memref_slice %arg6[%dma_wait3A_259] : memref<4194304xf32, #tpu.memory_space<hbm>> -> memref<2048xf32, #tpu.memory_space<hbm>>
      %dma_wait3A_261 = arith.constant 0 : i32
      %dma_wait3A_262 = tpu.memref_slice %arg6[%dma_wait3A_261] : memref<4194304xf32, #tpu.memory_space<hbm>> -> memref<2048xf32, #tpu.memory_space<hbm>>
      tpu.wait_dma2 semaphore(%arg49 : memref<!tpu.dma_semaphore, #tpu.memory_space<semaphore_mem>>) src(%dma_wait3A_262 : memref<2048xf32, #tpu.memory_space<hbm>>) dst(%arg26 : memref<2048xf32, #tpu.memory_space<vmem>>)
      %dma_wait3A_263 = arith.constant 0 : i32
      %dma_wait3A_264 = tpu.memref_slice %arg6[%dma_wait3A_263] : memref<4194304xf32, #tpu.memory_space<hbm>> -> memref<2048xf32, #tpu.memory_space<hbm>>
      %dma_wait3A_265 = arith.constant 0 : i32
      %dma_wait3A_266 = tpu.memref_slice %arg6[%dma_wait3A_265] : memref<4194304xf32, #tpu.memory_space<hbm>> -> memref<2048xf32, #tpu.memory_space<hbm>>
      tpu.wait_dma2 semaphore(%arg49 : memref<!tpu.dma_semaphore, #tpu.memory_space<semaphore_mem>>) src(%dma_wait3A_266 : memref<2048xf32, #tpu.memory_space<hbm>>) dst(%arg26 : memref<2048xf32, #tpu.memory_space<vmem>>)
      %lt3A_267 = arith.constant 62 : i32
      %lt3A_268 = arith.cmpi slt, %add3A_254, %lt3A_267 : i32
      %convert_element_type3A_269 = arith.extui %lt3A_268 : i1 to i32
      %cond3A_270 = arith.constant 0 : i32
      %cond3A_271 = arith.cmpi ne, %convert_element_type3A_269, %cond3A_270 : i32
      scf.if %cond3A_271 {
        %add3A_301 = arith.constant 2 : i32
        %add3A_302 = arith.addi %add3A_254, %add3A_301 : i32
        %mul3A_303 = arith.constant 131072 : i32
        %mul3A_304 = arith.muli %add3A, %mul3A_303 : i32
        %mul3A_305 = arith.constant 2048 : i32
        %mul3A_306 = arith.muli %add3A_302, %mul3A_305 : i32
        %add3A_307 = arith.addi %mul3A_304, %mul3A_306 : i32
        %dma_start3A_308 = tpu.memref_slice %arg2[%add3A_307] : memref<4194304xi32, #tpu.memory_space<hbm>> -> memref<2048xi32, #tpu.memory_space<hbm>>
        %dma_start3A_309 = tpu.memref_slice %arg2[%add3A_307] : memref<4194304xi32, #tpu.memory_space<hbm>> -> memref<2048xi32, #tpu.memory_space<hbm>>
        tpu.enqueue_dma source(%dma_start3A_309 : memref<2048xi32, #tpu.memory_space<hbm>>) target(%arg10 : memref<2048xi32, #tpu.memory_space<vmem>>) target_semaphore(%arg45 : memref<!tpu.dma_semaphore, #tpu.memory_space<semaphore_mem>>)
        %dma_start3A_310 = tpu.memref_slice %arg6[%add3A_307] : memref<4194304xf32, #tpu.memory_space<hbm>> -> memref<2048xf32, #tpu.memory_space<hbm>>
        %dma_start3A_311 = tpu.memref_slice %arg6[%add3A_307] : memref<4194304xf32, #tpu.memory_space<hbm>> -> memref<2048xf32, #tpu.memory_space<hbm>>
        tpu.enqueue_dma source(%dma_start3A_311 : memref<2048xf32, #tpu.memory_space<hbm>>) target(%arg26 : memref<2048xf32, #tpu.memory_space<vmem>>) target_semaphore(%arg45 : memref<!tpu.dma_semaphore, #tpu.memory_space<semaphore_mem>>)
        %dma_start3A_312 = tpu.memref_slice %arg3[%add3A_307] : memref<4194304xf32, #tpu.memory_space<hbm>> -> memref<2048xf32, #tpu.memory_space<hbm>>
        %dma_start3A_313 = tpu.memref_slice %arg3[%add3A_307] : memref<4194304xf32, #tpu.memory_space<hbm>> -> memref<2048xf32, #tpu.memory_space<hbm>>
        tpu.enqueue_dma source(%dma_start3A_313 : memref<2048xf32, #tpu.memory_space<hbm>>) target(%arg14 : memref<2048xf32, #tpu.memory_space<vmem>>) target_semaphore(%arg45 : memref<!tpu.dma_semaphore, #tpu.memory_space<semaphore_mem>>)
        %dma_start3A_314 = tpu.memref_slice %arg4[%add3A_307] : memref<4194304xf32, #tpu.memory_space<hbm>> -> memref<2048xf32, #tpu.memory_space<hbm>>
        %dma_start3A_315 = tpu.memref_slice %arg4[%add3A_307] : memref<4194304xf32, #tpu.memory_space<hbm>> -> memref<2048xf32, #tpu.memory_space<hbm>>
        tpu.enqueue_dma source(%dma_start3A_315 : memref<2048xf32, #tpu.memory_space<hbm>>) target(%arg18 : memref<2048xf32, #tpu.memory_space<vmem>>) target_semaphore(%arg45 : memref<!tpu.dma_semaphore, #tpu.memory_space<semaphore_mem>>)
        %dma_start3A_316 = tpu.memref_slice %arg5[%add3A_307] : memref<4194304xf32, #tpu.memory_space<hbm>> -> memref<2048xf32, #tpu.memory_space<hbm>>
        %dma_start3A_317 = tpu.memref_slice %arg5[%add3A_307] : memref<4194304xf32, #tpu.memory_space<hbm>> -> memref<2048xf32, #tpu.memory_space<hbm>>
        tpu.enqueue_dma source(%dma_start3A_317 : memref<2048xf32, #tpu.memory_space<hbm>>) target(%arg22 : memref<2048xf32, #tpu.memory_space<vmem>>) target_semaphore(%arg45 : memref<!tpu.dma_semaphore, #tpu.memory_space<semaphore_mem>>)
      } else {
      }
      %mul3A_272 = arith.constant 131072 : i32
      %mul3A_273 = arith.muli %add3A, %mul3A_272 : i32
      %mul3A_274 = arith.constant 2048 : i32
      %mul3A_275 = arith.muli %add3A_254, %mul3A_274 : i32
      %add3A_276 = arith.addi %mul3A_273, %mul3A_275 : i32
      %dma_wait3A_277 = tpu.memref_slice %arg2[%add3A_276] : memref<4194304xi32, #tpu.memory_space<hbm>> -> memref<2048xi32, #tpu.memory_space<hbm>>
      %dma_wait3A_278 = tpu.memref_slice %arg2[%add3A_276] : memref<4194304xi32, #tpu.memory_space<hbm>> -> memref<2048xi32, #tpu.memory_space<hbm>>
      tpu.wait_dma2 semaphore(%arg47 : memref<!tpu.dma_semaphore, #tpu.memory_space<semaphore_mem>>) src(%dma_wait3A_278 : memref<2048xi32, #tpu.memory_space<hbm>>) dst(%arg12 : memref<2048xi32, #tpu.memory_space<vmem>>)
      %dma_wait3A_279 = tpu.memref_slice %arg6[%add3A_276] : memref<4194304xf32, #tpu.memory_space<hbm>> -> memref<2048xf32, #tpu.memory_space<hbm>>
      %dma_wait3A_280 = tpu.memref_slice %arg6[%add3A_276] : memref<4194304xf32, #tpu.memory_space<hbm>> -> memref<2048xf32, #tpu.memory_space<hbm>>
      tpu.wait_dma2 semaphore(%arg47 : memref<!tpu.dma_semaphore, #tpu.memory_space<semaphore_mem>>) src(%dma_wait3A_280 : memref<2048xf32, #tpu.memory_space<hbm>>) dst(%arg28 : memref<2048xf32, #tpu.memory_space<vmem>>)
      %dma_wait3A_281 = tpu.memref_slice %arg3[%add3A_276] : memref<4194304xf32, #tpu.memory_space<hbm>> -> memref<2048xf32, #tpu.memory_space<hbm>>
      %dma_wait3A_282 = tpu.memref_slice %arg3[%add3A_276] : memref<4194304xf32, #tpu.memory_space<hbm>> -> memref<2048xf32, #tpu.memory_space<hbm>>
      tpu.wait_dma2 semaphore(%arg47 : memref<!tpu.dma_semaphore, #tpu.memory_space<semaphore_mem>>) src(%dma_wait3A_282 : memref<2048xf32, #tpu.memory_space<hbm>>) dst(%arg16 : memref<2048xf32, #tpu.memory_space<vmem>>)
      %dma_wait3A_283 = tpu.memref_slice %arg4[%add3A_276] : memref<4194304xf32, #tpu.memory_space<hbm>> -> memref<2048xf32, #tpu.memory_space<hbm>>
      %dma_wait3A_284 = tpu.memref_slice %arg4[%add3A_276] : memref<4194304xf32, #tpu.memory_space<hbm>> -> memref<2048xf32, #tpu.memory_space<hbm>>
      tpu.wait_dma2 semaphore(%arg47 : memref<!tpu.dma_semaphore, #tpu.memory_space<semaphore_mem>>) src(%dma_wait3A_284 : memref<2048xf32, #tpu.memory_space<hbm>>) dst(%arg20 : memref<2048xf32, #tpu.memory_space<vmem>>)
      %dma_wait3A_285 = tpu.memref_slice %arg5[%add3A_276] : memref<4194304xf32, #tpu.memory_space<hbm>> -> memref<2048xf32, #tpu.memory_space<hbm>>
      %dma_wait3A_286 = tpu.memref_slice %arg5[%add3A_276] : memref<4194304xf32, #tpu.memory_space<hbm>> -> memref<2048xf32, #tpu.memory_space<hbm>>
      tpu.wait_dma2 semaphore(%arg47 : memref<!tpu.dma_semaphore, #tpu.memory_space<semaphore_mem>>) src(%dma_wait3A_286 : memref<2048xf32, #tpu.memory_space<hbm>>) dst(%arg24 : memref<2048xf32, #tpu.memory_space<vmem>>)
      %scan3A_287 = arith.constant 0 : i32
      %scan3A_288 = arith.constant 0 : i32
      %scan3A_289 = arith.constant 16 : i32
      %scan3A_290 = arith.addi %scan3A_288, %scan3A_289 : i32
      %scan3A_291 = arith.constant 1 : i32
      %scan3A_292 = scf.for %scan3A_301 = %scan3A_288 to %scan3A_290 step %scan3A_291 iter_args(%scan3A_302 = %scan3A_287) -> (i32)  : i32 {
        %mul3A_303 = arith.constant 128 : i32
        %mul3A_304 = arith.muli %mul3A_303, %scan3A_301 : i32
        %add3A_305 = arith.constant 0 : i32
        %add3A_306 = arith.addi %mul3A_304, %add3A_305 : i32
        %get3A = arith.index_cast %add3A_306 : i32 to index
        %get3A_307 = tpu.vector_load %arg28[%get3A] {strides = array<i32>} : memref<2048xf32, #tpu.memory_space<vmem>>, vector<16xf32>,
        %get3A_308 = arith.index_cast %add3A_306 : i32 to index
        %get3A_309 = tpu.vector_load %arg16[%get3A_308] {strides = array<i32>} : memref<2048xf32, #tpu.memory_space<vmem>>, vector<16xf32>,
        %mul3A_310 = arith.mulf %get3A_309, %get3A_307 : vector<16xf32>
        %swap3A = arith.index_cast %add3A_306 : i32 to index
        %swap3A_311 = tpu.vector_load %arg32[%swap3A] {strides = array<i32>} : memref<2048xf32, #tpu.memory_space<vmem>>, vector<16xf32>,
        tpu.vector_store %arg32[%swap3A], %mul3A_310 {strides = array<i32>} : memref<2048xf32, #tpu.memory_space<vmem>>, vector<16xf32>,
        %get3A_312 = arith.index_cast %add3A_306 : i32 to index
        %get3A_313 = tpu.vector_load %arg20[%get3A_312] {strides = array<i32>} : memref<2048xf32, #tpu.memory_space<vmem>>, vector<16xf32>,
        %mul3A_314 = arith.mulf %get3A_313, %get3A_307 : vector<16xf32>
        %swap3A_315 = arith.index_cast %add3A_306 : i32 to index
        %swap3A_316 = tpu.vector_load %arg36[%swap3A_315] {strides = array<i32>} : memref<2048xf32, #tpu.memory_space<vmem>>, vector<16xf32>,
        tpu.vector_store %arg36[%swap3A_315], %mul3A_314 {strides = array<i32>} : memref<2048xf32, #tpu.memory_space<vmem>>, vector<16xf32>,
        %get3A_317 = arith.index_cast %add3A_306 : i32 to index
        %get3A_318 = tpu.vector_load %arg24[%get3A_317] {strides = array<i32>} : memref<2048xf32, #tpu.memory_space<vmem>>, vector<16xf32>,
        %mul3A_319 = arith.mulf %get3A_318, %get3A_307 : vector<16xf32>
        %swap3A_320 = arith.index_cast %add3A_306 : i32 to index
        %swap3A_321 = tpu.vector_load %arg40[%swap3A_320] {strides = array<i32>} : memref<2048xf32, #tpu.memory_space<vmem>>, vector<16xf32>,
        tpu.vector_store %arg40[%swap3A_320], %mul3A_319 {strides = array<i32>} : memref<2048xf32, #tpu.memory_space<vmem>>, vector<16xf32>,
        %mul3A_322 = arith.constant 128 : i32
        %mul3A_323 = arith.muli %mul3A_322, %scan3A_301 : i32
        %add3A_324 = arith.constant 16 : i32
        %add3A_325 = arith.addi %mul3A_323, %add3A_324 : i32
        %get3A_326 = arith.index_cast %add3A_325 : i32 to index
        %get3A_327 = tpu.vector_load %arg28[%get3A_326] {strides = array<i32>} : memref<2048xf32, #tpu.memory_space<vmem>>, vector<16xf32>,
        %get3A_328 = arith.index_cast %add3A_325 : i32 to index
        %get3A_329 = tpu.vector_load %arg16[%get3A_328] {strides = array<i32>} : memref<2048xf32, #tpu.memory_space<vmem>>, vector<16xf32>,
        %mul3A_330 = arith.mulf %get3A_329, %get3A_327 : vector<16xf32>
        %swap3A_331 = arith.index_cast %add3A_325 : i32 to index
        %swap3A_332 = tpu.vector_load %arg32[%swap3A_331] {strides = array<i32>} : memref<2048xf32, #tpu.memory_space<vmem>>, vector<16xf32>,
        tpu.vector_store %arg32[%swap3A_331], %mul3A_330 {strides = array<i32>} : memref<2048xf32, #tpu.memory_space<vmem>>, vector<16xf32>,
        %get3A_333 = arith.index_cast %add3A_325 : i32 to index
        %get3A_334 = tpu.vector_load %arg20[%get3A_333] {strides = array<i32>} : memref<2048xf32, #tpu.memory_space<vmem>>, vector<16xf32>,
        %mul3A_335 = arith.mulf %get3A_334, %get3A_327 : vector<16xf32>
        %swap3A_336 = arith.index_cast %add3A_325 : i32 to index
        %swap3A_337 = tpu.vector_load %arg36[%swap3A_336] {strides = array<i32>} : memref<2048xf32, #tpu.memory_space<vmem>>, vector<16xf32>,
        tpu.vector_store %arg36[%swap3A_336], %mul3A_335 {strides = array<i32>} : memref<2048xf32, #tpu.memory_space<vmem>>, vector<16xf32>,
        %get3A_338 = arith.index_cast %add3A_325 : i32 to index
        %get3A_339 = tpu.vector_load %arg24[%get3A_338] {strides = array<i32>} : memref<2048xf32, #tpu.memory_space<vmem>>, vector<16xf32>,
        %mul3A_340 = arith.mulf %get3A_339, %get3A_327 : vector<16xf32>
        %swap3A_341 = arith.index_cast %add3A_325 : i32 to index
        %swap3A_342 = tpu.vector_load %arg40[%swap3A_341] {strides = array<i32>} : memref<2048xf32, #tpu.memory_space<vmem>>, vector<16xf32>,
        tpu.vector_store %arg40[%swap3A_341], %mul3A_340 {strides = array<i32>} : memref<2048xf32, #tpu.memory_space<vmem>>, vector<16xf32>,
        %mul3A_343 = arith.constant 128 : i32
        %mul3A_344 = arith.muli %mul3A_343, %scan3A_301 : i32
        %add3A_345 = arith.constant 32 : i32
        %add3A_346 = arith.addi %mul3A_344, %add3A_345 : i32
        %get3A_347 = arith.index_cast %add3A_346 : i32 to index
        %get3A_348 = tpu.vector_load %arg28[%get3A_347] {strides = array<i32>} : memref<2048xf32, #tpu.memory_space<vmem>>, vector<16xf32>,
        %get3A_349 = arith.index_cast %add3A_346 : i32 to index
        %get3A_350 = tpu.vector_load %arg16[%get3A_349] {strides = array<i32>} : memref<2048xf32, #tpu.memory_space<vmem>>, vector<16xf32>,
        %mul3A_351 = arith.mulf %get3A_350, %get3A_348 : vector<16xf32>
        %swap3A_352 = arith.index_cast %add3A_346 : i32 to index
        %swap3A_353 = tpu.vector_load %arg32[%swap3A_352] {strides = array<i32>} : memref<2048xf32, #tpu.memory_space<vmem>>, vector<16xf32>,
        tpu.vector_store %arg32[%swap3A_352], %mul3A_351 {strides = array<i32>} : memref<2048xf32, #tpu.memory_space<vmem>>, vector<16xf32>,
        %get3A_354 = arith.index_cast %add3A_346 : i32 to index
        %get3A_355 = tpu.vector_load %arg20[%get3A_354] {strides = array<i32>} : memref<2048xf32, #tpu.memory_space<vmem>>, vector<16xf32>,
        %mul3A_356 = arith.mulf %get3A_355, %get3A_348 : vector<16xf32>
        %swap3A_357 = arith.index_cast %add3A_346 : i32 to index
        %swap3A_358 = tpu.vector_load %arg36[%swap3A_357] {strides = array<i32>} : memref<2048xf32, #tpu.memory_space<vmem>>, vector<16xf32>,
        tpu.vector_store %arg36[%swap3A_357], %mul3A_356 {strides = array<i32>} : memref<2048xf32, #tpu.memory_space<vmem>>, vector<16xf32>,
        %get3A_359 = arith.index_cast %add3A_346 : i32 to index
        %get3A_360 = tpu.vector_load %arg24[%get3A_359] {strides = array<i32>} : memref<2048xf32, #tpu.memory_space<vmem>>, vector<16xf32>,
        %mul3A_361 = arith.mulf %get3A_360, %get3A_348 : vector<16xf32>
        %swap3A_362 = arith.index_cast %add3A_346 : i32 to index
        %swap3A_363 = tpu.vector_load %arg40[%swap3A_362] {strides = array<i32>} : memref<2048xf32, #tpu.memory_space<vmem>>, vector<16xf32>,
        tpu.vector_store %arg40[%swap3A_362], %mul3A_361 {strides = array<i32>} : memref<2048xf32, #tpu.memory_space<vmem>>, vector<16xf32>,
        %mul3A_364 = arith.constant 128 : i32
        %mul3A_365 = arith.muli %mul3A_364, %scan3A_301 : i32
        %add3A_366 = arith.constant 48 : i32
        %add3A_367 = arith.addi %mul3A_365, %add3A_366 : i32
        %get3A_368 = arith.index_cast %add3A_367 : i32 to index
        %get3A_369 = tpu.vector_load %arg28[%get3A_368] {strides = array<i32>} : memref<2048xf32, #tpu.memory_space<vmem>>, vector<16xf32>,
        %get3A_370 = arith.index_cast %add3A_367 : i32 to index
        %get3A_371 = tpu.vector_load %arg16[%get3A_370] {strides = array<i32>} : memref<2048xf32, #tpu.memory_space<vmem>>, vector<16xf32>,
        %mul3A_372 = arith.mulf %get3A_371, %get3A_369 : vector<16xf32>
        %swap3A_373 = arith.index_cast %add3A_367 : i32 to index
        %swap3A_374 = tpu.vector_load %arg32[%swap3A_373] {strides = array<i32>} : memref<2048xf32, #tpu.memory_space<vmem>>, vector<16xf32>,
        tpu.vector_store %arg32[%swap3A_373], %mul3A_372 {strides = array<i32>} : memref<2048xf32, #tpu.memory_space<vmem>>, vector<16xf32>,
        %get3A_375 = arith.index_cast %add3A_367 : i32 to index
        %get3A_376 = tpu.vector_load %arg20[%get3A_375] {strides = array<i32>} : memref<2048xf32, #tpu.memory_space<vmem>>, vector<16xf32>,
        %mul3A_377 = arith.mulf %get3A_376, %get3A_369 : vector<16xf32>
        %swap3A_378 = arith.index_cast %add3A_367 : i32 to index
        %swap3A_379 = tpu.vector_load %arg36[%swap3A_378] {strides = array<i32>} : memref<2048xf32, #tpu.memory_space<vmem>>, vector<16xf32>,
        tpu.vector_store %arg36[%swap3A_378], %mul3A_377 {strides = array<i32>} : memref<2048xf32, #tpu.memory_space<vmem>>, vector<16xf32>,
        %get3A_380 = arith.index_cast %add3A_367 : i32 to index
        %get3A_381 = tpu.vector_load %arg24[%get3A_380] {strides = array<i32>} : memref<2048xf32, #tpu.memory_space<vmem>>, vector<16xf32>,
        %mul3A_382 = arith.mulf %get3A_381, %get3A_369 : vector<16xf32>
        %swap3A_383 = arith.index_cast %add3A_367 : i32 to index
        %swap3A_384 = tpu.vector_load %arg40[%swap3A_383] {strides = array<i32>} : memref<2048xf32, #tpu.memory_space<vmem>>, vector<16xf32>,
        tpu.vector_store %arg40[%swap3A_383], %mul3A_382 {strides = array<i32>} : memref<2048xf32, #tpu.memory_space<vmem>>, vector<16xf32>,
        %mul3A_385 = arith.constant 128 : i32
        %mul3A_386 = arith.muli %mul3A_385, %scan3A_301 : i32
        %add3A_387 = arith.constant 64 : i32
        %add3A_388 = arith.addi %mul3A_386, %add3A_387 : i32
        %get3A_389 = arith.index_cast %add3A_388 : i32 to index
        %get3A_390 = tpu.vector_load %arg28[%get3A_389] {strides = array<i32>} : memref<2048xf32, #tpu.memory_space<vmem>>, vector<16xf32>,
        %get3A_391 = arith.index_cast %add3A_388 : i32 to index
        %get3A_392 = tpu.vector_load %arg16[%get3A_391] {strides = array<i32>} : memref<2048xf32, #tpu.memory_space<vmem>>, vector<16xf32>,
        %mul3A_393 = arith.mulf %get3A_392, %get3A_390 : vector<16xf32>
        %swap3A_394 = arith.index_cast %add3A_388 : i32 to index
        %swap3A_395 = tpu.vector_load %arg32[%swap3A_394] {strides = array<i32>} : memref<2048xf32, #tpu.memory_space<vmem>>, vector<16xf32>,
        tpu.vector_store %arg32[%swap3A_394], %mul3A_393 {strides = array<i32>} : memref<2048xf32, #tpu.memory_space<vmem>>, vector<16xf32>,
        %get3A_396 = arith.index_cast %add3A_388 : i32 to index
        %get3A_397 = tpu.vector_load %arg20[%get3A_396] {strides = array<i32>} : memref<2048xf32, #tpu.memory_space<vmem>>, vector<16xf32>,
        %mul3A_398 = arith.mulf %get3A_397, %get3A_390 : vector<16xf32>
        %swap3A_399 = arith.index_cast %add3A_388 : i32 to index
        %swap3A_400 = tpu.vector_load %arg36[%swap3A_399] {strides = array<i32>} : memref<2048xf32, #tpu.memory_space<vmem>>, vector<16xf32>,
        tpu.vector_store %arg36[%swap3A_399], %mul3A_398 {strides = array<i32>} : memref<2048xf32, #tpu.memory_space<vmem>>, vector<16xf32>,
        %get3A_401 = arith.index_cast %add3A_388 : i32 to index
        %get3A_402 = tpu.vector_load %arg24[%get3A_401] {strides = array<i32>} : memref<2048xf32, #tpu.memory_space<vmem>>, vector<16xf32>,
        %mul3A_403 = arith.mulf %get3A_402, %get3A_390 : vector<16xf32>
        %swap3A_404 = arith.index_cast %add3A_388 : i32 to index
        %swap3A_405 = tpu.vector_load %arg40[%swap3A_404] {strides = array<i32>} : memref<2048xf32, #tpu.memory_space<vmem>>, vector<16xf32>,
        tpu.vector_store %arg40[%swap3A_404], %mul3A_403 {strides = array<i32>} : memref<2048xf32, #tpu.memory_space<vmem>>, vector<16xf32>,
        %mul3A_406 = arith.constant 128 : i32
        %mul3A_407 = arith.muli %mul3A_406, %scan3A_301 : i32
        %add3A_408 = arith.constant 80 : i32
        %add3A_409 = arith.addi %mul3A_407, %add3A_408 : i32
        %get3A_410 = arith.index_cast %add3A_409 : i32 to index
        %get3A_411 = tpu.vector_load %arg28[%get3A_410] {strides = array<i32>} : memref<2048xf32, #tpu.memory_space<vmem>>, vector<16xf32>,
        %get3A_412 = arith.index_cast %add3A_409 : i32 to index
        %get3A_413 = tpu.vector_load %arg16[%get3A_412] {strides = array<i32>} : memref<2048xf32, #tpu.memory_space<vmem>>, vector<16xf32>,
        %mul3A_414 = arith.mulf %get3A_413, %get3A_411 : vector<16xf32>
        %swap3A_415 = arith.index_cast %add3A_409 : i32 to index
        %swap3A_416 = tpu.vector_load %arg32[%swap3A_415] {strides = array<i32>} : memref<2048xf32, #tpu.memory_space<vmem>>, vector<16xf32>,
        tpu.vector_store %arg32[%swap3A_415], %mul3A_414 {strides = array<i32>} : memref<2048xf32, #tpu.memory_space<vmem>>, vector<16xf32>,
        %get3A_417 = arith.index_cast %add3A_409 : i32 to index
        %get3A_418 = tpu.vector_load %arg20[%get3A_417] {strides = array<i32>} : memref<2048xf32, #tpu.memory_space<vmem>>, vector<16xf32>,
        %mul3A_419 = arith.mulf %get3A_418, %get3A_411 : vector<16xf32>
        %swap3A_420 = arith.index_cast %add3A_409 : i32 to index
        %swap3A_421 = tpu.vector_load %arg36[%swap3A_420] {strides = array<i32>} : memref<2048xf32, #tpu.memory_space<vmem>>, vector<16xf32>,
        tpu.vector_store %arg36[%swap3A_420], %mul3A_419 {strides = array<i32>} : memref<2048xf32, #tpu.memory_space<vmem>>, vector<16xf32>,
        %get3A_422 = arith.index_cast %add3A_409 : i32 to index
        %get3A_423 = tpu.vector_load %arg24[%get3A_422] {strides = array<i32>} : memref<2048xf32, #tpu.memory_space<vmem>>, vector<16xf32>,
        %mul3A_424 = arith.mulf %get3A_423, %get3A_411 : vector<16xf32>
        %swap3A_425 = arith.index_cast %add3A_409 : i32 to index
        %swap3A_426 = tpu.vector_load %arg40[%swap3A_425] {strides = array<i32>} : memref<2048xf32, #tpu.memory_space<vmem>>, vector<16xf32>,
        tpu.vector_store %arg40[%swap3A_425], %mul3A_424 {strides = array<i32>} : memref<2048xf32, #tpu.memory_space<vmem>>, vector<16xf32>,
        %mul3A_427 = arith.constant 128 : i32
        %mul3A_428 = arith.muli %mul3A_427, %scan3A_301 : i32
        %add3A_429 = arith.constant 96 : i32
        %add3A_430 = arith.addi %mul3A_428, %add3A_429 : i32
        %get3A_431 = arith.index_cast %add3A_430 : i32 to index
        %get3A_432 = tpu.vector_load %arg28[%get3A_431] {strides = array<i32>} : memref<2048xf32, #tpu.memory_space<vmem>>, vector<16xf32>,
        %get3A_433 = arith.index_cast %add3A_430 : i32 to index
        %get3A_434 = tpu.vector_load %arg16[%get3A_433] {strides = array<i32>} : memref<2048xf32, #tpu.memory_space<vmem>>, vector<16xf32>,
        %mul3A_435 = arith.mulf %get3A_434, %get3A_432 : vector<16xf32>
        %swap3A_436 = arith.index_cast %add3A_430 : i32 to index
        %swap3A_437 = tpu.vector_load %arg32[%swap3A_436] {strides = array<i32>} : memref<2048xf32, #tpu.memory_space<vmem>>, vector<16xf32>,
        tpu.vector_store %arg32[%swap3A_436], %mul3A_435 {strides = array<i32>} : memref<2048xf32, #tpu.memory_space<vmem>>, vector<16xf32>,
        %get3A_438 = arith.index_cast %add3A_430 : i32 to index
        %get3A_439 = tpu.vector_load %arg20[%get3A_438] {strides = array<i32>} : memref<2048xf32, #tpu.memory_space<vmem>>, vector<16xf32>,
        %mul3A_440 = arith.mulf %get3A_439, %get3A_432 : vector<16xf32>
        %swap3A_441 = arith.index_cast %add3A_430 : i32 to index
        %swap3A_442 = tpu.vector_load %arg36[%swap3A_441] {strides = array<i32>} : memref<2048xf32, #tpu.memory_space<vmem>>, vector<16xf32>,
        tpu.vector_store %arg36[%swap3A_441], %mul3A_440 {strides = array<i32>} : memref<2048xf32, #tpu.memory_space<vmem>>, vector<16xf32>,
        %get3A_443 = arith.index_cast %add3A_430 : i32 to index
        %get3A_444 = tpu.vector_load %arg24[%get3A_443] {strides = array<i32>} : memref<2048xf32, #tpu.memory_space<vmem>>, vector<16xf32>,
        %mul3A_445 = arith.mulf %get3A_444, %get3A_432 : vector<16xf32>
        %swap3A_446 = arith.index_cast %add3A_430 : i32 to index
        %swap3A_447 = tpu.vector_load %arg40[%swap3A_446] {strides = array<i32>} : memref<2048xf32, #tpu.memory_space<vmem>>, vector<16xf32>,
        tpu.vector_store %arg40[%swap3A_446], %mul3A_445 {strides = array<i32>} : memref<2048xf32, #tpu.memory_space<vmem>>, vector<16xf32>,
        %mul3A_448 = arith.constant 128 : i32
        %mul3A_449 = arith.muli %mul3A_448, %scan3A_301 : i32
        %add3A_450 = arith.constant 112 : i32
        %add3A_451 = arith.addi %mul3A_449, %add3A_450 : i32
        %get3A_452 = arith.index_cast %add3A_451 : i32 to index
        %get3A_453 = tpu.vector_load %arg28[%get3A_452] {strides = array<i32>} : memref<2048xf32, #tpu.memory_space<vmem>>, vector<16xf32>,
        %get3A_454 = arith.index_cast %add3A_451 : i32 to index
        %get3A_455 = tpu.vector_load %arg16[%get3A_454] {strides = array<i32>} : memref<2048xf32, #tpu.memory_space<vmem>>, vector<16xf32>,
        %mul3A_456 = arith.mulf %get3A_455, %get3A_453 : vector<16xf32>
        %swap3A_457 = arith.index_cast %add3A_451 : i32 to index
        %swap3A_458 = tpu.vector_load %arg32[%swap3A_457] {strides = array<i32>} : memref<2048xf32, #tpu.memory_space<vmem>>, vector<16xf32>,
        tpu.vector_store %arg32[%swap3A_457], %mul3A_456 {strides = array<i32>} : memref<2048xf32, #tpu.memory_space<vmem>>, vector<16xf32>,
        %get3A_459 = arith.index_cast %add3A_451 : i32 to index
        %get3A_460 = tpu.vector_load %arg20[%get3A_459] {strides = array<i32>} : memref<2048xf32, #tpu.memory_space<vmem>>, vector<16xf32>,
        %mul3A_461 = arith.mulf %get3A_460, %get3A_453 : vector<16xf32>
        %swap3A_462 = arith.index_cast %add3A_451 : i32 to index
        %swap3A_463 = tpu.vector_load %arg36[%swap3A_462] {strides = array<i32>} : memref<2048xf32, #tpu.memory_space<vmem>>, vector<16xf32>,
        tpu.vector_store %arg36[%swap3A_462], %mul3A_461 {strides = array<i32>} : memref<2048xf32, #tpu.memory_space<vmem>>, vector<16xf32>,
        %get3A_464 = arith.index_cast %add3A_451 : i32 to index
        %get3A_465 = tpu.vector_load %arg24[%get3A_464] {strides = array<i32>} : memref<2048xf32, #tpu.memory_space<vmem>>, vector<16xf32>,
        %mul3A_466 = arith.mulf %get3A_465, %get3A_453 : vector<16xf32>
        %swap3A_467 = arith.index_cast %add3A_451 : i32 to index
        %swap3A_468 = tpu.vector_load %arg40[%swap3A_467] {strides = array<i32>} : memref<2048xf32, #tpu.memory_space<vmem>>, vector<16xf32>,
        tpu.vector_store %arg40[%swap3A_467], %mul3A_466 {strides = array<i32>} : memref<2048xf32, #tpu.memory_space<vmem>>, vector<16xf32>,
        %scan3A_469 = arith.constant 0 : i32
        scf.yield %scan3A_469 : i32
      }
      %scan3A_293 = arith.constant 16 : i32
      %dma_start3A_294 = arith.constant 0 : i32
      %dma_start3A_295 = tpu.memref_slice %arg41[%dma_start3A_294] : memref<65536xf32, #tpu.memory_space<vmem_shared>> -> memref<65536xf32, #tpu.memory_space<vmem_shared>>
      tpu.enqueue_indirect_dma source(%arg32 : memref<2048xf32, #tpu.memory_space<vmem>>) target(%dma_start3A_295 : memref<65536xf32, #tpu.memory_space<vmem_shared>>) offsets(%arg12 : memref<2048xi32, #tpu.memory_space<vmem>>) semaphore(%arg51 : memref<!tpu.dma_semaphore, #tpu.memory_space<semaphore_mem>>) {add = true}
      %dma_start3A_296 = arith.constant 0 : i32
      %dma_start3A_297 = tpu.memref_slice %arg42[%dma_start3A_296] : memref<65536xf32, #tpu.memory_space<vmem_shared>> -> memref<65536xf32, #tpu.memory_space<vmem_shared>>
      tpu.enqueue_indirect_dma source(%arg36 : memref<2048xf32, #tpu.memory_space<vmem>>) target(%dma_start3A_297 : memref<65536xf32, #tpu.memory_space<vmem_shared>>) offsets(%arg12 : memref<2048xi32, #tpu.memory_space<vmem>>) semaphore(%arg51 : memref<!tpu.dma_semaphore, #tpu.memory_space<semaphore_mem>>) {add = true}
      %dma_start3A_298 = arith.constant 0 : i32
      %dma_start3A_299 = tpu.memref_slice %arg43[%dma_start3A_298] : memref<65536xf32, #tpu.memory_space<vmem_shared>> -> memref<65536xf32, #tpu.memory_space<vmem_shared>>
      tpu.enqueue_indirect_dma source(%arg40 : memref<2048xf32, #tpu.memory_space<vmem>>) target(%dma_start3A_299 : memref<65536xf32, #tpu.memory_space<vmem_shared>>) offsets(%arg12 : memref<2048xi32, #tpu.memory_space<vmem>>) semaphore(%arg51 : memref<!tpu.dma_semaphore, #tpu.memory_space<semaphore_mem>>) {add = true}
      %scan3A_300 = arith.constant 0 : i32
      scf.yield %scan3A_300 : i32
    }
    %scan3A_56 = arith.constant 16 : i32
    %dma_wait3A_57 = arith.constant 0 : i32
    %dma_wait3A_58 = tpu.memref_slice %arg6[%dma_wait3A_57] : memref<4194304xf32, #tpu.memory_space<hbm>> -> memref<2048xf32, #tpu.memory_space<hbm>>
    %dma_wait3A_59 = arith.constant 0 : i32
    %dma_wait3A_60 = tpu.memref_slice %arg6[%dma_wait3A_59] : memref<4194304xf32, #tpu.memory_space<hbm>> -> memref<2048xf32, #tpu.memory_space<hbm>>
    tpu.wait_dma2 semaphore(%arg50 : memref<!tpu.dma_semaphore, #tpu.memory_space<semaphore_mem>>) src(%dma_wait3A_60 : memref<2048xf32, #tpu.memory_space<hbm>>) dst(%arg27 : memref<2048xf32, #tpu.memory_space<vmem>>)
    %dma_wait3A_61 = arith.constant 0 : i32
    %dma_wait3A_62 = tpu.memref_slice %arg6[%dma_wait3A_61] : memref<4194304xf32, #tpu.memory_space<hbm>> -> memref<2048xf32, #tpu.memory_space<hbm>>
    %dma_wait3A_63 = arith.constant 0 : i32
    %dma_wait3A_64 = tpu.memref_slice %arg6[%dma_wait3A_63] : memref<4194304xf32, #tpu.memory_space<hbm>> -> memref<2048xf32, #tpu.memory_space<hbm>>
    tpu.wait_dma2 semaphore(%arg50 : memref<!tpu.dma_semaphore, #tpu.memory_space<semaphore_mem>>) src(%dma_wait3A_64 : memref<2048xf32, #tpu.memory_space<hbm>>) dst(%arg27 : memref<2048xf32, #tpu.memory_space<vmem>>)
    %dma_wait3A_65 = arith.constant 0 : i32
    %dma_wait3A_66 = tpu.memref_slice %arg6[%dma_wait3A_65] : memref<4194304xf32, #tpu.memory_space<hbm>> -> memref<2048xf32, #tpu.memory_space<hbm>>
    %dma_wait3A_67 = arith.constant 0 : i32
    %dma_wait3A_68 = tpu.memref_slice %arg6[%dma_wait3A_67] : memref<4194304xf32, #tpu.memory_space<hbm>> -> memref<2048xf32, #tpu.memory_space<hbm>>
    tpu.wait_dma2 semaphore(%arg50 : memref<!tpu.dma_semaphore, #tpu.memory_space<semaphore_mem>>) src(%dma_wait3A_68 : memref<2048xf32, #tpu.memory_space<hbm>>) dst(%arg27 : memref<2048xf32, #tpu.memory_space<vmem>>)
    %dma_wait3A_69 = arith.constant 0 : i32
    %dma_wait3A_70 = tpu.memref_slice %arg6[%dma_wait3A_69] : memref<4194304xf32, #tpu.memory_space<hbm>> -> memref<2048xf32, #tpu.memory_space<hbm>>
    %dma_wait3A_71 = arith.constant 0 : i32
    %dma_wait3A_72 = tpu.memref_slice %arg6[%dma_wait3A_71] : memref<4194304xf32, #tpu.memory_space<hbm>> -> memref<2048xf32, #tpu.memory_space<hbm>>
    tpu.wait_dma2 semaphore(%arg51 : memref<!tpu.dma_semaphore, #tpu.memory_space<semaphore_mem>>) src(%dma_wait3A_72 : memref<2048xf32, #tpu.memory_space<hbm>>) dst(%arg28 : memref<2048xf32, #tpu.memory_space<vmem>>)
    %dma_wait3A_73 = arith.constant 0 : i32
    %dma_wait3A_74 = tpu.memref_slice %arg6[%dma_wait3A_73] : memref<4194304xf32, #tpu.memory_space<hbm>> -> memref<2048xf32, #tpu.memory_space<hbm>>
    %dma_wait3A_75 = arith.constant 0 : i32
    %dma_wait3A_76 = tpu.memref_slice %arg6[%dma_wait3A_75] : memref<4194304xf32, #tpu.memory_space<hbm>> -> memref<2048xf32, #tpu.memory_space<hbm>>
    tpu.wait_dma2 semaphore(%arg51 : memref<!tpu.dma_semaphore, #tpu.memory_space<semaphore_mem>>) src(%dma_wait3A_76 : memref<2048xf32, #tpu.memory_space<hbm>>) dst(%arg28 : memref<2048xf32, #tpu.memory_space<vmem>>)
    %dma_wait3A_77 = arith.constant 0 : i32
    %dma_wait3A_78 = tpu.memref_slice %arg6[%dma_wait3A_77] : memref<4194304xf32, #tpu.memory_space<hbm>> -> memref<2048xf32, #tpu.memory_space<hbm>>
    %dma_wait3A_79 = arith.constant 0 : i32
    %dma_wait3A_80 = tpu.memref_slice %arg6[%dma_wait3A_79] : memref<4194304xf32, #tpu.memory_space<hbm>> -> memref<2048xf32, #tpu.memory_space<hbm>>
    tpu.wait_dma2 semaphore(%arg51 : memref<!tpu.dma_semaphore, #tpu.memory_space<semaphore_mem>>) src(%dma_wait3A_80 : memref<2048xf32, #tpu.memory_space<hbm>>) dst(%arg28 : memref<2048xf32, #tpu.memory_space<vmem>>)
    %barrier3A_81 = arith.constant 0 : index
    tpu.barrier barrier_id(%barrier3A_81)
    %mul3A_82 = arith.constant 4096 : i32
    %mul3A_83 = arith.muli %arg1, %mul3A_82 : i32
    %mul3A_84 = arith.constant 4096 : i32
    %mul3A_85 = arith.muli %arg1, %mul3A_84 : i32
    %add3A_86 = arith.constant 0 : i32
    %add3A_87 = arith.addi %add3A_86, %mul3A_85 : i32
    %dma_start3A_88 = arith.constant 0 : i32
    %dma_start3A_89 = tpu.memref_slice %arg8[%arg0, %dma_start3A_88] : memref<2x196608xf32, #tpu.memory_space<hbm>> -> memref<1x196608xf32, #tpu.memory_space<hbm>>
    %dma_start3A_90 = tpu.memref_squeeze %dma_start3A_89 : memref<1x196608xf32, #tpu.memory_space<hbm>> -> memref<196608xf32, #tpu.memory_space<hbm>>
    %dma_start3A_91 = tpu.memref_slice %dma_start3A_90[%add3A_87] : memref<196608xf32, #tpu.memory_space<hbm>> -> memref<4096xf32, #tpu.memory_space<hbm>>
    %dma_start3A_92 = tpu.memref_slice %arg41[%mul3A_83] : memref<65536xf32, #tpu.memory_space<vmem_shared>> -> memref<4096xf32, #tpu.memory_space<vmem_shared>>
    tpu.enqueue_dma source(%dma_start3A_92 : memref<4096xf32, #tpu.memory_space<vmem_shared>>) target(%dma_start3A_91 : memref<4096xf32, #tpu.memory_space<hbm>>) target_semaphore(%arg52 : memref<!tpu.dma_semaphore, #tpu.memory_space<semaphore_mem>>)
    %dma_wait3A_93 = arith.constant 0 : i32
    %dma_wait3A_94 = tpu.memref_slice %arg8[%arg0, %dma_wait3A_93] : memref<2x196608xf32, #tpu.memory_space<hbm>> -> memref<1x196608xf32, #tpu.memory_space<hbm>>
    %dma_wait3A_95 = tpu.memref_squeeze %dma_wait3A_94 : memref<1x196608xf32, #tpu.memory_space<hbm>> -> memref<196608xf32, #tpu.memory_space<hbm>>
    %dma_wait3A_96 = tpu.memref_slice %dma_wait3A_95[%add3A_87] : memref<196608xf32, #tpu.memory_space<hbm>> -> memref<4096xf32, #tpu.memory_space<hbm>>
    %dma_wait3A_97 = tpu.memref_slice %arg41[%mul3A_83] : memref<65536xf32, #tpu.memory_space<vmem_shared>> -> memref<4096xf32, #tpu.memory_space<vmem_shared>>
    tpu.wait_dma2 semaphore(%arg52 : memref<!tpu.dma_semaphore, #tpu.memory_space<semaphore_mem>>) src(%dma_wait3A_97 : memref<4096xf32, #tpu.memory_space<vmem_shared>>) dst(%dma_wait3A_96 : memref<4096xf32, #tpu.memory_space<hbm>>)
    %mul3A_98 = arith.constant 4096 : i32
    %mul3A_99 = arith.muli %arg1, %mul3A_98 : i32
    %mul3A_100 = arith.constant 4096 : i32
    %mul3A_101 = arith.muli %arg1, %mul3A_100 : i32
    %add3A_102 = arith.constant 65536 : i32
    %add3A_103 = arith.addi %add3A_102, %mul3A_101 : i32
    %dma_start3A_104 = arith.constant 0 : i32
    %dma_start3A_105 = tpu.memref_slice %arg8[%arg0, %dma_start3A_104] : memref<2x196608xf32, #tpu.memory_space<hbm>> -> memref<1x196608xf32, #tpu.memory_space<hbm>>
    %dma_start3A_106 = tpu.memref_squeeze %dma_start3A_105 : memref<1x196608xf32, #tpu.memory_space<hbm>> -> memref<196608xf32, #tpu.memory_space<hbm>>
    %dma_start3A_107 = tpu.memref_slice %dma_start3A_106[%add3A_103] : memref<196608xf32, #tpu.memory_space<hbm>> -> memref<4096xf32, #tpu.memory_space<hbm>>
    %dma_start3A_108 = tpu.memref_slice %arg42[%mul3A_99] : memref<65536xf32, #tpu.memory_space<vmem_shared>> -> memref<4096xf32, #tpu.memory_space<vmem_shared>>
    tpu.enqueue_dma source(%dma_start3A_108 : memref<4096xf32, #tpu.memory_space<vmem_shared>>) target(%dma_start3A_107 : memref<4096xf32, #tpu.memory_space<hbm>>) target_semaphore(%arg52 : memref<!tpu.dma_semaphore, #tpu.memory_space<semaphore_mem>>)
    %dma_wait3A_109 = arith.constant 0 : i32
    %dma_wait3A_110 = tpu.memref_slice %arg8[%arg0, %dma_wait3A_109] : memref<2x196608xf32, #tpu.memory_space<hbm>> -> memref<1x196608xf32, #tpu.memory_space<hbm>>
    %dma_wait3A_111 = tpu.memref_squeeze %dma_wait3A_110 : memref<1x196608xf32, #tpu.memory_space<hbm>> -> memref<196608xf32, #tpu.memory_space<hbm>>
    %dma_wait3A_112 = tpu.memref_slice %dma_wait3A_111[%add3A_103] : memref<196608xf32, #tpu.memory_space<hbm>> -> memref<4096xf32, #tpu.memory_space<hbm>>
    %dma_wait3A_113 = tpu.memref_slice %arg42[%mul3A_99] : memref<65536xf32, #tpu.memory_space<vmem_shared>> -> memref<4096xf32, #tpu.memory_space<vmem_shared>>
    tpu.wait_dma2 semaphore(%arg52 : memref<!tpu.dma_semaphore, #tpu.memory_space<semaphore_mem>>) src(%dma_wait3A_113 : memref<4096xf32, #tpu.memory_space<vmem_shared>>) dst(%dma_wait3A_112 : memref<4096xf32, #tpu.memory_space<hbm>>)
    %mul3A_114 = arith.constant 4096 : i32
    %mul3A_115 = arith.muli %arg1, %mul3A_114 : i32
    %mul3A_116 = arith.constant 4096 : i32
    %mul3A_117 = arith.muli %arg1, %mul3A_116 : i32
    %add3A_118 = arith.constant 131072 : i32
    %add3A_119 = arith.addi %add3A_118, %mul3A_117 : i32
    %dma_start3A_120 = arith.constant 0 : i32
    %dma_start3A_121 = tpu.memref_slice %arg8[%arg0, %dma_start3A_120] : memref<2x196608xf32, #tpu.memory_space<hbm>> -> memref<1x196608xf32, #tpu.memory_space<hbm>>
    %dma_start3A_122 = tpu.memref_squeeze %dma_start3A_121 : memref<1x196608xf32, #tpu.memory_space<hbm>> -> memref<196608xf32, #tpu.memory_space<hbm>>
    %dma_start3A_123 = tpu.memref_slice %dma_start3A_122[%add3A_119] : memref<196608xf32, #tpu.memory_space<hbm>> -> memref<4096xf32, #tpu.memory_space<hbm>>
    %dma_start3A_124 = tpu.memref_slice %arg43[%mul3A_115] : memref<65536xf32, #tpu.memory_space<vmem_shared>> -> memref<4096xf32, #tpu.memory_space<vmem_shared>>
    tpu.enqueue_dma source(%dma_start3A_124 : memref<4096xf32, #tpu.memory_space<vmem_shared>>) target(%dma_start3A_123 : memref<4096xf32, #tpu.memory_space<hbm>>) target_semaphore(%arg52 : memref<!tpu.dma_semaphore, #tpu.memory_space<semaphore_mem>>)
    %dma_wait3A_125 = arith.constant 0 : i32
    %dma_wait3A_126 = tpu.memref_slice %arg8[%arg0, %dma_wait3A_125] : memref<2x196608xf32, #tpu.memory_space<hbm>> -> memref<1x196608xf32, #tpu.memory_space<hbm>>
    %dma_wait3A_127 = tpu.memref_squeeze %dma_wait3A_126 : memref<1x196608xf32, #tpu.memory_space<hbm>> -> memref<196608xf32, #tpu.memory_space<hbm>>
    %dma_wait3A_128 = tpu.memref_slice %dma_wait3A_127[%add3A_119] : memref<196608xf32, #tpu.memory_space<hbm>> -> memref<4096xf32, #tpu.memory_space<hbm>>
    %dma_wait3A_129 = tpu.memref_slice %arg43[%mul3A_115] : memref<65536xf32, #tpu.memory_space<vmem_shared>> -> memref<4096xf32, #tpu.memory_space<vmem_shared>>
    tpu.wait_dma2 semaphore(%arg52 : memref<!tpu.dma_semaphore, #tpu.memory_space<semaphore_mem>>) src(%dma_wait3A_129 : memref<4096xf32, #tpu.memory_space<vmem_shared>>) dst(%dma_wait3A_128 : memref<4096xf32, #tpu.memory_space<hbm>>)
    return
  }
}

module attributes {stable_mosaic.version = 14 : i64} {
  func.func @_merge_body(%arg0: memref<2x3x65536xf32, #tpu.memory_space<vmem>>, %arg1: memref<65536x3xf32, #tpu.memory_space<vmem>>) attributes {dimension_semantics = [], scalar_prefetch = 0 : i64, scratch_operands = 0 : i64, tpu.core_type = #tpu.core_type<tc>} {
    %get3A = arith.constant 0 : index
    %get3A_0 = arith.constant 0 : index
    %get3A_1 = arith.constant 0 : index
    %get3A_2 = vector.load %arg0[%get3A, %get3A_0, %get3A_1] : memref<2x3x65536xf32, #tpu.memory_space<vmem>>, vector<1x3x65536xf32>
    %get3A_3 = vector.shape_cast %get3A_2 : vector<1x3x65536xf32> to vector<3x65536xf32>
    %get3A_4 = arith.constant 1 : index
    %get3A_5 = arith.constant 0 : index
    %get3A_6 = arith.constant 0 : index
    %get3A_7 = vector.load %arg0[%get3A_4, %get3A_5, %get3A_6] : memref<2x3x65536xf32, #tpu.memory_space<vmem>>, vector<1x3x65536xf32>
    %get3A_8 = vector.shape_cast %get3A_7 : vector<1x3x65536xf32> to vector<3x65536xf32>
    %add3A = arith.addf %get3A_3, %get3A_8 : vector<3x65536xf32>
    %transpose3A = tpu.transpose %add3A, [1, 0] : vector<3x65536xf32> -> vector<65536x3xf32>
    %swap3A = arith.constant 0 : index
    %swap3A_9 = arith.constant 0 : index
    %swap3A_10 = vector.load %arg1[%swap3A, %swap3A_9] : memref<65536x3xf32, #tpu.memory_space<vmem>>, vector<65536x3xf32>
    tpu.vector_store %arg1[%swap3A, %swap3A_9], %transpose3A {strides = array<i32>} : memref<65536x3xf32, #tpu.memory_space<vmem>>, vector<65536x3xf32>,
    return
  }
}

</mosaic_0001>

<sc_bundles>
// kernel: kernel.4.cloned.1.call-start
scs
__scs_entry_jumppad:
0x0: {  	(pc) =	sbr.rel $0x88, $3  }
0x1: {  	(tag) =	ssettag $0x0;
	lr =	simm.s32 $0x1  }
0x2: {  	[smem:$0x3F9E] =	sst lr;
	_ =	strace $0xD0000000  }
0x3: {  	_ = 	snop  }
0x4: {  	_ = 	snop  }
0x5: {  	_ = 	snop  }
0x6: {  	_ = 	snop  }
0x7: {  	_ = 	snop  }
__scs_overlays_trampoline_lowered:
0x8: {  	[smem:$0x3FAD] =	sst s0  }
0x9: {  	[smem:$0x3FAE] =	sst s1  }
0xa: {  	[smem:$0x3FAF] =	sst s2  }
0xb: {  	[smem:$0x3FB0] =	sst s3  }
0xc: {  	[smem:$0x3FB1] =	sst s4  }
0xd: {  	[smem:$0x3FB2] =	sst s5  }
0xe: {  	[smem:$0x3FB3] =	sst s6  }
0xf: {  	[smem:$0x3FB4] =	sst s7  }
0x10: {  	[smem:$0x3FB5] =	sst s8  }
0x11: {  	[smem:$0x3FB6] =	sst s9;
	s0 =	simm.s32 @!p0 $0x0  }
0x12: {  	s1 =	sld [smem:$0x3F9C];
	s0 =	simm.s32 @p0 $0x1  }
0x13: {  	[smem:$0x3FB7] =	sst s0;
	s0 =	simm.s32 @!p1 $0x0  }
0x14: {  	s2 =	sld [smem:$0x3F9B];
	s0 =	simm.s32 @p1 $0x1  }
0x15: {  	[smem:$0x3FB8] =	sst s0;
	s0 =	simm.s32 @!p2 $0x0  }
0x16: {  	s3 =	sld [smem:$0x3FDB];
	s0 =	simm.s32 @p2 $0x1  }
0x17: {  	s4 =	simm.s32 $0x1BF5;
	[smem:$0x3FBA] =	sst s0  }
0x18: {  	s0 =	sld [smem:$0x3F9D];
	_ =	swait.ge [sflag:s4], $0x0  }
0x19: {  	s7 =	sld [smem:$0x3F9E]  }
0x1a: {  	s8 =	sadd.s32 $0xFFFFE003, lr  }
0x1b: {  	s9 =	sadd.s32 $0xFFFFFEF7, lr;
	s5 =	simm.s32 $0xFFFFFFFF;
	p2 =	slt.u32 s8, $0xFFFFF086  }
0x1c: {  	p1 =	slt.u32 s9, $0xF7A;
	s5 =	simm.s32 @!p2 $0x0  }
0x1d: {  	s5 =	simm.s32 @p1 $0x1;
	p0 =	seq.s32 s7, s2  }
0x1e: {  	s7 =	smul.u32 @!p0 $0xF7A, s2;
	p2 =	seq.s32 @!p0 s5, $0x0  }
0x1f: {  	s9 =	smul.u32 $0xF7A, s1;
	s8 =	simm.s32 @!p0 $0x1BF5;
	p2 =	por !p2, p0  }
0x20: {  	[sflag:s8] =	ssyncset.s32 @!p0 $0xFFFFF086;
	s6 =	sadd.s32 @!p0 s3, s7;
	s7 =	simm.s32 @!p0 $0x108  }
0x21: {  	s3 =	sadd.s32 s3, s9;
	s6 =	sadd.s32 @!p0 $0x88, s6;
	s7 =	simm.s32 @p2 $0x1082  }
0x22: {  	[simem:s7], [sflag:s8] =	dma.local @!p0 [hbm:s6], $0xF7A  }
0x23: {  	s9 =	sor.u32 $0xD0000000, s2;
	s6 =	simm.s32 $0x108;
	_ =	swait.ge @!p0 [sflag:s8], $0x0  }
0x24: {  	s3 =	sadd.s32 $0x88, s3;
	s6 =	simm.s32 @!p1 $0x1082;
	[sflag:s4] =	ssyncset.s32 $0xFFFFF086  }
0x25: {  	[simem:s6], [sflag:s4] =	dma.local [hbm:s3], $0xF7A  }
0x26: {  	[smem:$0x3F9E] =	sst s1;
	(tag) =	ssettag s2;
	_ =	strace s9  }
0x27: {  	s1 =	sld [smem:$0x3FAE]  }
0x28: {  	s2 =	sld [smem:$0x3FAF]  }
0x29: {  	s4 =	sld [smem:$0x3FB1]  }
0x2a: {  	p0 =	seq.s32 s5, $0x0;
	s5 =	sld [smem:$0x3FB2]  }
0x2b: {  	s6 =	sld [smem:$0x3FB3]  }
0x2c: {  	s7 =	sld [smem:$0x3FB4]  }
0x2d: {  	s3 =	simm.s32 $0x108;
	s8 =	sld [smem:$0x3FB5]  }
0x2e: {  	s3 =	simm.s32 @!p0 $0x1082;
	s9 =	sld [smem:$0x3FB6]  }
0x2f: {  	lr =	sadd.s32 s0, s3;
	s0 =	sld [smem:$0x3FAD]  }
0x30: {  	s3 =	sld [smem:$0x3FB0]  }
0x31: {  	[smem:$0x3FB9] =	sst s10  }
0x32: {  	s10 =	sld [smem:$0x3FB7];
	_ =	sdelay $0x3  }
0x33: {  	p0 =	seq.s32 s10, $0x1;
	s10 =	sld [smem:$0x3FB9];
	_ =	sdelay $0x3  }
0x34: {  	[smem:$0x3FB9] =	sst s10  }
0x35: {  	s10 =	sld [smem:$0x3FB8];
	_ =	sdelay $0x3  }
0x36: {  	p1 =	seq.s32 s10, $0x1;
	s10 =	sld [smem:$0x3FB9];
	_ =	sdelay $0x3  }
0x37: {  	[smem:$0x3FB9] =	sst s10  }
0x38: {  	s10 =	sld [smem:$0x3FBA]  }
0x39: {  	_ = 	snop;
	(pc) =	sbr.ind lr, $3  }
0x3a: {  	_ = 	snop  }
0x3b: {  	_ = 	snop  }
0x3c: {  	p2 =	seq.s32 s10, $0x1;
	s10 =	sld [smem:$0x3FB9]  }
0x3d: {  	_ =	shalt  }
0x3e: {  	_ =	shalt  }
0x3f: {  	_ =	shalt  }
0x40: {  	_ =	shalt  }
0x41: {  	_ =	shalt  }
0x42: {  	_ =	shalt  }
0x43: {  	_ =	shalt  }
0x44: {  	_ =	shalt  }
0x45: {  	_ =	shalt  }
0x46: {  	_ =	shalt  }
0x47: {  	_ =	shalt  }
0x48: {  	_ =	shalt  }
0x49: {  	_ =	shalt  }
0x4a: {  	_ =	shalt  }
0x4b: {  	_ =	shalt  }
0x4c: {  	_ =	shalt  }
0x4d: {  	_ =	shalt  }
0x4e: {  	_ =	shalt  }
0x4f: {  	_ =	shalt  }
0x50: {  	_ =	shalt  }
0x51: {  	_ =	shalt  }
0x52: {  	_ =	shalt  }
0x53: {  	_ =	shalt  }
0x54: {  	_ =	shalt  }
0x55: {  	_ =	shalt  }
0x56: {  	_ =	shalt  }
0x57: {  	_ =	shalt  }
0x58: {  	_ =	shalt  }
0x59: {  	_ =	shalt  }
0x5a: {  	_ =	shalt  }
0x5b: {  	_ =	shalt  }
0x5c: {  	_ =	shalt  }
0x5d: {  	_ =	shalt  }
0x5e: {  	_ =	shalt  }
0x5f: {  	_ =	shalt  }
0x60: {  	_ =	shalt  }
0x61: {  	_ =	shalt  }
0x62: {  	_ =	shalt  }
0x63: {  	_ =	shalt  }
0x64: {  	_ =	shalt  }
0x65: {  	_ =	shalt  }
0x66: {  	_ =	shalt  }
0x67: {  	_ =	shalt  }
0x68: {  	_ =	shalt  }
0x69: {  	_ =	shalt  }
0x6a: {  	_ =	shalt  }
0x6b: {  	_ =	shalt  }
0x6c: {  	_ =	shalt  }
0x6d: {  	_ =	shalt  }
0x6e: {  	_ =	shalt  }
0x6f: {  	_ =	shalt  }
0x70: {  	_ =	shalt  }
0x71: {  	_ =	shalt  }
0x72: {  	_ =	shalt  }
0x73: {  	_ =	shalt  }
0x74: {  	_ =	shalt  }
0x75: {  	_ =	shalt  }
0x76: {  	_ =	shalt  }
0x77: {  	_ =	shalt  }
0x78: {  	_ =	shalt  }
0x79: {  	_ =	shalt  }
0x7a: {  	_ =	shalt  }
0x7b: {  	_ =	shalt  }
0x7c: {  	_ =	shalt  }
0x7d: {  	_ =	shalt  }
0x7e: {  	_ =	shalt  }
0x7f: {  	_ =	shalt  }
0x80: {  	_ =	shalt  }
0x81: {  	_ =	shalt  }
0x82: {  	_ =	shalt  }
0x83: {  	_ =	shalt  }
0x84: {  	_ =	shalt  }
0x85: {  	_ =	shalt  }
0x86: {  	_ =	shalt  }
0x87: {  	_ =	shalt  }
.Lfunc_end0:
.L_simem_size_0:
called_computation_lowered:
.L_overlay_start_0:
0x88: {  	s2 =	sld [smem:$0x3FD9]  }
0x89: {  	s3 =	sld [smem:$0x3FFE];
	_ =	sdelay $0x1  }
0x8a: {  	s1 =	srdreg.scid  }
0x8b: {  	s0 =	sand.u32 $0x1, s1  }
0x8c: {  	s17 =	sshll.u32 s0, $0xA;
	s2 =	sadd.s32 s3, s2  }
0x8d: {  	s2 =	sadd.s32 s2, s17  }
0x8e: {  	[smem:$0x3FC5] =	sst s2  }
0x8f: {  	_ = 	snop  }
0x90: {  	s2 =	sld [smem:$0x3FC9]  }
0x91: {  	s18 =	sld [smem:$0x3FC7]  }
0x92: {  	s4 =	sld [smem:$0x3FD0];
	(tm) =	ssettm $0x1  }
0x93: {  	s5 =	sld [smem:$0x3FFB];
	_ =	sdelay $0x3  }
0x94: {  	_ =	strace s5  }
0x95: {  	s5 =	sld [smem:$0x3FFC];
	_ =	sdelay $0x3  }
0x96: {  	_ =	strace s5  }
0x97: {  	s5 =	sld [smem:$0x3FFD];
	_ =	sdelay $0x3  }
0x98: {  	_ =	strace s5  }
0x99: {  	_ =	strace $0x8FFFFFFF  }
0x9a: {  	s19 =	sld [smem:$0x3FDB];
	_ =	sdelay $0x1  }
0x9b: {  	s6 =	simm.s32 $_scs_section_size  }
0x9c: {  	s7 =	simm.s32 $_size__tile_overlayer_lowered;
	s8 =	simm.s32 $_tile_overlayer_lowered  }
0x9d: {  	s22 =	simm.s32 $0x1BFF;
	s21 =	sshll.u32 s8, $0x1;
	s5 =	sadd.s32 s6, s19  }
0x9e: {  	s9 =	simm.s32 $0x0;
	s20 =	sshll.u32 s7, $0x1;
	s7 =	sadd.s32 s21, s5  }
0x9f: {  	[timem:s9], [sflag:s22] =	dma.local [hbm:s7], s20  }
0xa0: {  	_ =	swait.ge [sflag:s22], s20  }
0xa1: {  	s6 =	ssub.s32 $0x0, s20;
	[sflag:s22] =	ssyncset.done $0x0  }
0xa2: {  	[sflag:s22] =	ssyncadd.s32 s6;
	_ =	sdelay $0x1  }
0xa3: {  	s23 =	simm.s32 $0x1B8B  }
0xa4: {  	_ =	swait.ge [sflag:s23], $0x1  }
0xa5: {  	[sflag:s23] =	ssyncset.done $0x0  }
0xa6: {  	s25 =	simm.s32 $0x1B8E;
	s24 =	sld [smem:$0x3FFE];
	[sflag:s23] =	ssyncadd.s32 $0xFFFFFFFF  }
0xa7: {  	s26 =	simm.s32 $execute0_lowered;
	[smem:$0x3FD2] =	sst s25  }
0xa8: {  	s7 =	sshll.u32 s26, $0x1;
	_ =	strace $0x80000046;
	[dreg:$0x1] =	wrdreg $0xFFFFFFFF  }
0xa9: {  	s28 =	simm.s32 $_size_execute0_lowered;
	s5 =	sadd.s32 s5, s7;
	[dreg:$0x0] =	wrdreg $0x0  }
0xaa: {  	s7 =	sshll.u32 s28, $0x1;
	[dreg:$0x2] =	wrdreg s5  }
0xab: {  	[dreg:$0x3] =	wrdreg s7  }
0xac: {  	[dreg:$0x4] =	wrdreg $0xC0  }
0xad: {  	_ =	task [dreg:s9], $0x5FFFF  }
0xae: {  	[dreg:$0x1] =	wrdreg $0xFFFFFFFF  }
0xaf: {  	[dreg:$0x0] =	wrdreg $0x60  }
0xb0: {  	[dreg:$0x2] =	wrdreg s2  }
0xb1: {  	[dreg:$0x3] =	wrdreg s24  }
0xb2: {  	[dreg:$0x4] =	wrdreg s18  }
0xb3: {  	[dreg:$0x5] =	wrdreg s4  }
0xb4: {  	[dreg:$0x6] =	wrdreg $0x100000  }
0xb5: {  	[dreg:$0x7] =	wrdreg $0x110000  }
0xb6: {  	[dreg:$0x8] =	wrdreg $0x120000  }
0xb7: {  	[dreg:$0x9] =	wrdreg $0x9  }
0xb8: {  	_ =	task.clear_ibuf [dreg:s9], $0xAFFFF;
	_ =	strace $0x90000046  }
0xb9: {  	s29 =	simm.s32 $0x9;
	_ =	strace $0x80000048  }
0xba: {  	_ =	swait.ge [sflag:s29], $0x1  }
0xbb: {  	[sflag:s29] =	ssyncadd.s32 $0xFFFFFFFF  }
0xbc: {  	_ =	strace $0x90000048  }
0xbd: {  	_ =	sfence  }
0xbe: {  	s30 =	sld [smem:$0x0];
	_ =	sdelay $0x2  }
0xbf: {  	s31 =	sshll.u32 s1, $0xD;
	s1 =	sshrl.u32 s1, $0x2  }
0xc0: {  	s3 =	sand.u32 $0x4000, s31;
	s1 =	sadd.s32 s1, s30  }
0xc1: {  	s0 =	sor.u32 s3, s0;
	s1 =	sshll.u32 s1, $0x11  }
0xc2: {  	s0 =	sor.u32 s1, s0  }
0xc3: {  	s0 =	sadd.s32 $0x8F2B, s0  }
0xc4: {  	[sflag:s0] =	ssyncadd.remote.s32 $0x1  }
0xc5: {  	_ =	sfence.sel $0xFFFF  }
0xc6: {  	[dreg:$0x0] =	wrdreg $0xFFFFFFFF;
	(pc) =	sbr.abs _section_cstart, $3  }
0xc7: {  	[dreg:$0x1] =	wrdreg $0xFFFFFFFF  }
0xc8: {  	_ =	task.clear_ibuf [dreg:s9], $0x2FFFF;
	_ =	strace $0x9FFFFFFF  }
0xc9: {  	(tm) =	ssettm $0x7FFFFFFF  }
tec
execute0_lowered:
.L_overlay_start_1:
0x0: {  	(tag) =	ssettag $0x1  }
0x1: {  	s0 =	rddreg [dreg:$0x0]  }
0x2: {  	s1 =	rddreg [dreg:$0x1]  }
0x3: {  	s2 =	rddreg [dreg:$0x2]  }
0x4: {  	s9 =	rddreg [dreg:$0x3]  }
0x5: {  	s3 =	rddreg [dreg:$0x4]  }
0x6: {  	s4 =	rddreg [dreg:$0x5]  }
0x7: {  	s5 =	rddreg [dreg:$0x6];
	s6 =	simm.s32 $0x0;
	s7 =	srdreg.scid  }
0x8: {  	s16 =	stileid.u32;
	[smem:$0x7FF] =	sst s6  }
0x9: {  	s11 =	sand.u32 $0x1, s7;
	s7 =	sadd.s32 $0x100600, s1;
	s8 =	sadd.s32 $0x80600, s1  }
0xa: {  	s10 =	sadd.s32 $0x600, s1;
	s31 =	sshll.u32 s16, $0xC;
	s17 =	sshll.u32 s16, $0x11  }
0xb: {  	s18 =	sshll.u32 s16, $0x9;
	s19 =	sshll.u32 s16, $0x6;
	_ =	strace $0x80000047  }
0xc: {  	s12 =	ssub.s32 $0x2, s11;
	s13 =	sshll.u32 s11, $0x4;
	s15 =	sadd.s32 s31, s3  }
0xd: {  	s11 =	sshll.u32 s11, $0x15;
	s9 =	sadd.s32 s9, s18;
	[dreg:$0x8] =	wrdreg s15  }
0xe: {  	s26 =	sor.u32 $0x1C09, s19;
	s20 =	sadd.s32 s31, s4;
	[dreg:$0x9] =	wrdreg s9  }
0xf: {  	s14 =	sshrl.u32 s12, $0x1;
	s13 =	sadd.s32 s13, s1;
	[dreg:$0xb] =	wrdreg s20  }
0x10: {  	s11 =	sor.u32 s17, s11;
	s1 =	sadd.s32 s31, s5;
	[dreg:$0xa] =	wrdreg s26  }
0x11: {  	s12 =	ssub.s32 s12, s14;
	[dreg:$0xc] =	wrdreg s1;
	s20 =	sor.u32 $0x1000, s11  }
0x12: {  	s14 =	sshrl.u32 s11, $0x3;
	s13 =	sadd.s32 $0x180600, s13;
	[dreg:$0x17] =	wrdreg s20  }
0x13: {  	s22 =	sadd.s32 s0, s14;
	[dreg:$0x1c] =	wrdreg s13  }
0x14: {  	s9 =	sadd.s32 s2, s14;
	[dreg:$0xd] =	wrdreg s22  }
0x15: {  	s15 =	sadd.s32 s7, s14;
	[dreg:$0x13] =	wrdreg s9  }
0x16: {  	s29 =	simm.s32 $0x9;
	s17 =	sadd.s32 s8, s14;
	[dreg:$0x14] =	wrdreg s15  }
0x17: {  	s21 =	sor.u32 $0x100, s14;
	s18 =	sadd.s32 s10, s14;
	[dreg:$0x15] =	wrdreg s17  }
0x18: {  	s19 =	sor.u32 $0x200, s14;
	s12 =	smax.u32 s12, $0x1;
	[dreg:$0x16] =	wrdreg s18  }
0x19: {  	s14 =	sor.u32 $0x300, s14;
	s23 =	sadd.s32 s0, s21;
	[dreg:$0x1d] =	wrdreg s12  }
0x1a: {  	s24 =	sadd.s32 s2, s21;
	s25 =	sadd.s32 s7, s21;
	[dreg:$0xe] =	wrdreg s23  }
0x1b: {  	s30 =	sadd.s32 s8, s21;
	s31 =	sadd.s32 s10, s21;
	[dreg:$0xf] =	wrdreg s24  }
0x1c: {  	s21 =	sor.u32 $0x1800, s11;
	s22 =	sor.u32 $0x2000, s11;
	[dreg:$0x10] =	wrdreg s25  }
0x1d: {  	s18 =	sadd.s32 s2, s19;
	s28 =	smov.u32 s19;
	[dreg:$0x11] =	wrdreg s30  }
0x1e: {  	s20 =	sadd.s32 s0, s14;
	s17 =	smov.u32 s14;
	[dreg:$0x12] =	wrdreg s31  }
0x1f: {  	s15 =	simm.s32 $0x1;
	s12 =	simm.s32 $0x1000;
	[dreg:$0x18] =	wrdreg s21  }
0x20: {  	[dreg:$0x19] =	wrdreg s22;
	s23 =	sor.u32 $0x2800, s11;
	s24 =	sshll.u32 s16, $0xA  }
0x21: {  	s31 =	sadd.s32 s0, s19;
	s19 =	sadd.s32 s7, s19;
	s21 =	sadd.s32 s2, s14  }
0x22: {  	s22 =	sadd.s32 s7, s14;
	s16 =	simm.s32 $0x6;
	[dreg:$0x1a] =	wrdreg s23  }
0x23: {  	s14 =	simm.s32 $0x0;
	s25 =	sor.u32 $0x4000, s24;
	[dreg:$0x1b] =	wrdreg s24  }
0x24: {  	s11 =	sor.u32 $0x8000, s24;
	[smem:$0x7FD] =	sst s31;
	s24 =	simm.s32 $0x800  }
0x25: {  	s23 =	simm.s32 $0x2;
	s9 =	sadd.s32 s13, s25;
	s30 =	sadd.s32 s13, s11  }
0x26: {  	s11 =	simm.s32 $0x3;
	s13 =	simm.s32 $0x4;
	[dreg:$0x1e] =	wrdreg s9  }
0x27: {  	s25 =	simm.s32 $0x1800;
	[dreg:$0x1f] =	wrdreg s30;
	s9 =	simm.s32 $0x5  }
.LBB2_1:
0x28: {  	[smem:$0x7F9] =	sst s14  }
0x29: {  	s1 =	rddreg [dreg:$0x8]  }
0x2a: {  	s31 =	sshrl.u32 s1, $0x3;
	s1 =	rddreg [dreg:$0x9]  }
0x2b: {  	[smem:$0x7FA] =	sst s31  }
0x2c: {  	[spmem:s31], [sflag:s26] =	dma.local [hbm:s1], $0x200  }
0x2d: {  	_ =	swait.ge [sflag:s29], $0x200  }
0x2e: {  	s30 =	rddreg [dreg:$0xb]  }
0x2f: {  	[sflag:s29] =	ssyncset.done $0x0;
	s14 =	sshrl.u32 s30, $0x3  }
0x30: {  	[sflag:s29] =	ssyncadd.s32 $0xFFFFFE00;
	[smem:$0x7FB] =	sst s14  }
0x31: {  	[spmem:s14], [sflag:s26] =	dma.local [hbm:s1], $0x200  }
0x32: {  	_ =	swait.ge [sflag:s29], $0x200  }
0x33: {  	s31 =	rddreg [dreg:$0xc]  }
0x34: {  	[sflag:s29] =	ssyncset.done $0x0;
	s14 =	sshrl.u32 s31, $0x3  }
0x35: {  	[sflag:s29] =	ssyncadd.s32 $0xFFFFFE00;
	[smem:$0x7FC] =	sst s14  }
0x36: {  	[spmem:s14], [sflag:s26] =	dma.local [hbm:s1], $0x200  }
0x37: {  	_ =	swait.ge [sflag:s29], $0x200  }
0x38: {  	[sflag:s29] =	ssyncset.done $0x0  }
0x39: {  	[sflag:s29] =	ssyncadd.s32 $0xFFFFFE00  }
0x3a: {  	[bflag:$0x0] =	sbarrier.arrive $0xFFFF  }
0x3b: {  	s14 =	rddreg [dreg:$0xd]  }
0x3c: {  	[tilespmem:s6], [sflag:$0x1] =	stream.linear.gather [hbm4b:s14+s6], $0x800, $0x38;
	[tilespmem:$0x13000] =	vst v63  }
0x3d: {  	s29 =	simm.s32 $0x8000;
	s26 =	rddreg [dreg:$0x13]  }
0x3e: {  	[tilespmem:s29], [sflag:$0x1] =	stream.linear.gather [hbm4b:s26+s6], $0x800, $0x38;
	[tilespmem:$0x13000] =	vst v63  }
0x3f: {  	s31 =	simm.s32 $0x2000;
	s30 =	rddreg [dreg:$0x14]  }
0x40: {  	[tilespmem:s31], [sflag:$0x1] =	stream.linear.gather [hbm4b:s30+s6], $0x800, $0x38;
	[tilespmem:$0x13000] =	vst v63  }
0x41: {  	s26 =	rddreg [dreg:$0x15];
	s29 =	simm.s32 $0x4000  }
0x42: {  	[tilespmem:s29], [sflag:$0x1] =	stream.linear.gather [hbm4b:s26+s6], $0x800, $0x38;
	[tilespmem:$0x13000] =	vst v63  }
0x43: {  	s30 =	rddreg [dreg:$0x16];
	s31 =	simm.s32 $0x6000  }
0x44: {  	[tilespmem:s31], [sflag:$0x1] =	stream.linear.gather [hbm4b:s30+s6], $0x800, $0x38;
	[tilespmem:$0x13000] =	vst v63  }
0x45: {  	s14 =	rddreg [dreg:$0xe]  }
0x46: {  	[tilespmem:s24], [sflag:$0x2] =	stream.linear.gather [hbm4b:s14+s6], $0x800, $0x38;
	[tilespmem:$0x13000] =	vst v63  }
0x47: {  	s26 =	rddreg [dreg:$0xf];
	s29 =	simm.s32 $0x8800  }
0x48: {  	[tilespmem:s29], [sflag:$0x2] =	stream.linear.gather [hbm4b:s26+s6], $0x800, $0x38;
	[tilespmem:$0x13000] =	vst v63  }
0x49: {  	s30 =	rddreg [dreg:$0x10];
	s31 =	simm.s32 $0x2800  }
0x4a: {  	[tilespmem:s31], [sflag:$0x2] =	stream.linear.gather [hbm4b:s30+s6], $0x800, $0x38;
	[tilespmem:$0x13000] =	vst v63  }
0x4b: {  	s26 =	rddreg [dreg:$0x11];
	s29 =	simm.s32 $0x4800  }
0x4c: {  	[tilespmem:s29], [sflag:$0x2] =	stream.linear.gather [hbm4b:s26+s6], $0x800, $0x38;
	[tilespmem:$0x13000] =	vst v63  }
0x4d: {  	s14 =	simm.s32 $0x0;
	s30 =	rddreg [dreg:$0x12];
	s31 =	simm.s32 $0x6800  }
0x4e: {  	[tilespmem:s31], [sflag:$0x2] =	stream.linear.gather [hbm4b:s30+s6], $0x800, $0x38;
	[tilespmem:$0x13000] =	vst v63  }
.LBB2_2:
0x4f: {  	s1 =	sld [smem:$0x7FD]  }
0x50: {  	p0 =	seq.s32 s14, $0x0  }
0x51: {  	s26 =	simm.s32 @p0 $0x0;
	s29 =	simm.s32 @p0 $0x1000  }
0x52: {  	[tilespmem:s29], [sflag:$0x3] =	stream.linear.gather @p0 [hbm4b:s1+s26], $0x800, $0x38;
	[tilespmem:$0x13000] =	vst v63  }
0x53: {  	s29 =	simm.s32 @p0 $0x9000  }
0x54: {  	[tilespmem:s29], [sflag:$0x3] =	stream.linear.gather @p0 [hbm4b:s18+s26], $0x800, $0x38;
	[tilespmem:$0x13000] =	vst v63  }
0x55: {  	s29 =	simm.s32 @p0 $0x3000  }
0x56: {  	[tilespmem:s29], [sflag:$0x3] =	stream.linear.gather @p0 [hbm4b:s19+s26], $0x800, $0x38;
	[tilespmem:$0x13000] =	vst v63  }
0x57: {  	s26 =	simm.s32 @!p0 $0x7  }
0x58: {  	_ =	swait.ge @!p0 [sflag:s26], $0x800  }
0x59: {  	[sflag:s26] =	ssyncset.done @!p0 $0x0  }
0x5a: {  	[sflag:s26] =	ssyncadd.s32 @!p0 $0xFFFFF800  }
0x5b: {  	_ =	swait.ge @!p0 [sflag:s26], $0x800  }
0x5c: {  	[sflag:s26] =	ssyncset.done @!p0 $0x0  }
0x5d: {  	[sflag:s26] =	ssyncadd.s32 @!p0 $0xFFFFF800  }
0x5e: {  	_ =	swait.ge @!p0 [sflag:s26], $0x800  }
0x5f: {  	s29 =	sshll.u32 @!p0 s14, $0xD;
	s1 =	rddreg [dreg:$0x17]  }
0x60: {  	[sflag:s26] =	ssyncset.done @!p0 $0x0;
	s30 =	sadd.s32 @!p0 s1, s29  }
0x61: {  	[sflag:s26] =	ssyncadd.s32 @!p0 $0xFFFFF800;
	s26 =	sshrl.u32 @!p0 s30, $0x3  }
0x62: {  	s31 =	simm.s32 @!p0 $0x0;
	s1 =	simm.s32 @!p0 $0x1000;
	s30 =	sadd.s32 @!p0 s0, s26  }
0x63: {  	[tilespmem:s1], [sflag:$0x3] =	stream.linear.gather @!p0 [hbm4b:s30+s31], $0x800, $0x38;
	[tilespmem:$0x13000] =	vst v63  }
0x64: {  	s1 =	sadd.s32 @!p0 s2, s26;
	s30 =	simm.s32 @!p0 $0x9000  }
0x65: {  	[tilespmem:s30], [sflag:$0x3] =	stream.linear.gather @!p0 [hbm4b:s1+s31], $0x800, $0x38;
	[tilespmem:$0x13000] =	vst v63  }
0x66: {  	s1 =	sadd.s32 @!p0 s7, s26;
	s30 =	simm.s32 @!p0 $0x3000;
	s26 =	smov.u32 @p0 s28  }
0x67: {  	[tilespmem:s30], [sflag:$0x3] =	stream.linear.gather @!p0 [hbm4b:s1+s31], $0x800, $0x38;
	[tilespmem:$0x13000] =	vst v63  }
0x68: {  	s1 =	sadd.s32 s8, s26;
	s30 =	simm.s32 $0x0;
	s31 =	simm.s32 $0x5000  }
0x69: {  	[tilespmem:s31], [sflag:$0x3] =	stream.linear.gather [hbm4b:s1+s30], $0x800, $0x38;
	[tilespmem:$0x13000] =	vst v63  }
0x6a: {  	s1 =	sadd.s32 s10, s26;
	s26 =	simm.s32 $0x7000  }
0x6b: {  	[tilespmem:s26], [sflag:$0x3] =	stream.linear.gather [hbm4b:s1+s30], $0x800, $0x38;
	[tilespmem:$0x13000] =	vst v63  }
0x6c: {  	_ =	swait.ge [sflag:s15], $0x800  }
0x6d: {  	[sflag:s15] =	ssyncset.done $0x0  }
0x6e: {  	[sflag:s15] =	ssyncadd.s32 $0xFFFFF800  }
0x6f: {  	_ =	swait.ge [sflag:s15], $0x800  }
0x70: {  	[sflag:s15] =	ssyncset.done $0x0  }
0x71: {  	[sflag:s15] =	ssyncadd.s32 $0xFFFFF800  }
0x72: {  	_ =	swait.ge [sflag:s15], $0x800  }
0x73: {  	[sflag:s15] =	ssyncset.done $0x0  }
0x74: {  	[sflag:s15] =	ssyncadd.s32 $0xFFFFF800  }
0x75: {  	_ =	swait.ge [sflag:s15], $0x800  }
0x76: {  	[sflag:s15] =	ssyncset.done $0x0  }
0x77: {  	[sflag:s15] =	ssyncadd.s32 $0xFFFFF800  }
0x78: {  	_ =	swait.ge [sflag:s15], $0x800  }
0x79: {  	[sflag:s15] =	ssyncset.done $0x0  }
0x7a: {  	s30 =	simm.s32 $0x0;
	[sflag:s15] =	ssyncadd.s32 $0xFFFFF800  }
0x7b: {  	v0 =	vld [tilespmem:s30+$0x8070]  }
0x7c: {  	v1 =	vld [tilespmem:s30+$0x6070]  }
0x7d: {  	v2 =	vld [tilespmem:s30+$0x8000]  }
0x7e: {  	v3 =	vld [tilespmem:s30+$0x2000]  }
0x7f: {  	v4 =	vld [tilespmem:s30+$0x4000]  }
0x80: {  	v5 =	vld [tilespmem:s30+$0x6000];
	_ =	sdelay $0x1  }
0x81: {  	v6 =	vld [tilespmem:s30+$0x8010]  }
0x82: {  	v7 =	vld [tilespmem:s30+$0x2010]  }
0x83: {  	v8 =	vld [tilespmem:s30+$0x4010];
	v1 =	vmul.f32 v1, v0;
	v3 =	vmul.f32 v3, v2  }
0x84: {  	v4 =	vmul.f32 v4, v2;
	v2 =	vmul.f32 v5, v2;
	v5 =	vld [tilespmem:s30+$0x4020]  }
0x85: {  	[tilespmem:s30+$0xE070] =	vst v1;
	v1 =	vld [tilespmem:s30+$0x6010]  }
0x86: {  	[tilespmem:s30+$0xA000] =	vst v3;
	v3 =	vld [tilespmem:s30+$0x8020]  }
0x87: {  	[tilespmem:s30+$0xC000] =	vst v4;
	v4 =	vld [tilespmem:s30+$0x2020]  }
0x88: {  	[tilespmem:s30+$0xE000] =	vst v2;
	v2 =	vmul.f32 v7, v6  }
0x89: {  	v7 =	vld [tilespmem:s30+$0x6020]  }
0x8a: {  	[tilespmem:s30+$0xA010] =	vst v2;
	v2 =	vld [tilespmem:s30+$0x8030];
	v1 =	vmul.f32 v1, v6  }
0x8b: {  	v8 =	vmul.f32 v8, v6;
	v6 =	vld [tilespmem:s30+$0x2030]  }
0x8c: {  	v5 =	vmul.f32 v5, v3;
	[tilespmem:s30+$0xE010] =	vst v1;
	v1 =	vmul.f32 v4, v3;
	v4 =	vld [tilespmem:s30+$0x4030]  }
0x8d: {  	[tilespmem:s30+$0xC010] =	vst v8;
	v8 =	vld [tilespmem:s30+$0x6030]  }
0x8e: {  	[tilespmem:s30+$0xC020] =	vst v5;
	v5 =	vld [tilespmem:s30+$0x2040]  }
0x8f: {  	v3 =	vmul.f32 v7, v3;
	v7 =	vld [tilespmem:s30+$0x6040]  }
0x90: {  	[tilespmem:s30+$0xA020] =	vst v1;
	v1 =	vld [tilespmem:s30+$0x8040]  }
0x91: {  	[tilespmem:s30+$0xE020] =	vst v3;
	v3 =	vmul.f32 v6, v2;
	v6 =	vld [tilespmem:s30+$0x4040];
	v4 =	vmul.f32 v4, v2  }
0x92: {  	v9 =	vld [tilespmem:s30+$0x8050]  }
0x93: {  	v2 =	vmul.f32 v8, v2;
	[tilespmem:s30+$0xC030] =	vst v4;
	v4 =	vld [tilespmem:s30+$0x4050]  }
0x94: {  	[tilespmem:s30+$0xA030] =	vst v3;
	v3 =	vld [tilespmem:s30+$0x2050]  }
0x95: {  	[tilespmem:s30+$0xE030] =	vst v2;
	v2 =	vmul.f32 v5, v1;
	v5 =	vld [tilespmem:s30+$0x6050]  }
0x96: {  	v6 =	vmul.f32 v6, v1;
	v1 =	vmul.f32 v7, v1;
	v7 =	vld [tilespmem:s30+$0x2060]  }
0x97: {  	[tilespmem:s30+$0xA040] =	vst v2;
	v2 =	vld [tilespmem:s30+$0x8060]  }
0x98: {  	[tilespmem:s30+$0xC040] =	vst v6;
	v6 =	vld [tilespmem:s30+$0x4060];
	v8 =	vmul.f32 v4, v9  }
0x99: {  	[tilespmem:s30+$0xE040] =	vst v1;
	v1 =	vmul.f32 v3, v9;
	v3 =	vld [tilespmem:s30+$0x6060]  }
0x9a: {  	v4 =	vld [tilespmem:s30+$0x2070];
	[tilespmem:s30+$0xC050] =	vst v8;
	v8 =	vmul.f32 v5, v9  }
0x9b: {  	s31 =	simm.s32 $0x80;
	[tilespmem:s30+$0xA050] =	vst v1;
	v5 =	vld [tilespmem:s30+$0x4070]  }
0x9c: {  	s26 =	simm.s32 $0x400;
	v7 =	vmul.f32 v7, v2;
	v1 =	vld [tilespmem:s31+$0x8070];
	[tilespmem:s30+$0xE050] =	vst v8  }
.LBB2_3:
0x9d: {  	p1 =	sne.s32 s26, $0x1E00;
	v8 =	vld [tilespmem:s31+$0x6070];
	v6 =	vmul.f32 v6, v2  }
0x9e: {  	v9 =	vld [tilespmem:s31+$0x8000];
	[tilespmem:s30+$0xA060] =	vst v7;
	v2 =	vmul.f32 v3, v2  }
0x9f: {  	v3 =	vld [tilespmem:s31+$0x2000];
	[tilespmem:s30+$0xC060] =	vst v6;
	v4 =	vmul.f32 v4, v0  }
0xa0: {  	v6 =	vld [tilespmem:s31+$0x4000];
	[tilespmem:s30+$0xE060] =	vst v2;
	v2 =	vmul.f32 v5, v0  }
0xa1: {  	v5 =	vld [tilespmem:s31+$0x6000];
	[tilespmem:s30+$0xA070] =	vst v4;
	v0 =	vmov v1  }
0xa2: {  	v1 =	vld [tilespmem:s31+$0x8010];
	v4 =	vmul.f32 v8, v0;
	[tilespmem:s30+$0xC070] =	vst v2;
	s30 =	smov.u32 s31  }
0xa3: {  	v2 =	vld [tilespmem:s30+$0x2010]  }
0xa4: {  	v3 =	vmul.f32 v3, v9;
	v7 =	vld [tilespmem:s30+$0x4010];
	[tilespmem:s30+$0xE070] =	vst v4  }
0xa5: {  	v4 =	vmul.f32 v6, v9;
	v6 =	vld [tilespmem:s30+$0x6010]  }
0xa6: {  	[tilespmem:s30+$0xA000] =	vst v3;
	v3 =	vmul.f32 v5, v9;
	v5 =	vld [tilespmem:s30+$0x8020]  }
0xa7: {  	[tilespmem:s30+$0xC000] =	vst v4;
	v4 =	vld [tilespmem:s30+$0x2020]  }
0xa8: {  	[tilespmem:s30+$0xE000] =	vst v3;
	v2 =	vmul.f32 v2, v1;
	v3 =	vld [tilespmem:s30+$0x4020]  }
0xa9: {  	v7 =	vmul.f32 v7, v1;
	v8 =	vld [tilespmem:s30+$0x6020]  }
0xaa: {  	[tilespmem:s30+$0xA010] =	vst v2;
	v1 =	vmul.f32 v6, v1;
	v2 =	vld [tilespmem:s30+$0x8030]  }
0xab: {  	[tilespmem:s30+$0xC010] =	vst v7;
	v6 =	vld [tilespmem:s30+$0x2030]  }
0xac: {  	[tilespmem:s30+$0xE010] =	vst v1;
	v1 =	vmul.f32 v4, v5;
	v4 =	vld [tilespmem:s30+$0x4030]  }
0xad: {  	v3 =	vmul.f32 v3, v5;
	v7 =	vld [tilespmem:s30+$0x6030]  }
0xae: {  	[tilespmem:s30+$0xA020] =	vst v1;
	v1 =	vmul.f32 v8, v5;
	v5 =	vld [tilespmem:s30+$0x8040]  }
0xaf: {  	[tilespmem:s30+$0xC020] =	vst v3;
	v3 =	vld [tilespmem:s30+$0x2040]  }
0xb0: {  	[tilespmem:s30+$0xE020] =	vst v1;
	v1 =	vmul.f32 v6, v2;
	v6 =	vld [tilespmem:s30+$0x4040]  }
0xb1: {  	v4 =	vmul.f32 v4, v2;
	v8 =	vld [tilespmem:s30+$0x6040]  }
0xb2: {  	[tilespmem:s30+$0xA030] =	vst v1;
	v1 =	vmul.f32 v7, v2;
	v7 =	vld [tilespmem:s30+$0x8050]  }
0xb3: {  	[tilespmem:s30+$0xC030] =	vst v4;
	v4 =	vld [tilespmem:s30+$0x2050]  }
0xb4: {  	[tilespmem:s30+$0xE030] =	vst v1;
	v1 =	vmul.f32 v3, v5;
	v3 =	vld [tilespmem:s30+$0x4050]  }
0xb5: {  	v6 =	vmul.f32 v6, v5;
	v9 =	vld [tilespmem:s30+$0x6050]  }
0xb6: {  	[tilespmem:s30+$0xA040] =	vst v1;
	v1 =	vmul.f32 v8, v5;
	v2 =	vld [tilespmem:s30+$0x8060]  }
0xb7: {  	[tilespmem:s30+$0xC040] =	vst v6;
	v8 =	vld [tilespmem:s30+$0x2060]  }
.Ltmp0:
0xb8: {  	[tilespmem:s30+$0xE040] =	vst v1;
	v1 =	vmul.f32 v4, v7;
	v6 =	vld [tilespmem:s30+$0x4060];
	(pc) =	sbr.rel @p1 .LBB2_3-.Ltmp0, $4  }
0xb9: {  	v5 =	vmul.f32 v3, v7;
	v3 =	vld [tilespmem:s30+$0x6060]  }
0xba: {  	[tilespmem:s30+$0xA050] =	vst v1;
	v7 =	vmul.f32 v9, v7;
	v4 =	vld [tilespmem:s30+$0x2070]  }
0xbb: {  	s31 =	sshra.s32 s26, $0x2;
	[tilespmem:s30+$0xC050] =	vst v5;
	v5 =	vld [tilespmem:s30+$0x4070]  }
0xbc: {  	s26 =	sadd.s32 $0x200, s26;
	v1 =	vld [tilespmem:s31+$0x8070];
	[tilespmem:s30+$0xE050] =	vst v7;
	v7 =	vmul.f32 v8, v2  }
0xbd: {  	v8 =	vld [tilespmem:s31+$0x6070];
	v6 =	vmul.f32 v6, v2  }
0xbe: {  	v9 =	vld [tilespmem:s31+$0x8000];
	[tilespmem:s30+$0xA060] =	vst v7;
	v2 =	vmul.f32 v3, v2  }
0xbf: {  	v7 =	vld [tilespmem:s31+$0x2000];
	[tilespmem:s30+$0xC060] =	vst v6;
	v4 =	vmul.f32 v4, v0  }
0xc0: {  	v3 =	vld [tilespmem:s31+$0x4000];
	[tilespmem:s30+$0xE060] =	vst v2;
	v0 =	vmul.f32 v5, v0  }
0xc1: {  	v2 =	vld [tilespmem:s31+$0x6000];
	[tilespmem:s30+$0xA070] =	vst v4  }
0xc2: {  	v4 =	vld [tilespmem:s31+$0x8010];
	[tilespmem:s30+$0xC070] =	vst v0  }
0xc3: {  	v0 =	vmul.f32 v8, v1;
	v5 =	vld [tilespmem:s31+$0x2010]  }
0xc4: {  	v6 =	vld [tilespmem:s31+$0x4010];
	v7 =	vmul.f32 v7, v9  }
0xc5: {  	[tilespmem:s31+$0xE070] =	vst v0;
	v0 =	vld [tilespmem:s31+$0x6010];
	v3 =	vmul.f32 v3, v9  }
0xc6: {  	[tilespmem:s31+$0xA000] =	vst v7;
	v7 =	vld [tilespmem:s31+$0x8020];
	v2 =	vmul.f32 v2, v9  }
0xc7: {  	[tilespmem:s31+$0xC000] =	vst v3;
	v3 =	vld [tilespmem:s31+$0x2020]  }
0xc8: {  	[tilespmem:s31+$0xE000] =	vst v2;
	v2 =	vmul.f32 v5, v4;
	v5 =	vld [tilespmem:s31+$0x4020]  }
0xc9: {  	v8 =	vld [tilespmem:s31+$0x6020]  }
0xca: {  	v6 =	vmul.f32 v6, v4;
	v0 =	vmul.f32 v0, v4;
	v4 =	vld [tilespmem:s31+$0x2030]  }
0xcb: {  	[tilespmem:s31+$0xA010] =	vst v2;
	v2 =	vld [tilespmem:s31+$0x8030]  }
0xcc: {  	[tilespmem:s31+$0xE010] =	vst v0;
	v0 =	vmul.f32 v3, v7;
	v3 =	vld [tilespmem:s31+$0x4030]  }
0xcd: {  	[tilespmem:s31+$0xC010] =	vst v6;
	v6 =	vld [tilespmem:s31+$0x6030];
	v5 =	vmul.f32 v5, v7  }
0xce: {  	v7 =	vmul.f32 v8, v7;
	[tilespmem:s31+$0xA020] =	vst v0;
	v0 =	vld [tilespmem:s31+$0x8040]  }
0xcf: {  	[tilespmem:s31+$0xC020] =	vst v5;
	v5 =	vld [tilespmem:s31+$0x2040]  }
0xd0: {  	[tilespmem:s31+$0xE020] =	vst v7;
	v4 =	vmul.f32 v4, v2;
	v7 =	vld [tilespmem:s31+$0x4040]  }
0xd1: {  	v8 =	vld [tilespmem:s31+$0x6040];
	v3 =	vmul.f32 v3, v2  }
0xd2: {  	[tilespmem:s31+$0xA030] =	vst v4;
	v4 =	vld [tilespmem:s31+$0x8050];
	v2 =	vmul.f32 v6, v2  }
0xd3: {  	[tilespmem:s31+$0xC030] =	vst v3;
	v3 =	vld [tilespmem:s31+$0x2050]  }
0xd4: {  	[tilespmem:s31+$0xE030] =	vst v2;
	v2 =	vmul.f32 v5, v0;
	v5 =	vld [tilespmem:s31+$0x4050]  }
0xd5: {  	v6 =	vld [tilespmem:s31+$0x6050];
	v7 =	vmul.f32 v7, v0  }
0xd6: {  	v0 =	vmul.f32 v8, v0;
	[tilespmem:s31+$0xA040] =	vst v2;
	v2 =	vld [tilespmem:s31+$0x8060]  }
0xd7: {  	[tilespmem:s31+$0xC040] =	vst v7;
	v7 =	vld [tilespmem:s31+$0x2060]  }
0xd8: {  	[tilespmem:s31+$0xE040] =	vst v0;
	v0 =	vmul.f32 v3, v4;
	v3 =	vld [tilespmem:s31+$0x4060]  }
0xd9: {  	v8 =	vld [tilespmem:s31+$0x6060];
	v5 =	vmul.f32 v5, v4  }
0xda: {  	[tilespmem:s31+$0xA050] =	vst v0;
	v0 =	vld [tilespmem:s31+$0x2070]  }
0xdb: {  	v4 =	vmul.f32 v6, v4;
	[tilespmem:s31+$0xC050] =	vst v5;
	v5 =	vld [tilespmem:s31+$0x4070]  }
0xdc: {  	v6 =	vmul.f32 v7, v2  }
0xdd: {  	[tilespmem:s31+$0xE050] =	vst v4;
	v3 =	vmul.f32 v3, v2  }
0xde: {  	[tilespmem:s31+$0xA060] =	vst v6;
	v2 =	vmul.f32 v8, v2  }
0xdf: {  	[tilespmem:s31+$0xC060] =	vst v3;
	v0 =	vmul.f32 v0, v1  }
0xe0: {  	[tilespmem:s31+$0xE060] =	vst v2;
	v1 =	vmul.f32 v5, v1  }
0xe1: {  	[tilespmem:s31+$0xA070] =	vst v0  }
0xe2: {  	s1 =	simm.s32 $0xA000;
	[tilespmem:s31+$0xC070] =	vst v1  }
0xe3: {  	[spmem:s3] =	stream.indirect.scatter.add.f32 [tilespmem:s1], [sflag:$0x5], $0x1, s6, s24, $0xb8;
	[tilespmem:$0x13000] =	vst v63  }
0xe4: {  	s31 =	simm.s32 $0xC000  }
0xe5: {  	[spmem:s4] =	stream.indirect.scatter.add.f32 [tilespmem:s31], [sflag:$0x5], $0x1, s6, s24, $0xb8;
	[tilespmem:$0x13000] =	vst v63  }
0xe6: {  	s26 =	simm.s32 $0xE000  }
0xe7: {  	[spmem:s5] =	stream.indirect.scatter.add.f32 [tilespmem:s26], [sflag:$0x5], $0x1, s6, s24, $0xb8;
	[tilespmem:$0x13000] =	vst v63  }
0xe8: {  	s1 =	simm.s32 @p0 $0x0;
	s26 =	simm.s32 @p0 $0x1800  }
0xe9: {  	[tilespmem:s26], [sflag:$0x4] =	stream.linear.gather @p0 [hbm4b:s20+s1], $0x800, $0x38;
	[tilespmem:$0x13000] =	vst v63  }
0xea: {  	s26 =	simm.s32 @p0 $0x9800  }
0xeb: {  	[tilespmem:s26], [sflag:$0x4] =	stream.linear.gather @p0 [hbm4b:s21+s1], $0x800, $0x38;
	[tilespmem:$0x13000] =	vst v63  }
0xec: {  	s26 =	simm.s32 @p0 $0x3800  }
0xed: {  	[tilespmem:s26], [sflag:$0x4] =	stream.linear.gather @p0 [hbm4b:s22+s1], $0x800, $0x38;
	[tilespmem:$0x13000] =	vst v63  }
0xee: {  	s1 =	simm.s32 @!p0 $0x8  }
0xef: {  	_ =	swait.ge @!p0 [sflag:s1], $0x800  }
0xf0: {  	[sflag:s1] =	ssyncset.done @!p0 $0x0  }
0xf1: {  	[sflag:s1] =	ssyncadd.s32 @!p0 $0xFFFFF800  }
0xf2: {  	_ =	swait.ge @!p0 [sflag:s1], $0x800  }
0xf3: {  	[sflag:s1] =	ssyncset.done @!p0 $0x0  }
0xf4: {  	[sflag:s1] =	ssyncadd.s32 @!p0 $0xFFFFF800  }
0xf5: {  	_ =	swait.ge @!p0 [sflag:s1], $0x800  }
0xf6: {  	s26 =	rddreg [dreg:$0x18]  }
0xf7: {  	[sflag:s1] =	ssyncset.done @!p0 $0x0;
	s26 =	sadd.s32 @!p0 s26, s29  }
0xf8: {  	[sflag:s1] =	ssyncadd.s32 @!p0 $0xFFFFF800;
	s1 =	sshrl.u32 @!p0 s26, $0x3  }
0xf9: {  	s30 =	simm.s32 @!p0 $0x1800;
	s29 =	simm.s32 @!p0 $0x0;
	s26 =	sadd.s32 @!p0 s0, s1  }
0xfa: {  	[tilespmem:s30], [sflag:$0x4] =	stream.linear.gather @!p0 [hbm4b:s26+s29], $0x800, $0x38;
	[tilespmem:$0x13000] =	vst v63  }
0xfb: {  	s26 =	sadd.s32 @!p0 s2, s1;
	s30 =	simm.s32 @!p0 $0x9800  }
0xfc: {  	[tilespmem:s30], [sflag:$0x4] =	stream.linear.gather @!p0 [hbm4b:s26+s29], $0x800, $0x38;
	[tilespmem:$0x13000] =	vst v63  }
0xfd: {  	s26 =	sadd.s32 @!p0 s7, s1;
	s30 =	simm.s32 @!p0 $0x3800;
	s1 =	smov.u32 @p0 s17  }
0xfe: {  	[tilespmem:s30], [sflag:$0x4] =	stream.linear.gather @!p0 [hbm4b:s26+s29], $0x800, $0x38;
	[tilespmem:$0x13000] =	vst v63  }
0xff: {  	s31 =	sadd.s32 s8, s1;
	s29 =	simm.s32 $0x0;
	s30 =	simm.s32 $0x5800  }
0x100: {  	[tilespmem:s30], [sflag:$0x4] =	stream.linear.gather [hbm4b:s31+s29], $0x800, $0x38;
	[tilespmem:$0x13000] =	vst v63  }
0x101: {  	s1 =	sadd.s32 s10, s1;
	s31 =	simm.s32 $0x7800  }
0x102: {  	[tilespmem:s31], [sflag:$0x4] =	stream.linear.gather [hbm4b:s1+s29], $0x800, $0x38;
	[tilespmem:$0x13000] =	vst v63  }
0x103: {  	_ =	swait.ge [sflag:s23], $0x800  }
0x104: {  	[sflag:s23] =	ssyncset.done $0x0  }
0x105: {  	[sflag:s23] =	ssyncadd.s32 $0xFFFFF800  }
0x106: {  	_ =	swait.ge [sflag:s23], $0x800  }
0x107: {  	[sflag:s23] =	ssyncset.done $0x0  }
0x108: {  	[sflag:s23] =	ssyncadd.s32 $0xFFFFF800  }
0x109: {  	_ =	swait.ge [sflag:s23], $0x800  }
0x10a: {  	[sflag:s23] =	ssyncset.done $0x0  }
0x10b: {  	[sflag:s23] =	ssyncadd.s32 $0xFFFFF800  }
0x10c: {  	_ =	swait.ge [sflag:s23], $0x800  }
0x10d: {  	[sflag:s23] =	ssyncset.done $0x0  }
0x10e: {  	[sflag:s23] =	ssyncadd.s32 $0xFFFFF800  }
0x10f: {  	_ =	swait.ge [sflag:s23], $0x800  }
0x110: {  	[sflag:s23] =	ssyncset.done $0x0  }
0x111: {  	s29 =	simm.s32 $0x0;
	[sflag:s23] =	ssyncadd.s32 $0xFFFFF800  }
0x112: {  	v0 =	vld [tilespmem:s29+$0x8870]  }
0x113: {  	v1 =	vld [tilespmem:s29+$0x6870]  }
0x114: {  	v2 =	vld [tilespmem:s29+$0x8800]  }
0x115: {  	v3 =	vld [tilespmem:s29+$0x2800]  }
0x116: {  	v4 =	vld [tilespmem:s29+$0x4800]  }
0x117: {  	v5 =	vld [tilespmem:s29+$0x6800];
	_ =	sdelay $0x1  }
0x118: {  	v6 =	vld [tilespmem:s29+$0x8810]  }
0x119: {  	v7 =	vld [tilespmem:s29+$0x2810]  }
0x11a: {  	v8 =	vld [tilespmem:s29+$0x4810];
	v1 =	vmul.f32 v1, v0;
	v3 =	vmul.f32 v3, v2  }
0x11b: {  	v4 =	vmul.f32 v4, v2;
	v2 =	vmul.f32 v5, v2;
	v5 =	vld [tilespmem:s29+$0x4820]  }
0x11c: {  	[tilespmem:s29+$0xE870] =	vst v1;
	v1 =	vld [tilespmem:s29+$0x6810]  }
0x11d: {  	[tilespmem:s29+$0xA800] =	vst v3;
	v3 =	vld [tilespmem:s29+$0x8820]  }
0x11e: {  	[tilespmem:s29+$0xC800] =	vst v4;
	v4 =	vld [tilespmem:s29+$0x2820]  }
0x11f: {  	[tilespmem:s29+$0xE800] =	vst v2;
	v2 =	vmul.f32 v7, v6  }
0x120: {  	v7 =	vld [tilespmem:s29+$0x6820]  }
0x121: {  	[tilespmem:s29+$0xA810] =	vst v2;
	v2 =	vld [tilespmem:s29+$0x8830];
	v1 =	vmul.f32 v1, v6  }
0x122: {  	v8 =	vmul.f32 v8, v6;
	v6 =	vld [tilespmem:s29+$0x2830]  }
0x123: {  	v5 =	vmul.f32 v5, v3;
	[tilespmem:s29+$0xE810] =	vst v1;
	v1 =	vmul.f32 v4, v3;
	v4 =	vld [tilespmem:s29+$0x4830]  }
0x124: {  	[tilespmem:s29+$0xC810] =	vst v8;
	v8 =	vld [tilespmem:s29+$0x6830]  }
0x125: {  	[tilespmem:s29+$0xC820] =	vst v5;
	v5 =	vld [tilespmem:s29+$0x2840]  }
0x126: {  	v3 =	vmul.f32 v7, v3;
	v7 =	vld [tilespmem:s29+$0x6840]  }
0x127: {  	[tilespmem:s29+$0xA820] =	vst v1;
	v1 =	vld [tilespmem:s29+$0x8840]  }
0x128: {  	[tilespmem:s29+$0xE820] =	vst v3;
	v3 =	vmul.f32 v6, v2;
	v6 =	vld [tilespmem:s29+$0x4840];
	v4 =	vmul.f32 v4, v2  }
0x129: {  	v63 =	vld [tilespmem:s29+$0x8850]  }
0x12a: {  	v2 =	vmul.f32 v8, v2;
	[tilespmem:s29+$0xC830] =	vst v4;
	v4 =	vld [tilespmem:s29+$0x4850]  }
0x12b: {  	[tilespmem:s29+$0xA830] =	vst v3;
	v3 =	vld [tilespmem:s29+$0x2850]  }
0x12c: {  	[tilespmem:s29+$0xE830] =	vst v2;
	v2 =	vmul.f32 v5, v1;
	v5 =	vld [tilespmem:s29+$0x6850]  }
0x12d: {  	v6 =	vmul.f32 v6, v1;
	v1 =	vmul.f32 v7, v1;
	v7 =	vld [tilespmem:s29+$0x2860]  }
0x12e: {  	[tilespmem:s29+$0xA840] =	vst v2;
	v2 =	vld [tilespmem:s29+$0x8860]  }
0x12f: {  	[tilespmem:s29+$0xC840] =	vst v6;
	v6 =	vld [tilespmem:s29+$0x4860];
	v8 =	vmul.f32 v4, v63  }
0x130: {  	[tilespmem:s29+$0xE840] =	vst v1;
	v1 =	vmul.f32 v3, v63;
	v3 =	vld [tilespmem:s29+$0x6860]  }
0x131: {  	v4 =	vld [tilespmem:s29+$0x2870];
	[tilespmem:s29+$0xC850] =	vst v8;
	v8 =	vmul.f32 v5, v63  }
0x132: {  	s30 =	simm.s32 $0x80;
	[tilespmem:s29+$0xA850] =	vst v1;
	v5 =	vld [tilespmem:s29+$0x4870]  }
0x133: {  	s26 =	simm.s32 $0x400;
	v7 =	vmul.f32 v7, v2;
	v1 =	vld [tilespmem:s30+$0x8870];
	[tilespmem:s29+$0xE850] =	vst v8  }
.LBB2_5:
0x134: {  	p0 =	sne.s32 s26, $0x1E00;
	v8 =	vld [tilespmem:s30+$0x6870];
	v6 =	vmul.f32 v6, v2  }
0x135: {  	v9 =	vld [tilespmem:s30+$0x8800];
	[tilespmem:s29+$0xA860] =	vst v7;
	v2 =	vmul.f32 v3, v2  }
0x136: {  	v3 =	vld [tilespmem:s30+$0x2800];
	[tilespmem:s29+$0xC860] =	vst v6;
	v4 =	vmul.f32 v4, v0  }
0x137: {  	v6 =	vld [tilespmem:s30+$0x4800];
	[tilespmem:s29+$0xE860] =	vst v2;
	v2 =	vmul.f32 v5, v0  }
0x138: {  	v5 =	vld [tilespmem:s30+$0x6800];
	[tilespmem:s29+$0xA870] =	vst v4;
	v0 =	vmov v1  }
0x139: {  	v1 =	vld [tilespmem:s30+$0x8810];
	v4 =	vmul.f32 v8, v0;
	[tilespmem:s29+$0xC870] =	vst v2;
	s29 =	smov.u32 s30  }
0x13a: {  	v2 =	vld [tilespmem:s29+$0x2810]  }
0x13b: {  	v3 =	vmul.f32 v3, v9;
	v7 =	vld [tilespmem:s29+$0x4810];
	[tilespmem:s29+$0xE870] =	vst v4  }
0x13c: {  	v4 =	vmul.f32 v6, v9;
	v6 =	vld [tilespmem:s29+$0x6810]  }
0x13d: {  	[tilespmem:s29+$0xA800] =	vst v3;
	v3 =	vmul.f32 v5, v9;
	v5 =	vld [tilespmem:s29+$0x8820]  }
0x13e: {  	[tilespmem:s29+$0xC800] =	vst v4;
	v4 =	vld [tilespmem:s29+$0x2820]  }
0x13f: {  	[tilespmem:s29+$0xE800] =	vst v3;
	v2 =	vmul.f32 v2, v1;
	v3 =	vld [tilespmem:s29+$0x4820]  }
0x140: {  	v7 =	vmul.f32 v7, v1;
	v8 =	vld [tilespmem:s29+$0x6820]  }
0x141: {  	[tilespmem:s29+$0xA810] =	vst v2;
	v1 =	vmul.f32 v6, v1;
	v2 =	vld [tilespmem:s29+$0x8830]  }
0x142: {  	[tilespmem:s29+$0xC810] =	vst v7;
	v6 =	vld [tilespmem:s29+$0x2830]  }
0x143: {  	[tilespmem:s29+$0xE810] =	vst v1;
	v1 =	vmul.f32 v4, v5;
	v4 =	vld [tilespmem:s29+$0x4830]  }
0x144: {  	v3 =	vmul.f32 v3, v5;
	v7 =	vld [tilespmem:s29+$0x6830]  }
0x145: {  	[tilespmem:s29+$0xA820] =	vst v1;
	v1 =	vmul.f32 v8, v5;
	v5 =	vld [tilespmem:s29+$0x8840]  }
0x146: {  	[tilespmem:s29+$0xC820] =	vst v3;
	v3 =	vld [tilespmem:s29+$0x2840]  }
0x147: {  	[tilespmem:s29+$0xE820] =	vst v1;
	v1 =	vmul.f32 v6, v2;
	v6 =	vld [tilespmem:s29+$0x4840]  }
0x148: {  	v4 =	vmul.f32 v4, v2;
	v8 =	vld [tilespmem:s29+$0x6840]  }
0x149: {  	[tilespmem:s29+$0xA830] =	vst v1;
	v1 =	vmul.f32 v7, v2;
	v7 =	vld [tilespmem:s29+$0x8850]  }
0x14a: {  	[tilespmem:s29+$0xC830] =	vst v4;
	v4 =	vld [tilespmem:s29+$0x2850]  }
0x14b: {  	[tilespmem:s29+$0xE830] =	vst v1;
	v1 =	vmul.f32 v3, v5;
	v3 =	vld [tilespmem:s29+$0x4850]  }
0x14c: {  	v6 =	vmul.f32 v6, v5;
	v9 =	vld [tilespmem:s29+$0x6850]  }
0x14d: {  	[tilespmem:s29+$0xA840] =	vst v1;
	v1 =	vmul.f32 v8, v5;
	v2 =	vld [tilespmem:s29+$0x8860]  }
0x14e: {  	[tilespmem:s29+$0xC840] =	vst v6;
	v8 =	vld [tilespmem:s29+$0x2860]  }
.Ltmp1:
0x14f: {  	[tilespmem:s29+$0xE840] =	vst v1;
	v1 =	vmul.f32 v4, v7;
	v6 =	vld [tilespmem:s29+$0x4860];
	(pc) =	sbr.rel @p0 .LBB2_5-.Ltmp1, $4  }
0x150: {  	v5 =	vmul.f32 v3, v7;
	v3 =	vld [tilespmem:s29+$0x6860]  }
0x151: {  	[tilespmem:s29+$0xA850] =	vst v1;
	v7 =	vmul.f32 v9, v7;
	v4 =	vld [tilespmem:s29+$0x2870]  }
0x152: {  	s30 =	sshra.s32 s26, $0x2;
	[tilespmem:s29+$0xC850] =	vst v5;
	v5 =	vld [tilespmem:s29+$0x4870]  }
0x153: {  	s26 =	sadd.s32 $0x200, s26;
	v1 =	vld [tilespmem:s30+$0x8870];
	[tilespmem:s29+$0xE850] =	vst v7;
	v7 =	vmul.f32 v8, v2  }
0x154: {  	v8 =	vld [tilespmem:s30+$0x6870];
	v6 =	vmul.f32 v6, v2  }
0x155: {  	v9 =	vld [tilespmem:s30+$0x8800];
	[tilespmem:s29+$0xA860] =	vst v7;
	v2 =	vmul.f32 v3, v2  }
0x156: {  	v7 =	vld [tilespmem:s30+$0x2800];
	[tilespmem:s29+$0xC860] =	vst v6;
	v4 =	vmul.f32 v4, v0  }
0x157: {  	v3 =	vld [tilespmem:s30+$0x4800];
	[tilespmem:s29+$0xE860] =	vst v2;
	v0 =	vmul.f32 v5, v0  }
0x158: {  	v2 =	vld [tilespmem:s30+$0x6800];
	[tilespmem:s29+$0xA870] =	vst v4  }
0x159: {  	v4 =	vld [tilespmem:s30+$0x8810];
	[tilespmem:s29+$0xC870] =	vst v0  }
0x15a: {  	v0 =	vmul.f32 v8, v1;
	v5 =	vld [tilespmem:s30+$0x2810]  }
0x15b: {  	v6 =	vld [tilespmem:s30+$0x4810];
	v7 =	vmul.f32 v7, v9  }
0x15c: {  	[tilespmem:s30+$0xE870] =	vst v0;
	v0 =	vld [tilespmem:s30+$0x6810];
	v3 =	vmul.f32 v3, v9  }
0x15d: {  	[tilespmem:s30+$0xA800] =	vst v7;
	v7 =	vld [tilespmem:s30+$0x8820];
	v2 =	vmul.f32 v2, v9  }
0x15e: {  	[tilespmem:s30+$0xC800] =	vst v3;
	v3 =	vld [tilespmem:s30+$0x2820]  }
0x15f: {  	[tilespmem:s30+$0xE800] =	vst v2;
	v2 =	vmul.f32 v5, v4;
	v5 =	vld [tilespmem:s30+$0x4820]  }
0x160: {  	v8 =	vld [tilespmem:s30+$0x6820]  }
0x161: {  	v6 =	vmul.f32 v6, v4;
	v0 =	vmul.f32 v0, v4;
	v4 =	vld [tilespmem:s30+$0x2830]  }
0x162: {  	[tilespmem:s30+$0xA810] =	vst v2;
	v2 =	vld [tilespmem:s30+$0x8830]  }
0x163: {  	[tilespmem:s30+$0xE810] =	vst v0;
	v0 =	vmul.f32 v3, v7;
	v3 =	vld [tilespmem:s30+$0x4830]  }
0x164: {  	[tilespmem:s30+$0xC810] =	vst v6;
	v6 =	vld [tilespmem:s30+$0x6830];
	v5 =	vmul.f32 v5, v7  }
0x165: {  	v7 =	vmul.f32 v8, v7;
	[tilespmem:s30+$0xA820] =	vst v0;
	v0 =	vld [tilespmem:s30+$0x8840]  }
0x166: {  	[tilespmem:s30+$0xC820] =	vst v5;
	v5 =	vld [tilespmem:s30+$0x2840]  }
0x167: {  	[tilespmem:s30+$0xE820] =	vst v7;
	v4 =	vmul.f32 v4, v2;
	v7 =	vld [tilespmem:s30+$0x4840]  }
0x168: {  	v8 =	vld [tilespmem:s30+$0x6840];
	v3 =	vmul.f32 v3, v2  }
0x169: {  	[tilespmem:s30+$0xA830] =	vst v4;
	v4 =	vld [tilespmem:s30+$0x8850];
	v2 =	vmul.f32 v6, v2  }
0x16a: {  	[tilespmem:s30+$0xC830] =	vst v3;
	v3 =	vld [tilespmem:s30+$0x2850]  }
0x16b: {  	[tilespmem:s30+$0xE830] =	vst v2;
	v2 =	vmul.f32 v5, v0;
	v5 =	vld [tilespmem:s30+$0x4850]  }
0x16c: {  	v6 =	vld [tilespmem:s30+$0x6850];
	v7 =	vmul.f32 v7, v0  }
0x16d: {  	v0 =	vmul.f32 v8, v0;
	[tilespmem:s30+$0xA840] =	vst v2;
	v2 =	vld [tilespmem:s30+$0x8860]  }
0x16e: {  	[tilespmem:s30+$0xC840] =	vst v7;
	v7 =	vld [tilespmem:s30+$0x2860]  }
0x16f: {  	[tilespmem:s30+$0xE840] =	vst v0;
	v0 =	vmul.f32 v3, v4;
	v3 =	vld [tilespmem:s30+$0x4860]  }
0x170: {  	v8 =	vld [tilespmem:s30+$0x6860];
	v5 =	vmul.f32 v5, v4  }
0x171: {  	[tilespmem:s30+$0xA850] =	vst v0;
	v0 =	vld [tilespmem:s30+$0x2870]  }
0x172: {  	v4 =	vmul.f32 v6, v4;
	[tilespmem:s30+$0xC850] =	vst v5;
	v5 =	vld [tilespmem:s30+$0x4870]  }
0x173: {  	v6 =	vmul.f32 v7, v2  }
0x174: {  	[tilespmem:s30+$0xE850] =	vst v4;
	v3 =	vmul.f32 v3, v2  }
0x175: {  	[tilespmem:s30+$0xA860] =	vst v6;
	v2 =	vmul.f32 v8, v2  }
0x176: {  	[tilespmem:s30+$0xC860] =	vst v3;
	v0 =	vmul.f32 v0, v1  }
0x177: {  	[tilespmem:s30+$0xE860] =	vst v2;
	v1 =	vmul.f32 v5, v1  }
0x178: {  	[tilespmem:s30+$0xA870] =	vst v0  }
0x179: {  	s1 =	simm.s32 $0xA800;
	[tilespmem:s30+$0xC870] =	vst v1  }
0x17a: {  	[spmem:s3] =	stream.indirect.scatter.add.f32 [tilespmem:s1], [sflag:$0x6], $0x1, s24, s24, $0xb8;
	[tilespmem:$0x13000] =	vst v63  }
0x17b: {  	s26 =	simm.s32 $0xC800  }
0x17c: {  	[spmem:s4] =	stream.indirect.scatter.add.f32 [tilespmem:s26], [sflag:$0x6], $0x1, s24, s24, $0xb8;
	[tilespmem:$0x13000] =	vst v63  }
0x17d: {  	s26 =	simm.s32 $0xE800  }
0x17e: {  	[spmem:s5] =	stream.indirect.scatter.add.f32 [tilespmem:s26], [sflag:$0x6], $0x1, s24, s24, $0xb8;
	[tilespmem:$0x13000] =	vst v63  }
0x17f: {  	_ =	swait.ge [sflag:s9], $0x800  }
0x180: {  	[sflag:s9] =	ssyncset.done $0x0  }
0x181: {  	[sflag:s9] =	ssyncadd.s32 $0xFFFFF800  }
0x182: {  	_ =	swait.ge [sflag:s9], $0x800  }
0x183: {  	[sflag:s9] =	ssyncset.done $0x0  }
0x184: {  	[sflag:s9] =	ssyncadd.s32 $0xFFFFF800  }
0x185: {  	p0 =	sgt.u32 s14, $0xE;
	_ =	swait.ge [sflag:s9], $0x800  }
0x186: {  	s29 =	sshll.u32 @!p0 s14, $0xD;
	s1 =	rddreg [dreg:$0x19]  }
0x187: {  	s1 =	sadd.s32 @!p0 s29, s1  }
0x188: {  	[sflag:s9] =	ssyncset.done $0x0;
	s1 =	sshrl.u32 @!p0 s1, $0x3  }
0x189: {  	s30 =	simm.s32 @!p0 $0x0;
	[sflag:s9] =	ssyncadd.s32 $0xFFFFF800;
	s26 =	sadd.s32 @!p0 s0, s1  }
0x18a: {  	[tilespmem:s30], [sflag:$0x1] =	stream.linear.gather @!p0 [hbm4b:s26+s30], $0x800, $0x38;
	[tilespmem:$0x13000] =	vst v63  }
0x18b: {  	s31 =	simm.s32 @!p0 $0x8000;
	s26 =	sadd.s32 @!p0 s2, s1  }
0x18c: {  	[tilespmem:s31], [sflag:$0x1] =	stream.linear.gather @!p0 [hbm4b:s26+s30], $0x800, $0x38;
	[tilespmem:$0x13000] =	vst v63  }
0x18d: {  	s26 =	sadd.s32 @!p0 s7, s1;
	s31 =	simm.s32 @!p0 $0x2000  }
0x18e: {  	[tilespmem:s31], [sflag:$0x1] =	stream.linear.gather @!p0 [hbm4b:s26+s30], $0x800, $0x38;
	[tilespmem:$0x13000] =	vst v63  }
0x18f: {  	s26 =	sadd.s32 @!p0 s8, s1;
	s31 =	simm.s32 @!p0 $0x4000  }
0x190: {  	[tilespmem:s31], [sflag:$0x1] =	stream.linear.gather @!p0 [hbm4b:s26+s30], $0x800, $0x38;
	[tilespmem:$0x13000] =	vst v63  }
0x191: {  	s1 =	sadd.s32 @!p0 s10, s1;
	s26 =	simm.s32 @!p0 $0x6000  }
0x192: {  	[tilespmem:s26], [sflag:$0x1] =	stream.linear.gather @!p0 [hbm4b:s1+s30], $0x800, $0x38;
	[tilespmem:$0x13000] =	vst v63  }
0x193: {  	_ =	swait.ge [sflag:s11], $0x800  }
0x194: {  	[sflag:s11] =	ssyncset.done $0x0  }
0x195: {  	[sflag:s11] =	ssyncadd.s32 $0xFFFFF800  }
0x196: {  	_ =	swait.ge [sflag:s11], $0x800  }
0x197: {  	[sflag:s11] =	ssyncset.done $0x0  }
0x198: {  	[sflag:s11] =	ssyncadd.s32 $0xFFFFF800  }
0x199: {  	_ =	swait.ge [sflag:s11], $0x800  }
0x19a: {  	[sflag:s11] =	ssyncset.done $0x0  }
0x19b: {  	[sflag:s11] =	ssyncadd.s32 $0xFFFFF800  }
0x19c: {  	_ =	swait.ge [sflag:s11], $0x800  }
0x19d: {  	[sflag:s11] =	ssyncset.done $0x0  }
0x19e: {  	[sflag:s11] =	ssyncadd.s32 $0xFFFFF800  }
0x19f: {  	_ =	swait.ge [sflag:s11], $0x800  }
0x1a0: {  	[sflag:s11] =	ssyncset.done $0x0  }
0x1a1: {  	s30 =	simm.s32 $0x0;
	[sflag:s11] =	ssyncadd.s32 $0xFFFFF800  }
0x1a2: {  	v0 =	vld [tilespmem:s30+$0x9070]  }
0x1a3: {  	v1 =	vld [tilespmem:s30+$0x7070]  }
0x1a4: {  	v2 =	vld [tilespmem:s30+$0x9000]  }
0x1a5: {  	v3 =	vld [tilespmem:s30+$0x3000]  }
0x1a6: {  	v4 =	vld [tilespmem:s30+$0x5000]  }
0x1a7: {  	v5 =	vld [tilespmem:s30+$0x7000];
	_ =	sdelay $0x1  }
0x1a8: {  	v6 =	vld [tilespmem:s30+$0x9010]  }
0x1a9: {  	v7 =	vld [tilespmem:s30+$0x3010]  }
0x1aa: {  	v8 =	vld [tilespmem:s30+$0x5010];
	v1 =	vmul.f32 v1, v0;
	v3 =	vmul.f32 v3, v2  }
0x1ab: {  	v4 =	vmul.f32 v4, v2;
	v2 =	vmul.f32 v5, v2;
	v5 =	vld [tilespmem:s30+$0x5020]  }
0x1ac: {  	[tilespmem:s30+$0xF070] =	vst v1;
	v1 =	vld [tilespmem:s30+$0x7010]  }
0x1ad: {  	[tilespmem:s30+$0xB000] =	vst v3;
	v3 =	vld [tilespmem:s30+$0x9020]  }
0x1ae: {  	[tilespmem:s30+$0xD000] =	vst v4;
	v4 =	vld [tilespmem:s30+$0x3020]  }
0x1af: {  	[tilespmem:s30+$0xF000] =	vst v2;
	v2 =	vmul.f32 v7, v6  }
0x1b0: {  	v7 =	vld [tilespmem:s30+$0x7020]  }
0x1b1: {  	[tilespmem:s30+$0xB010] =	vst v2;
	v2 =	vld [tilespmem:s30+$0x9030];
	v1 =	vmul.f32 v1, v6  }
0x1b2: {  	v8 =	vmul.f32 v8, v6;
	v6 =	vld [tilespmem:s30+$0x3030]  }
0x1b3: {  	v5 =	vmul.f32 v5, v3;
	[tilespmem:s30+$0xF010] =	vst v1;
	v1 =	vmul.f32 v4, v3;
	v4 =	vld [tilespmem:s30+$0x5030]  }
0x1b4: {  	[tilespmem:s30+$0xD010] =	vst v8;
	v8 =	vld [tilespmem:s30+$0x7030]  }
0x1b5: {  	[tilespmem:s30+$0xD020] =	vst v5;
	v5 =	vld [tilespmem:s30+$0x3040]  }
0x1b6: {  	v3 =	vmul.f32 v7, v3;
	v7 =	vld [tilespmem:s30+$0x7040]  }
0x1b7: {  	[tilespmem:s30+$0xB020] =	vst v1;
	v1 =	vld [tilespmem:s30+$0x9040]  }
0x1b8: {  	[tilespmem:s30+$0xF020] =	vst v3;
	v3 =	vmul.f32 v6, v2;
	v6 =	vld [tilespmem:s30+$0x5040];
	v4 =	vmul.f32 v4, v2  }
0x1b9: {  	v63 =	vld [tilespmem:s30+$0x9050]  }
0x1ba: {  	v2 =	vmul.f32 v8, v2;
	[tilespmem:s30+$0xD030] =	vst v4;
	v4 =	vld [tilespmem:s30+$0x5050]  }
0x1bb: {  	[tilespmem:s30+$0xB030] =	vst v3;
	v3 =	vld [tilespmem:s30+$0x3050]  }
0x1bc: {  	[tilespmem:s30+$0xF030] =	vst v2;
	v2 =	vmul.f32 v5, v1;
	v5 =	vld [tilespmem:s30+$0x7050]  }
0x1bd: {  	v6 =	vmul.f32 v6, v1;
	v1 =	vmul.f32 v7, v1;
	v7 =	vld [tilespmem:s30+$0x3060]  }
0x1be: {  	[tilespmem:s30+$0xB040] =	vst v2;
	v2 =	vld [tilespmem:s30+$0x9060]  }
0x1bf: {  	[tilespmem:s30+$0xD040] =	vst v6;
	v6 =	vld [tilespmem:s30+$0x5060];
	v8 =	vmul.f32 v4, v63  }
0x1c0: {  	[tilespmem:s30+$0xF040] =	vst v1;
	v1 =	vmul.f32 v3, v63;
	v3 =	vld [tilespmem:s30+$0x7060]  }
0x1c1: {  	v4 =	vld [tilespmem:s30+$0x3070];
	[tilespmem:s30+$0xD050] =	vst v8;
	v8 =	vmul.f32 v5, v63  }
0x1c2: {  	s31 =	simm.s32 $0x80;
	[tilespmem:s30+$0xB050] =	vst v1;
	v5 =	vld [tilespmem:s30+$0x5070]  }
0x1c3: {  	s26 =	simm.s32 $0x400;
	v7 =	vmul.f32 v7, v2;
	v1 =	vld [tilespmem:s31+$0x9070];
	[tilespmem:s30+$0xF050] =	vst v8  }
.LBB2_7:
0x1c4: {  	p1 =	sne.s32 s26, $0x1E00;
	v8 =	vld [tilespmem:s31+$0x7070];
	v6 =	vmul.f32 v6, v2  }
0x1c5: {  	v9 =	vld [tilespmem:s31+$0x9000];
	[tilespmem:s30+$0xB060] =	vst v7;
	v2 =	vmul.f32 v3, v2  }
0x1c6: {  	v3 =	vld [tilespmem:s31+$0x3000];
	[tilespmem:s30+$0xD060] =	vst v6;
	v4 =	vmul.f32 v4, v0  }
0x1c7: {  	v6 =	vld [tilespmem:s31+$0x5000];
	[tilespmem:s30+$0xF060] =	vst v2;
	v2 =	vmul.f32 v5, v0  }
0x1c8: {  	v5 =	vld [tilespmem:s31+$0x7000];
	[tilespmem:s30+$0xB070] =	vst v4;
	v0 =	vmov v1  }
0x1c9: {  	v1 =	vld [tilespmem:s31+$0x9010];
	v4 =	vmul.f32 v8, v0;
	[tilespmem:s30+$0xD070] =	vst v2;
	s30 =	smov.u32 s31  }
0x1ca: {  	v2 =	vld [tilespmem:s30+$0x3010]  }
0x1cb: {  	v3 =	vmul.f32 v3, v9;
	v7 =	vld [tilespmem:s30+$0x5010];
	[tilespmem:s30+$0xF070] =	vst v4  }
0x1cc: {  	v4 =	vmul.f32 v6, v9;
	v6 =	vld [tilespmem:s30+$0x7010]  }
0x1cd: {  	[tilespmem:s30+$0xB000] =	vst v3;
	v3 =	vmul.f32 v5, v9;
	v5 =	vld [tilespmem:s30+$0x9020]  }
0x1ce: {  	[tilespmem:s30+$0xD000] =	vst v4;
	v4 =	vld [tilespmem:s30+$0x3020]  }
0x1cf: {  	[tilespmem:s30+$0xF000] =	vst v3;
	v2 =	vmul.f32 v2, v1;
	v3 =	vld [tilespmem:s30+$0x5020]  }
0x1d0: {  	v7 =	vmul.f32 v7, v1;
	v8 =	vld [tilespmem:s30+$0x7020]  }
0x1d1: {  	[tilespmem:s30+$0xB010] =	vst v2;
	v1 =	vmul.f32 v6, v1;
	v2 =	vld [tilespmem:s30+$0x9030]  }
0x1d2: {  	[tilespmem:s30+$0xD010] =	vst v7;
	v6 =	vld [tilespmem:s30+$0x3030]  }
0x1d3: {  	[tilespmem:s30+$0xF010] =	vst v1;
	v1 =	vmul.f32 v4, v5;
	v4 =	vld [tilespmem:s30+$0x5030]  }
0x1d4: {  	v3 =	vmul.f32 v3, v5;
	v7 =	vld [tilespmem:s30+$0x7030]  }
0x1d5: {  	[tilespmem:s30+$0xB020] =	vst v1;
	v1 =	vmul.f32 v8, v5;
	v5 =	vld [tilespmem:s30+$0x9040]  }
0x1d6: {  	[tilespmem:s30+$0xD020] =	vst v3;
	v3 =	vld [tilespmem:s30+$0x3040]  }
0x1d7: {  	[tilespmem:s30+$0xF020] =	vst v1;
	v1 =	vmul.f32 v6, v2;
	v6 =	vld [tilespmem:s30+$0x5040]  }
0x1d8: {  	v4 =	vmul.f32 v4, v2;
	v8 =	vld [tilespmem:s30+$0x7040]  }
0x1d9: {  	[tilespmem:s30+$0xB030] =	vst v1;
	v1 =	vmul.f32 v7, v2;
	v7 =	vld [tilespmem:s30+$0x9050]  }
0x1da: {  	[tilespmem:s30+$0xD030] =	vst v4;
	v4 =	vld [tilespmem:s30+$0x3050]  }
0x1db: {  	[tilespmem:s30+$0xF030] =	vst v1;
	v1 =	vmul.f32 v3, v5;
	v3 =	vld [tilespmem:s30+$0x5050]  }
0x1dc: {  	v6 =	vmul.f32 v6, v5;
	v9 =	vld [tilespmem:s30+$0x7050]  }
0x1dd: {  	[tilespmem:s30+$0xB040] =	vst v1;
	v1 =	vmul.f32 v8, v5;
	v2 =	vld [tilespmem:s30+$0x9060]  }
0x1de: {  	[tilespmem:s30+$0xD040] =	vst v6;
	v8 =	vld [tilespmem:s30+$0x3060]  }
.Ltmp2:
0x1df: {  	[tilespmem:s30+$0xF040] =	vst v1;
	v1 =	vmul.f32 v4, v7;
	v6 =	vld [tilespmem:s30+$0x5060];
	(pc) =	sbr.rel @p1 .LBB2_7-.Ltmp2, $4  }
0x1e0: {  	v5 =	vmul.f32 v3, v7;
	v3 =	vld [tilespmem:s30+$0x7060]  }
0x1e1: {  	[tilespmem:s30+$0xB050] =	vst v1;
	v7 =	vmul.f32 v9, v7;
	v4 =	vld [tilespmem:s30+$0x3070]  }
0x1e2: {  	s31 =	sshra.s32 s26, $0x2;
	[tilespmem:s30+$0xD050] =	vst v5;
	v5 =	vld [tilespmem:s30+$0x5070]  }
0x1e3: {  	s26 =	sadd.s32 $0x200, s26;
	v1 =	vld [tilespmem:s31+$0x9070];
	[tilespmem:s30+$0xF050] =	vst v7;
	v7 =	vmul.f32 v8, v2  }
0x1e4: {  	v8 =	vld [tilespmem:s31+$0x7070];
	v6 =	vmul.f32 v6, v2  }
0x1e5: {  	v9 =	vld [tilespmem:s31+$0x9000];
	[tilespmem:s30+$0xB060] =	vst v7;
	v2 =	vmul.f32 v3, v2  }
0x1e6: {  	v7 =	vld [tilespmem:s31+$0x3000];
	[tilespmem:s30+$0xD060] =	vst v6;
	v4 =	vmul.f32 v4, v0  }
0x1e7: {  	v3 =	vld [tilespmem:s31+$0x5000];
	[tilespmem:s30+$0xF060] =	vst v2;
	v0 =	vmul.f32 v5, v0  }
0x1e8: {  	v2 =	vld [tilespmem:s31+$0x7000];
	[tilespmem:s30+$0xB070] =	vst v4  }
0x1e9: {  	v4 =	vld [tilespmem:s31+$0x9010];
	[tilespmem:s30+$0xD070] =	vst v0  }
0x1ea: {  	v0 =	vmul.f32 v8, v1;
	v5 =	vld [tilespmem:s31+$0x3010]  }
0x1eb: {  	v6 =	vld [tilespmem:s31+$0x5010];
	v7 =	vmul.f32 v7, v9  }
0x1ec: {  	[tilespmem:s31+$0xF070] =	vst v0;
	v0 =	vld [tilespmem:s31+$0x7010];
	v3 =	vmul.f32 v3, v9  }
0x1ed: {  	[tilespmem:s31+$0xB000] =	vst v7;
	v7 =	vld [tilespmem:s31+$0x9020];
	v2 =	vmul.f32 v2, v9  }
0x1ee: {  	[tilespmem:s31+$0xD000] =	vst v3;
	v3 =	vld [tilespmem:s31+$0x3020]  }
0x1ef: {  	[tilespmem:s31+$0xF000] =	vst v2;
	v2 =	vmul.f32 v5, v4;
	v5 =	vld [tilespmem:s31+$0x5020]  }
0x1f0: {  	v8 =	vld [tilespmem:s31+$0x7020]  }
0x1f1: {  	v6 =	vmul.f32 v6, v4;
	v0 =	vmul.f32 v0, v4;
	v4 =	vld [tilespmem:s31+$0x3030]  }
0x1f2: {  	[tilespmem:s31+$0xB010] =	vst v2;
	v2 =	vld [tilespmem:s31+$0x9030]  }
0x1f3: {  	[tilespmem:s31+$0xF010] =	vst v0;
	v0 =	vmul.f32 v3, v7;
	v3 =	vld [tilespmem:s31+$0x5030]  }
0x1f4: {  	[tilespmem:s31+$0xD010] =	vst v6;
	v6 =	vld [tilespmem:s31+$0x7030];
	v5 =	vmul.f32 v5, v7  }
0x1f5: {  	v7 =	vmul.f32 v8, v7;
	[tilespmem:s31+$0xB020] =	vst v0;
	v0 =	vld [tilespmem:s31+$0x9040]  }
0x1f6: {  	[tilespmem:s31+$0xD020] =	vst v5;
	v5 =	vld [tilespmem:s31+$0x3040]  }
0x1f7: {  	[tilespmem:s31+$0xF020] =	vst v7;
	v4 =	vmul.f32 v4, v2;
	v7 =	vld [tilespmem:s31+$0x5040]  }
0x1f8: {  	v8 =	vld [tilespmem:s31+$0x7040];
	v3 =	vmul.f32 v3, v2  }
0x1f9: {  	[tilespmem:s31+$0xB030] =	vst v4;
	v4 =	vld [tilespmem:s31+$0x9050];
	v2 =	vmul.f32 v6, v2  }
0x1fa: {  	[tilespmem:s31+$0xD030] =	vst v3;
	v3 =	vld [tilespmem:s31+$0x3050]  }
0x1fb: {  	[tilespmem:s31+$0xF030] =	vst v2;
	v2 =	vmul.f32 v5, v0;
	v5 =	vld [tilespmem:s31+$0x5050]  }
0x1fc: {  	v6 =	vld [tilespmem:s31+$0x7050];
	v7 =	vmul.f32 v7, v0  }
0x1fd: {  	v0 =	vmul.f32 v8, v0;
	[tilespmem:s31+$0xB040] =	vst v2;
	v2 =	vld [tilespmem:s31+$0x9060]  }
0x1fe: {  	[tilespmem:s31+$0xD040] =	vst v7;
	v7 =	vld [tilespmem:s31+$0x3060]  }
0x1ff: {  	[tilespmem:s31+$0xF040] =	vst v0;
	v0 =	vmul.f32 v3, v4;
	v3 =	vld [tilespmem:s31+$0x5060]  }
0x200: {  	v8 =	vld [tilespmem:s31+$0x7060];
	v5 =	vmul.f32 v5, v4  }
0x201: {  	[tilespmem:s31+$0xB050] =	vst v0;
	v0 =	vld [tilespmem:s31+$0x3070]  }
0x202: {  	v4 =	vmul.f32 v6, v4;
	[tilespmem:s31+$0xD050] =	vst v5;
	v5 =	vld [tilespmem:s31+$0x5070]  }
0x203: {  	v6 =	vmul.f32 v7, v2  }
0x204: {  	[tilespmem:s31+$0xF050] =	vst v4;
	v3 =	vmul.f32 v3, v2  }
0x205: {  	[tilespmem:s31+$0xB060] =	vst v6;
	v2 =	vmul.f32 v8, v2  }
0x206: {  	[tilespmem:s31+$0xD060] =	vst v3;
	v0 =	vmul.f32 v0, v1  }
0x207: {  	[tilespmem:s31+$0xF060] =	vst v2;
	v1 =	vmul.f32 v5, v1  }
0x208: {  	[tilespmem:s31+$0xB070] =	vst v0  }
0x209: {  	s1 =	simm.s32 $0xB000;
	[tilespmem:s31+$0xD070] =	vst v1  }
0x20a: {  	[spmem:s3] =	stream.indirect.scatter.add.f32 [tilespmem:s1], [sflag:$0x7], $0x1, s12, s24, $0xb8;
	[tilespmem:$0x13000] =	vst v63  }
0x20b: {  	s26 =	simm.s32 $0xD000  }
0x20c: {  	[spmem:s4] =	stream.indirect.scatter.add.f32 [tilespmem:s26], [sflag:$0x7], $0x1, s12, s24, $0xb8;
	[tilespmem:$0x13000] =	vst v63  }
0x20d: {  	s31 =	simm.s32 $0xF000  }
0x20e: {  	[spmem:s5] =	stream.indirect.scatter.add.f32 [tilespmem:s31], [sflag:$0x7], $0x1, s12, s24, $0xb8;
	[tilespmem:$0x13000] =	vst v63  }
0x20f: {  	_ =	swait.ge [sflag:s16], $0x800  }
0x210: {  	[sflag:s16] =	ssyncset.done $0x0  }
0x211: {  	[sflag:s16] =	ssyncadd.s32 $0xFFFFF800  }
0x212: {  	_ =	swait.ge [sflag:s16], $0x800  }
0x213: {  	[sflag:s16] =	ssyncset.done $0x0  }
0x214: {  	[sflag:s16] =	ssyncadd.s32 $0xFFFFF800  }
0x215: {  	_ =	swait.ge [sflag:s16], $0x800  }
0x216: {  	s1 =	rddreg [dreg:$0x1a]  }
0x217: {  	s1 =	sadd.s32 @!p0 s29, s1  }
0x218: {  	s30 =	simm.s32 @!p0 $0x800;
	[sflag:s16] =	ssyncset.done $0x0;
	s1 =	sshrl.u32 @!p0 s1, $0x3  }
0x219: {  	[sflag:s16] =	ssyncadd.s32 $0xFFFFF800;
	s29 =	simm.s32 @!p0 $0x0;
	s26 =	sadd.s32 @!p0 s0, s1  }
0x21a: {  	[tilespmem:s30], [sflag:$0x2] =	stream.linear.gather @!p0 [hbm4b:s26+s29], $0x800, $0x38;
	[tilespmem:$0x13000] =	vst v63  }
0x21b: {  	s26 =	sadd.s32 @!p0 s2, s1;
	s30 =	simm.s32 @!p0 $0x8800  }
0x21c: {  	[tilespmem:s30], [sflag:$0x2] =	stream.linear.gather @!p0 [hbm4b:s26+s29], $0x800, $0x38;
	[tilespmem:$0x13000] =	vst v63  }
0x21d: {  	s26 =	sadd.s32 @!p0 s7, s1;
	s30 =	simm.s32 @!p0 $0x2800  }
0x21e: {  	[tilespmem:s30], [sflag:$0x2] =	stream.linear.gather @!p0 [hbm4b:s26+s29], $0x800, $0x38;
	[tilespmem:$0x13000] =	vst v63  }
0x21f: {  	s26 =	sadd.s32 @!p0 s8, s1;
	s30 =	simm.s32 @!p0 $0x4800  }
0x220: {  	[tilespmem:s30], [sflag:$0x2] =	stream.linear.gather @!p0 [hbm4b:s26+s29], $0x800, $0x38;
	[tilespmem:$0x13000] =	vst v63  }
0x221: {  	s1 =	sadd.s32 @!p0 s10, s1;
	s26 =	simm.s32 @!p0 $0x6800  }
0x222: {  	[tilespmem:s26], [sflag:$0x2] =	stream.linear.gather @!p0 [hbm4b:s1+s29], $0x800, $0x38;
	[tilespmem:$0x13000] =	vst v63  }
0x223: {  	_ =	swait.ge [sflag:s13], $0x800  }
0x224: {  	[sflag:s13] =	ssyncset.done $0x0  }
0x225: {  	[sflag:s13] =	ssyncadd.s32 $0xFFFFF800  }
0x226: {  	_ =	swait.ge [sflag:s13], $0x800  }
0x227: {  	[sflag:s13] =	ssyncset.done $0x0  }
0x228: {  	[sflag:s13] =	ssyncadd.s32 $0xFFFFF800  }
0x229: {  	_ =	swait.ge [sflag:s13], $0x800  }
0x22a: {  	[sflag:s13] =	ssyncset.done $0x0  }
0x22b: {  	[sflag:s13] =	ssyncadd.s32 $0xFFFFF800  }
0x22c: {  	_ =	swait.ge [sflag:s13], $0x800  }
0x22d: {  	[sflag:s13] =	ssyncset.done $0x0  }
0x22e: {  	[sflag:s13] =	ssyncadd.s32 $0xFFFFF800  }
0x22f: {  	_ =	swait.ge [sflag:s13], $0x800  }
0x230: {  	[sflag:s13] =	ssyncset.done $0x0  }
0x231: {  	s29 =	simm.s32 $0x0;
	[sflag:s13] =	ssyncadd.s32 $0xFFFFF800  }
0x232: {  	v0 =	vld [tilespmem:s29+$0x9870]  }
0x233: {  	v1 =	vld [tilespmem:s29+$0x7870]  }
0x234: {  	v2 =	vld [tilespmem:s29+$0x9800]  }
0x235: {  	v3 =	vld [tilespmem:s29+$0x3800]  }
0x236: {  	v4 =	vld [tilespmem:s29+$0x5800]  }
0x237: {  	v5 =	vld [tilespmem:s29+$0x7800];
	_ =	sdelay $0x1  }
0x238: {  	v6 =	vld [tilespmem:s29+$0x9810]  }
0x239: {  	v7 =	vld [tilespmem:s29+$0x3810]  }
0x23a: {  	v8 =	vld [tilespmem:s29+$0x5810];
	v1 =	vmul.f32 v1, v0;
	v3 =	vmul.f32 v3, v2  }
0x23b: {  	v4 =	vmul.f32 v4, v2;
	v2 =	vmul.f32 v5, v2;
	v5 =	vld [tilespmem:s29+$0x5820]  }
0x23c: {  	[tilespmem:s29+$0xF870] =	vst v1;
	v1 =	vld [tilespmem:s29+$0x7810]  }
0x23d: {  	[tilespmem:s29+$0xB800] =	vst v3;
	v3 =	vld [tilespmem:s29+$0x9820]  }
0x23e: {  	[tilespmem:s29+$0xD800] =	vst v4;
	v4 =	vld [tilespmem:s29+$0x3820]  }
0x23f: {  	[tilespmem:s29+$0xF800] =	vst v2;
	v2 =	vmul.f32 v7, v6  }
0x240: {  	v7 =	vld [tilespmem:s29+$0x7820]  }
0x241: {  	[tilespmem:s29+$0xB810] =	vst v2;
	v2 =	vld [tilespmem:s29+$0x9830];
	v1 =	vmul.f32 v1, v6  }
0x242: {  	v8 =	vmul.f32 v8, v6;
	v6 =	vld [tilespmem:s29+$0x3830]  }
0x243: {  	v5 =	vmul.f32 v5, v3;
	[tilespmem:s29+$0xF810] =	vst v1;
	v1 =	vmul.f32 v4, v3;
	v4 =	vld [tilespmem:s29+$0x5830]  }
0x244: {  	[tilespmem:s29+$0xD810] =	vst v8;
	v8 =	vld [tilespmem:s29+$0x7830]  }
0x245: {  	[tilespmem:s29+$0xD820] =	vst v5;
	v5 =	vld [tilespmem:s29+$0x3840]  }
0x246: {  	v3 =	vmul.f32 v7, v3;
	v7 =	vld [tilespmem:s29+$0x7840]  }
0x247: {  	[tilespmem:s29+$0xB820] =	vst v1;
	v1 =	vld [tilespmem:s29+$0x9840]  }
0x248: {  	[tilespmem:s29+$0xF820] =	vst v3;
	v3 =	vmul.f32 v6, v2;
	v6 =	vld [tilespmem:s29+$0x5840];
	v4 =	vmul.f32 v4, v2  }
0x249: {  	v63 =	vld [tilespmem:s29+$0x9850]  }
0x24a: {  	v2 =	vmul.f32 v8, v2;
	[tilespmem:s29+$0xD830] =	vst v4;
	v4 =	vld [tilespmem:s29+$0x5850]  }
0x24b: {  	[tilespmem:s29+$0xB830] =	vst v3;
	v3 =	vld [tilespmem:s29+$0x3850]  }
0x24c: {  	[tilespmem:s29+$0xF830] =	vst v2;
	v2 =	vmul.f32 v5, v1;
	v5 =	vld [tilespmem:s29+$0x7850]  }
0x24d: {  	v6 =	vmul.f32 v6, v1;
	v1 =	vmul.f32 v7, v1;
	v7 =	vld [tilespmem:s29+$0x3860]  }
0x24e: {  	[tilespmem:s29+$0xB840] =	vst v2;
	v2 =	vld [tilespmem:s29+$0x9860]  }
0x24f: {  	[tilespmem:s29+$0xD840] =	vst v6;
	v6 =	vld [tilespmem:s29+$0x5860];
	v8 =	vmul.f32 v4, v63  }
0x250: {  	[tilespmem:s29+$0xF840] =	vst v1;
	v1 =	vmul.f32 v3, v63;
	v3 =	vld [tilespmem:s29+$0x7860]  }
0x251: {  	v4 =	vld [tilespmem:s29+$0x3870];
	[tilespmem:s29+$0xD850] =	vst v8;
	v8 =	vmul.f32 v5, v63  }
0x252: {  	s30 =	simm.s32 $0x80;
	[tilespmem:s29+$0xB850] =	vst v1;
	v5 =	vld [tilespmem:s29+$0x5870]  }
0x253: {  	s26 =	simm.s32 $0x400;
	v7 =	vmul.f32 v7, v2;
	v1 =	vld [tilespmem:s30+$0x9870];
	[tilespmem:s29+$0xF850] =	vst v8  }
.LBB2_9:
0x254: {  	p0 =	sne.s32 s26, $0x1E00;
	v8 =	vld [tilespmem:s30+$0x7870];
	v6 =	vmul.f32 v6, v2  }
0x255: {  	v9 =	vld [tilespmem:s30+$0x9800];
	[tilespmem:s29+$0xB860] =	vst v7;
	v2 =	vmul.f32 v3, v2  }
0x256: {  	v3 =	vld [tilespmem:s30+$0x3800];
	[tilespmem:s29+$0xD860] =	vst v6;
	v4 =	vmul.f32 v4, v0  }
0x257: {  	v6 =	vld [tilespmem:s30+$0x5800];
	[tilespmem:s29+$0xF860] =	vst v2;
	v2 =	vmul.f32 v5, v0  }
0x258: {  	v5 =	vld [tilespmem:s30+$0x7800];
	[tilespmem:s29+$0xB870] =	vst v4;
	v0 =	vmov v1  }
0x259: {  	v1 =	vld [tilespmem:s30+$0x9810];
	v4 =	vmul.f32 v8, v0;
	[tilespmem:s29+$0xD870] =	vst v2;
	s29 =	smov.u32 s30  }
0x25a: {  	v2 =	vld [tilespmem:s29+$0x3810]  }
0x25b: {  	v3 =	vmul.f32 v3, v9;
	v7 =	vld [tilespmem:s29+$0x5810];
	[tilespmem:s29+$0xF870] =	vst v4  }
0x25c: {  	v4 =	vmul.f32 v6, v9;
	v6 =	vld [tilespmem:s29+$0x7810]  }
0x25d: {  	[tilespmem:s29+$0xB800] =	vst v3;
	v3 =	vmul.f32 v5, v9;
	v5 =	vld [tilespmem:s29+$0x9820]  }
0x25e: {  	[tilespmem:s29+$0xD800] =	vst v4;
	v4 =	vld [tilespmem:s29+$0x3820]  }
0x25f: {  	[tilespmem:s29+$0xF800] =	vst v3;
	v2 =	vmul.f32 v2, v1;
	v3 =	vld [tilespmem:s29+$0x5820]  }
0x260: {  	v7 =	vmul.f32 v7, v1;
	v8 =	vld [tilespmem:s29+$0x7820]  }
0x261: {  	[tilespmem:s29+$0xB810] =	vst v2;
	v1 =	vmul.f32 v6, v1;
	v2 =	vld [tilespmem:s29+$0x9830]  }
0x262: {  	[tilespmem:s29+$0xD810] =	vst v7;
	v6 =	vld [tilespmem:s29+$0x3830]  }
0x263: {  	[tilespmem:s29+$0xF810] =	vst v1;
	v1 =	vmul.f32 v4, v5;
	v4 =	vld [tilespmem:s29+$0x5830]  }
0x264: {  	v3 =	vmul.f32 v3, v5;
	v7 =	vld [tilespmem:s29+$0x7830]  }
0x265: {  	[tilespmem:s29+$0xB820] =	vst v1;
	v1 =	vmul.f32 v8, v5;
	v5 =	vld [tilespmem:s29+$0x9840]  }
0x266: {  	[tilespmem:s29+$0xD820] =	vst v3;
	v3 =	vld [tilespmem:s29+$0x3840]  }
0x267: {  	[tilespmem:s29+$0xF820] =	vst v1;
	v1 =	vmul.f32 v6, v2;
	v6 =	vld [tilespmem:s29+$0x5840]  }
0x268: {  	v4 =	vmul.f32 v4, v2;
	v8 =	vld [tilespmem:s29+$0x7840]  }
0x269: {  	[tilespmem:s29+$0xB830] =	vst v1;
	v1 =	vmul.f32 v7, v2;
	v7 =	vld [tilespmem:s29+$0x9850]  }
0x26a: {  	[tilespmem:s29+$0xD830] =	vst v4;
	v4 =	vld [tilespmem:s29+$0x3850]  }
0x26b: {  	[tilespmem:s29+$0xF830] =	vst v1;
	v1 =	vmul.f32 v3, v5;
	v3 =	vld [tilespmem:s29+$0x5850]  }
0x26c: {  	v6 =	vmul.f32 v6, v5;
	v9 =	vld [tilespmem:s29+$0x7850]  }
0x26d: {  	[tilespmem:s29+$0xB840] =	vst v1;
	v1 =	vmul.f32 v8, v5;
	v2 =	vld [tilespmem:s29+$0x9860]  }
0x26e: {  	[tilespmem:s29+$0xD840] =	vst v6;
	v8 =	vld [tilespmem:s29+$0x3860]  }
.Ltmp3:
0x26f: {  	[tilespmem:s29+$0xF840] =	vst v1;
	v1 =	vmul.f32 v4, v7;
	v6 =	vld [tilespmem:s29+$0x5860];
	(pc) =	sbr.rel @p0 .LBB2_9-.Ltmp3, $4  }
0x270: {  	v5 =	vmul.f32 v3, v7;
	v3 =	vld [tilespmem:s29+$0x7860]  }
0x271: {  	[tilespmem:s29+$0xB850] =	vst v1;
	v7 =	vmul.f32 v9, v7;
	v4 =	vld [tilespmem:s29+$0x3870]  }
0x272: {  	s30 =	sshra.s32 s26, $0x2;
	[tilespmem:s29+$0xD850] =	vst v5;
	v5 =	vld [tilespmem:s29+$0x5870]  }
0x273: {  	s26 =	sadd.s32 $0x200, s26;
	v1 =	vld [tilespmem:s30+$0x9870];
	[tilespmem:s29+$0xF850] =	vst v7;
	v7 =	vmul.f32 v8, v2  }
0x274: {  	v8 =	vld [tilespmem:s30+$0x7870];
	v6 =	vmul.f32 v6, v2  }
0x275: {  	v9 =	vld [tilespmem:s30+$0x9800];
	[tilespmem:s29+$0xB860] =	vst v7;
	v30 =	vmul.f32 v3, v2  }
0x276: {  	v7 =	vld [tilespmem:s30+$0x3800];
	[tilespmem:s29+$0xD860] =	vst v6;
	v4 =	vmul.f32 v4, v0  }
0x277: {  	v31 =	vld [tilespmem:s30+$0x5800];
	[tilespmem:s29+$0xF860] =	vst v30;
	v32 =	vmul.f32 v5, v0  }
0x278: {  	v2 =	vld [tilespmem:s30+$0x7800];
	[tilespmem:s29+$0xB870] =	vst v4  }
0x279: {  	v4 =	vld [tilespmem:s30+$0x9810];
	[tilespmem:s29+$0xD870] =	vst v32  }
0x27a: {  	v34 =	vld [tilespmem:s30+$0x3810]  }
0x27b: {  	v6 =	vld [tilespmem:s30+$0x5810]  }
0x27c: {  	v35 =	vld [tilespmem:s30+$0x7810]  }
0x27d: {  	v36 =	vld [tilespmem:s30+$0x9820]  }
0x27e: {  	v37 =	vld [tilespmem:s30+$0x3820]  }
0x27f: {  	v39 =	vld [tilespmem:s30+$0x5820]  }
0x280: {  	v33 =	vmul.f32 v8, v1;
	v40 =	vld [tilespmem:s30+$0x7820]  }
0x281: {  	v41 =	vld [tilespmem:s30+$0x9830];
	v7 =	vmul.f32 v7, v9  }
0x282: {  	v42 =	vld [tilespmem:s30+$0x3830];
	[tilespmem:s30+$0xF870] =	vst v33;
	v3 =	vmul.f32 v31, v9  }
0x283: {  	v44 =	vld [tilespmem:s30+$0x5830];
	[tilespmem:s30+$0xB800] =	vst v7;
	v2 =	vmul.f32 v2, v9  }
0x284: {  	v45 =	vld [tilespmem:s30+$0x7830];
	[tilespmem:s30+$0xD800] =	vst v3;
	v38 =	vmul.f32 v34, v4  }
0x285: {  	v46 =	vld [tilespmem:s30+$0x9840];
	[tilespmem:s30+$0xF800] =	vst v2;
	v6 =	vmul.f32 v6, v4  }
0x286: {  	v47 =	vld [tilespmem:s30+$0x3840];
	v0 =	vmul.f32 v35, v4;
	[tilespmem:s30+$0xB810] =	vst v38  }
0x287: {  	v50 =	vld [tilespmem:s30+$0x9850];
	v43 =	vmul.f32 v37, v36;
	[tilespmem:s30+$0xD810] =	vst v6  }
0x288: {  	v51 =	vld [tilespmem:s30+$0x3850];
	v5 =	vmul.f32 v39, v36;
	[tilespmem:s30+$0xF810] =	vst v0  }
0x289: {  	v55 =	vld [tilespmem:s30+$0x9860];
	v7 =	vmul.f32 v40, v36;
	[tilespmem:s30+$0xB820] =	vst v43  }
0x28a: {  	v56 =	vld [tilespmem:s30+$0x3860];
	v4 =	vmul.f32 v42, v41;
	[tilespmem:s30+$0xD820] =	vst v5  }
0x28b: {  	v61 =	vld [tilespmem:s30+$0x5870];
	v3 =	vmul.f32 v44, v41;
	[tilespmem:s30+$0xF820] =	vst v7  }
0x28c: {  	v48 =	vld [tilespmem:s30+$0x5840];
	v2 =	vmul.f32 v45, v41;
	[tilespmem:s30+$0xB830] =	vst v4  }
0x28d: {  	v49 =	vld [tilespmem:s30+$0x7840];
	v52 =	vmul.f32 v47, v46;
	[tilespmem:s30+$0xD830] =	vst v3  }
0x28e: {  	v53 =	vld [tilespmem:s30+$0x5850];
	v57 =	vmul.f32 v51, v50;
	[tilespmem:s30+$0xF830] =	vst v2  }
0x28f: {  	v54 =	vld [tilespmem:s30+$0x7850];
	v62 =	vmul.f32 v56, v55;
	[tilespmem:s30+$0xB840] =	vst v52  }
0x290: {  	v58 =	vld [tilespmem:s30+$0x5860];
	v63 =	vmul.f32 v61, v1;
	[tilespmem:s30+$0xB850] =	vst v57  }
0x291: {  	v59 =	vld [tilespmem:s30+$0x7860];
	v7 =	vmul.f32 v48, v46;
	[tilespmem:s30+$0xB860] =	vst v62  }
0x292: {  	v60 =	vld [tilespmem:s30+$0x3870];
	v0 =	vmul.f32 v49, v46;
	[tilespmem:s30+$0xD870] =	vst v63  }
0x293: {  	v5 =	vmul.f32 v53, v50;
	[tilespmem:s30+$0xD840] =	vst v7  }
0x294: {  	v4 =	vmul.f32 v54, v50;
	[tilespmem:s30+$0xF840] =	vst v0  }
0x295: {  	v3 =	vmul.f32 v58, v55;
	[tilespmem:s30+$0xD850] =	vst v5  }
0x296: {  	v2 =	vmul.f32 v59, v55;
	[tilespmem:s30+$0xF850] =	vst v4  }
0x297: {  	[tilespmem:s30+$0xD860] =	vst v3;
	v0 =	vmul.f32 v60, v1  }
0x298: {  	s14 =	sadd.s32 $0x1, s14;
	[tilespmem:s30+$0xF860] =	vst v2  }
0x299: {  	s1 =	simm.s32 $0xB800;
	p0 =	sne.s32 s14, $0x10;
	[tilespmem:s30+$0xB870] =	vst v0  }
0x29a: {  	[spmem:s3] =	stream.indirect.scatter.add.f32 [tilespmem:s1], [sflag:$0x8], $0x1, s25, s24, $0xb8;
	[tilespmem:$0x13000] =	vst v63  }
.Ltmp4:
0x29b: {  	_ = 	snop;
	(pc) =	sbr.rel @p0 .LBB2_2-.Ltmp4, $4  }
0x29c: {  	s30 =	simm.s32 $0xD800  }
0x29d: {  	[spmem:s4] =	stream.indirect.scatter.add.f32 [tilespmem:s30], [sflag:$0x8], $0x1, s25, s24, $0xb8;
	[tilespmem:$0x13000] =	vst v63  }
0x29e: {  	s31 =	simm.s32 $0xF800  }
0x29f: {  	[spmem:s5] =	stream.indirect.scatter.add.f32 [tilespmem:s31], [sflag:$0x8], $0x1, s25, s24, $0xb8;
	[tilespmem:$0x13000] =	vst v63  }
0x2a0: {  	s1 =	simm.s32 $0x7  }
0x2a1: {  	_ =	swait.ge [sflag:s1], $0x800  }
0x2a2: {  	[sflag:s1] =	ssyncset.done $0x0  }
0x2a3: {  	[sflag:s1] =	ssyncadd.s32 $0xFFFFF800  }
0x2a4: {  	_ =	swait.ge [sflag:s1], $0x800  }
0x2a5: {  	[sflag:s1] =	ssyncset.done $0x0  }
0x2a6: {  	[sflag:s1] =	ssyncadd.s32 $0xFFFFF800  }
0x2a7: {  	_ =	swait.ge [sflag:s1], $0x800  }
0x2a8: {  	[sflag:s1] =	ssyncset.done $0x0  }
0x2a9: {  	s14 =	simm.s32 $0x8;
	[sflag:s1] =	ssyncadd.s32 $0xFFFFF800  }
0x2aa: {  	_ =	swait.ge [sflag:s14], $0x800  }
0x2ab: {  	[sflag:s14] =	ssyncset.done $0x0  }
0x2ac: {  	[sflag:s14] =	ssyncadd.s32 $0xFFFFF800  }
0x2ad: {  	_ =	swait.ge [sflag:s14], $0x800  }
0x2ae: {  	[sflag:s14] =	ssyncset.done $0x0  }
0x2af: {  	[sflag:s14] =	ssyncadd.s32 $0xFFFFF800  }
0x2b0: {  	_ =	swait.ge [sflag:s14], $0x800  }
0x2b1: {  	[sflag:s14] =	ssyncset.done $0x0  }
0x2b2: {  	[sflag:s14] =	ssyncadd.s32 $0xFFFFF800  }
0x2b3: {  	[bflag:$0x0] =	sbarrier.arrive $0xFFFF  }
0x2b4: {  	s26 =	rddreg [dreg:$0x1b]  }
0x2b5: {  	s29 =	sld [smem:$0x7FA]  }
0x2b6: {  	s30 =	simm.s32 $0x10;
	s14 =	rddreg [dreg:$0x1c]  }
0x2b7: {  	s1 =	sadd.s32 s26, s14;
	s26 =	rddreg [dreg:$0xa];
	s14 =	simm.s32 $0x20  }
0x2b8: {  	[hbm:s1@s14], [sflag:s26] =	dma.strided [spmem:s29@s30], $0x200, s15, $0x10   }
0x2b9: {  	s29 =	simm.s32 $0x9  }
0x2ba: {  	_ =	swait.ge [sflag:s29], $0x200  }
0x2bb: {  	s31 =	sld [smem:$0x7FB]  }
0x2bc: {  	[sflag:s29] =	ssyncset.done $0x0  }
0x2bd: {  	s1 =	rddreg [dreg:$0x1e];
	[sflag:s29] =	ssyncadd.s32 $0xFFFFFE00  }
0x2be: {  	[hbm:s1@s14], [sflag:s26] =	dma.strided [spmem:s31@s30], $0x200, s15, $0x10   }
0x2bf: {  	_ =	swait.ge [sflag:s29], $0x200  }
0x2c0: {  	s31 =	sld [smem:$0x7FC]  }
0x2c1: {  	[sflag:s29] =	ssyncset.done $0x0  }
0x2c2: {  	s1 =	rddreg [dreg:$0x1f];
	[sflag:s29] =	ssyncadd.s32 $0xFFFFFE00  }
0x2c3: {  	[hbm:s1@s14], [sflag:s26] =	dma.strided [spmem:s31@s30], $0x200, s15, $0x10   }
0x2c4: {  	_ =	swait.ge [sflag:s29], $0x200  }
0x2c5: {  	s30 =	sld [smem:$0x7F9];
	_ =	sdelay $0x2  }
0x2c6: {  	s31 =	rddreg [dreg:$0x1d];
	s14 =	sadd.s32 $0x1, s30  }
0x2c7: {  	p0 =	sne.s32 s14, s31  }
.Ltmp5:
0x2c8: {  	_ = 	snop;
	(pc) =	sbr.rel @p0 .LBB2_1-.Ltmp5, $3  }
0x2c9: {  	_ =	sdelay $0x1  }
0x2ca: {  	[sflag:s29] =	ssyncset.done $0x0  }
0x2cb: {  	[sflag:s29] =	ssyncadd.s32 $0xFFFFFE00  }
0x2cc: {  	_ =	sfence.sel $0x180000  }
0x2cd: {  	[bflag:$0x0] =	sbarrier.arrive $0xFFFF  }
0x2ce: {  	_ =	strace $0x90000047  }
0x2cf: {  	s0 =	stileid.u32;
	[bflag:$0x2] =	sbarrier.arrive $0xFFFF  }
0x2d0: {  	p0 =	sne.s32 s0, $0x0;
	s0 =	rddreg [dreg:$0x7]  }
0x2d1: {  	s0 =	sadd.s32 @!p0 $0x100000, s0  }
0x2d2: {  	[sflag:s0] =	ssyncadd.tile.s32 @!p0 $0x1;
	_ =	shalt  }
.Lfunc_end2:
_tile_overlayer_lowered:
.L_overlay_start_2:
0x2d3: {  	(tag) =	ssettag $0x2  }
0x2d4: {  	s0 =	rddreg [dreg:$0x0];
	s2 =	stileid.u32  }
0x2d5: {  	s1 =	rddreg [dreg:$0x1];
	p0 =	sne.s32 s2, $0x0  }
0x2d6: {  	s3 =	rddreg [dreg:$0x2];
	[bflag:$0x3] =	sbarrier.arrive $0xFFFF;
	s2 =	simm.s32 @!p0 $0x1C0A  }
0x2d7: {  	[timem:s3], [sflag:s2] =	dma.local @!p0 [hbm:s0], s1  }
0x2d8: {  	s0 =	simm.s32 @!p0 $0xA  }
0x2d9: {  	_ =	swait.ge @!p0 [sflag:s0], s1  }
0x2da: {  	s1 =	ssub.s32 @!p0 $0x0, s1;
	[sflag:s0] =	ssyncset.done @!p0 $0x0  }
0x2db: {  	[sflag:s0] =	ssyncadd.s32 @!p0 s1  }
0x2dc: {  	[bflag:$0x3] =	sbarrier.arrive $0xFFFF  }
0x2dd: {  	_ =	shalt  }

</sc_bundles>
